<compile_context>
chip_gen: v7x
topology: tpu7x:2x2x1
jax: 0.10.2.dev20260603
libtpu: 0.0.44.dev20260713+nightly
codegen_flags: <defaults>
</compile_context>

<pallas_src>
import jax
import jax.numpy as jnp
from jax import lax
from jax.experimental import pallas as pl
from jax.experimental.pallas import tpu as pltpu
from jax.experimental.pallas import tpu_sc as plsc

NC = 2
NS = 16
NW = NC * NS
D = 128
K = 16
ROWS_PER_CHUNK = 8
IDX_PER_CHUNK = ROWS_PER_CHUNK * K
VPR = D // 16


NBUF = 2
CPS = 3


def _body(x_hbm, idx_hbm, out_hbm, idx_v, gat_v, out_v, sem0, sem1,
          osem0, osem1):
    wid = lax.axis_index("s") * NC + lax.axis_index("c")
    n_chunks = idx_hbm.shape[1]
    base_row = wid * (n_chunks * ROWS_PER_CHUNK)

    pltpu.sync_copy(idx_hbm.at[wid], idx_v)

    sems = (sem0, sem1)
    osems = (osem0, osem1)

    def start_gather(s, b, sem):
        for h in range(CPS):
            pltpu.async_copy(
                x_hbm.at[idx_v.at[CPS * s + h]],
                gat_v.at[b, pl.ds(h * IDX_PER_CHUNK, IDX_PER_CHUNK)], sem)

    def wait_gather(b, sem):
        pltpu.make_async_copy(x_hbm.at[pl.ds(0, CPS * IDX_PER_CHUNK)],
                              gat_v.at[b], sem).wait()

    start_gather(0, 0, sems[0])
    start_gather(1, 1, sems[1])

    ROWS_PER_SUPER = CPS * ROWS_PER_CHUNK
    n_super = n_chunks // CPS

    def compute_super(b):
        def row_step(r, _):
            base = r * K
            for v in range(VPR):
                col = pl.ds(v * 16, 16)
                acc = gat_v[b, base, col]
                for j in range(1, K):
                    acc = jnp.maximum(acc, gat_v[b, base + j, col])
                out_v[b, r, col] = acc
            return 0

        lax.fori_loop(0, ROWS_PER_SUPER, row_step, 0, unroll=False)

    n_out = out_hbm.shape[0]

    def wait_store(b):
        pltpu.make_async_copy(out_hbm.at[pl.ds(0, ROWS_PER_SUPER)],
                              out_v.at[b], osems[b]).wait()

    def step(g, _):
        for b in range(NBUF):
            s = g * NBUF + b
            sem = sems[b]
            wait_gather(b, sem)

            @pl.when(s >= NBUF)
            def _():
                wait_store(b)

            compute_super(b)
            next_s = s + NBUF

            @pl.when(next_s < n_super)
            def _():
                start_gather(next_s, b, sem)

            for h in range(CPS):
                row0 = jnp.minimum(
                    base_row + s * ROWS_PER_SUPER + h * ROWS_PER_CHUNK,
                    n_out - ROWS_PER_CHUNK)
                pltpu.async_copy(
                    out_v.at[b, pl.ds(h * ROWS_PER_CHUNK, ROWS_PER_CHUNK)],
                    out_hbm.at[pl.ds(row0, ROWS_PER_CHUNK)], osems[b])

        return 0

    lax.fori_loop(0, n_super // NBUF, step, 0, unroll=False)
    for b in range(NBUF):
        wait_store(b)


def kernel(x, pools):
    n2 = pools.shape[0]
    idx = pools.astype(jnp.int32)

    block = NW * ROWS_PER_CHUNK
    n_pad = ((n2 + block - 1) // block) * block
    rows_per_worker = n_pad // NW
    n_chunks = rows_per_worker // ROWS_PER_CHUNK
    while n_chunks % (CPS * NBUF) != 0:
        n_pad += block
        rows_per_worker = n_pad // NW
        n_chunks = rows_per_worker // ROWS_PER_CHUNK
    if n_pad != n2:
        tail = jnp.tile(idx[n2 - ROWS_PER_CHUNK:],
                        ((n_pad - n2) // ROWS_PER_CHUNK, 1))
        idx = jnp.concatenate([idx, tail], axis=0)

    idx_r = idx.reshape(NW, n_chunks, IDX_PER_CHUNK)

    mesh = plsc.VectorSubcoreMesh(core_axis_name="c", subcore_axis_name="s")
    run = pl.kernel(
        _body,
        out_type=jax.ShapeDtypeStruct((n2, D), jnp.float32),
        mesh=mesh,
        scratch_types=[
            pltpu.VMEM((n_chunks, IDX_PER_CHUNK), jnp.int32),
            pltpu.VMEM((NBUF, CPS * IDX_PER_CHUNK, D), jnp.float32),
            pltpu.VMEM((NBUF, CPS * ROWS_PER_CHUNK, D), jnp.float32),
            pltpu.SemaphoreType.DMA,
            pltpu.SemaphoreType.DMA,
            pltpu.SemaphoreType.DMA,
            pltpu.SemaphoreType.DMA,
        ],
    )
    return run(x, idx_r)

# --- scband reference (transcript-rebuilt; emitter-appended) ---
"""Pipeline reference for scband-max-pool-block-15942918603361 (READ-ONLY COPY).

The authoritative reference and input builder live on the scoring server;
editing this copy changes nothing except your own understanding.
"""

import jax, jax.numpy as jnp
import numpy as np


def setup_inputs(seed: int = 0) -> dict:
    key = jax.random.key(seed)
    k1, k2 = jax.random.split(key)
    x = jax.random.normal(k1, (100000, 128), dtype=jnp.float32)
    pools = jax.random.randint(k2, (25000, 16), 0, 100000, dtype=jnp.int64)
    return {"x": x, "pools": pools}


def reference(x, pools):
    # max_pool: append a shadow zero row, gather neighborhoods, max-reduce
    x_pad = jnp.concatenate([x, jnp.zeros_like(x[:1, :])], axis=0)  # [n1+1, d]
    pool_features = jnp.take(x_pad, pools, axis=0)  # [n2, max_num, d]
    max_features = jnp.max(pool_features, axis=1)  # [n2, d]
    return max_features

if __name__ == "__main__":
    import jax
    _d = setup_inputs()
    print(jax.jit(kernel)(*tuple(_d.values())))

</pallas_src>

<mosaic_0001>
#map = affine_map<(d0, d1) -> (0, 0)>
#map1 = affine_map<(d0, d1) -> (0, 0, 0)>
module attributes {stable_mosaic.version = 14 : i64} {
  func.func @_body(%arg0: i32, %arg1: i32, %arg2: memref<100000x128xf32, #tpu.memory_space<hbm>>, %arg3: memref<32x102x128xi32, #tpu.memory_space<hbm>>, %arg4: memref<25000x128xf32, #tpu.memory_space<hbm>>, %arg5: memref<102x128xi32, #tpu.memory_space<vmem>>, %arg6: memref<2x384x128xf32, #tpu.memory_space<vmem>>, %arg7: memref<2x24x128xf32, #tpu.memory_space<vmem>>, %arg8: memref<!tpu.dma_semaphore, #tpu.memory_space<semaphore_mem>>, %arg9: memref<!tpu.dma_semaphore, #tpu.memory_space<semaphore_mem>>, %arg10: memref<!tpu.dma_semaphore, #tpu.memory_space<semaphore_mem>>, %arg11: memref<!tpu.dma_semaphore, #tpu.memory_space<semaphore_mem>>) attributes {dimension_semantics = [#tpu.dimension_semantics<core_parallel>, #tpu.dimension_semantics<subcore_parallel>], iteration_bounds = array<i64: 2, 16>, scalar_prefetch = 0 : i64, scratch_operands = 7 : i64, tpu.core_type = #tpu.core_type<sc_vector_subcore>, window_params = [{transform_indices = #map}, {transform_indices = #map1}, {transform_indices = #map}]} {
    %mul3A = arith.constant 2 : i32
    %mul3A_0 = arith.muli %arg1, %mul3A : i32
    %add3A = arith.addi %mul3A_0, %arg0 : i32
    %mul3A_1 = arith.constant 816 : i32
    %mul3A_2 = arith.muli %add3A, %mul3A_1 : i32
    "tpu.region"() ({
      %run_scoped3A = tpu.sem_alloc : memref<!tpu.dma_semaphore, #tpu.memory_space<semaphore_mem>>
      %dma_start3A_109 = arith.constant 0 : i32
      %dma_start3A_110 = arith.constant 0 : i32
      %dma_start3A_111 = tpu.memref_slice %arg3[%add3A, %dma_start3A_109, %dma_start3A_110] : memref<32x102x128xi32, #tpu.memory_space<hbm>> -> memref<1x102x128xi32, #tpu.memory_space<hbm>>
      %dma_start3A_112 = tpu.memref_squeeze %dma_start3A_111 : memref<1x102x128xi32, #tpu.memory_space<hbm>> -> memref<102x128xi32, #tpu.memory_space<hbm>>
      %dma_start3A_113 = arith.constant 0 : i32
      %dma_start3A_114 = arith.constant 0 : i32
      %dma_start3A_115 = tpu.memref_slice %arg3[%add3A, %dma_start3A_113, %dma_start3A_114] : memref<32x102x128xi32, #tpu.memory_space<hbm>> -> memref<1x102x128xi32, #tpu.memory_space<hbm>>
      %dma_start3A_116 = tpu.memref_squeeze %dma_start3A_115 : memref<1x102x128xi32, #tpu.memory_space<hbm>> -> memref<102x128xi32, #tpu.memory_space<hbm>>
      tpu.enqueue_dma source(%dma_start3A_116 : memref<102x128xi32, #tpu.memory_space<hbm>>) target(%arg5 : memref<102x128xi32, #tpu.memory_space<vmem>>) target_semaphore(%run_scoped3A : memref<!tpu.dma_semaphore, #tpu.memory_space<semaphore_mem>>)
      %dma_wait3A_117 = arith.constant 0 : i32
      %dma_wait3A_118 = arith.constant 0 : i32
      %dma_wait3A_119 = tpu.memref_slice %arg3[%add3A, %dma_wait3A_117, %dma_wait3A_118] : memref<32x102x128xi32, #tpu.memory_space<hbm>> -> memref<1x102x128xi32, #tpu.memory_space<hbm>>
      %dma_wait3A_120 = tpu.memref_squeeze %dma_wait3A_119 : memref<1x102x128xi32, #tpu.memory_space<hbm>> -> memref<102x128xi32, #tpu.memory_space<hbm>>
      %dma_wait3A_121 = arith.constant 0 : i32
      %dma_wait3A_122 = arith.constant 0 : i32
      %dma_wait3A_123 = tpu.memref_slice %arg3[%add3A, %dma_wait3A_121, %dma_wait3A_122] : memref<32x102x128xi32, #tpu.memory_space<hbm>> -> memref<1x102x128xi32, #tpu.memory_space<hbm>>
      %dma_wait3A_124 = tpu.memref_squeeze %dma_wait3A_123 : memref<1x102x128xi32, #tpu.memory_space<hbm>> -> memref<102x128xi32, #tpu.memory_space<hbm>>
      tpu.wait_dma2 semaphore(%run_scoped3A : memref<!tpu.dma_semaphore, #tpu.memory_space<semaphore_mem>>) src(%dma_wait3A_124 : memref<102x128xi32, #tpu.memory_space<hbm>>) dst(%arg5 : memref<102x128xi32, #tpu.memory_space<vmem>>)
      tpu.yield
    }) : () -> ()
    %dma_start3A = arith.constant 0 : i32
    %dma_start3A_3 = arith.constant 0 : i32
    %dma_start3A_4 = arith.constant 0 : i32
    %dma_start3A_5 = arith.constant 0 : i32
    %dma_start3A_6 = tpu.memref_slice %arg6[%dma_start3A_3, %dma_start3A_4, %dma_start3A_5] : memref<2x384x128xf32, #tpu.memory_space<vmem>> -> memref<1x128x128xf32, #tpu.memory_space<vmem>>
    %dma_start3A_7 = tpu.memref_squeeze %dma_start3A_6 : memref<1x128x128xf32, #tpu.memory_space<vmem>> -> memref<128x128xf32, #tpu.memory_space<vmem>>
    %dma_start3A_8 = arith.constant 0 : i32
    %dma_start3A_9 = tpu.memref_slice %arg5[%dma_start3A, %dma_start3A_8] : memref<102x128xi32, #tpu.memory_space<vmem>> -> memref<1x128xi32, #tpu.memory_space<vmem>>
    %dma_start3A_10 = tpu.memref_squeeze %dma_start3A_9 : memref<1x128xi32, #tpu.memory_space<vmem>> -> memref<128xi32, #tpu.memory_space<vmem>>
    %dma_start3A_11 = arith.constant 0 : i32
    %dma_start3A_12 = arith.constant 0 : i32
    %dma_start3A_13 = tpu.memref_slice %arg2[%dma_start3A_11, %dma_start3A_12] : memref<100000x128xf32, #tpu.memory_space<hbm>> -> memref<100000x128xf32, #tpu.memory_space<hbm>>
    tpu.enqueue_indirect_dma source(%dma_start3A_13 : memref<100000x128xf32, #tpu.memory_space<hbm>>) target(%dma_start3A_7 : memref<128x128xf32, #tpu.memory_space<vmem>>) offsets(%dma_start3A_10 : memref<128xi32, #tpu.memory_space<vmem>>) semaphore(%arg8 : memref<!tpu.dma_semaphore, #tpu.memory_space<semaphore_mem>>)
    %dma_start3A_14 = arith.constant 1 : i32
    %dma_start3A_15 = arith.constant 0 : i32
    %dma_start3A_16 = arith.constant 128 : i32
    %dma_start3A_17 = arith.constant 0 : i32
    %dma_start3A_18 = tpu.memref_slice %arg6[%dma_start3A_15, %dma_start3A_16, %dma_start3A_17] : memref<2x384x128xf32, #tpu.memory_space<vmem>> -> memref<1x128x128xf32, #tpu.memory_space<vmem>>
    %dma_start3A_19 = tpu.memref_squeeze %dma_start3A_18 : memref<1x128x128xf32, #tpu.memory_space<vmem>> -> memref<128x128xf32, #tpu.memory_space<vmem>>
    %dma_start3A_20 = arith.constant 0 : i32
    %dma_start3A_21 = tpu.memref_slice %arg5[%dma_start3A_14, %dma_start3A_20] : memref<102x128xi32, #tpu.memory_space<vmem>> -> memref<1x128xi32, #tpu.memory_space<vmem>>
    %dma_start3A_22 = tpu.memref_squeeze %dma_start3A_21 : memref<1x128xi32, #tpu.memory_space<vmem>> -> memref<128xi32, #tpu.memory_space<vmem>>
    %dma_start3A_23 = arith.constant 0 : i32
    %dma_start3A_24 = arith.constant 0 : i32
    %dma_start3A_25 = tpu.memref_slice %arg2[%dma_start3A_23, %dma_start3A_24] : memref<100000x128xf32, #tpu.memory_space<hbm>> -> memref<100000x128xf32, #tpu.memory_space<hbm>>
    tpu.enqueue_indirect_dma source(%dma_start3A_25 : memref<100000x128xf32, #tpu.memory_space<hbm>>) target(%dma_start3A_19 : memref<128x128xf32, #tpu.memory_space<vmem>>) offsets(%dma_start3A_22 : memref<128xi32, #tpu.memory_space<vmem>>) semaphore(%arg8 : memref<!tpu.dma_semaphore, #tpu.memory_space<semaphore_mem>>)
    %dma_start3A_26 = arith.constant 2 : i32
    %dma_start3A_27 = arith.constant 0 : i32
    %dma_start3A_28 = arith.constant 256 : i32
    %dma_start3A_29 = arith.constant 0 : i32
    %dma_start3A_30 = tpu.memref_slice %arg6[%dma_start3A_27, %dma_start3A_28, %dma_start3A_29] : memref<2x384x128xf32, #tpu.memory_space<vmem>> -> memref<1x128x128xf32, #tpu.memory_space<vmem>>
    %dma_start3A_31 = tpu.memref_squeeze %dma_start3A_30 : memref<1x128x128xf32, #tpu.memory_space<vmem>> -> memref<128x128xf32, #tpu.memory_space<vmem>>
    %dma_start3A_32 = arith.constant 0 : i32
    %dma_start3A_33 = tpu.memref_slice %arg5[%dma_start3A_26, %dma_start3A_32] : memref<102x128xi32, #tpu.memory_space<vmem>> -> memref<1x128xi32, #tpu.memory_space<vmem>>
    %dma_start3A_34 = tpu.memref_squeeze %dma_start3A_33 : memref<1x128xi32, #tpu.memory_space<vmem>> -> memref<128xi32, #tpu.memory_space<vmem>>
    %dma_start3A_35 = arith.constant 0 : i32
    %dma_start3A_36 = arith.constant 0 : i32
    %dma_start3A_37 = tpu.memref_slice %arg2[%dma_start3A_35, %dma_start3A_36] : memref<100000x128xf32, #tpu.memory_space<hbm>> -> memref<100000x128xf32, #tpu.memory_space<hbm>>
    tpu.enqueue_indirect_dma source(%dma_start3A_37 : memref<100000x128xf32, #tpu.memory_space<hbm>>) target(%dma_start3A_31 : memref<128x128xf32, #tpu.memory_space<vmem>>) offsets(%dma_start3A_34 : memref<128xi32, #tpu.memory_space<vmem>>) semaphore(%arg8 : memref<!tpu.dma_semaphore, #tpu.memory_space<semaphore_mem>>)
    %dma_start3A_38 = arith.constant 3 : i32
    %dma_start3A_39 = arith.constant 1 : i32
    %dma_start3A_40 = arith.constant 0 : i32
    %dma_start3A_41 = arith.constant 0 : i32
    %dma_start3A_42 = tpu.memref_slice %arg6[%dma_start3A_39, %dma_start3A_40, %dma_start3A_41] : memref<2x384x128xf32, #tpu.memory_space<vmem>> -> memref<1x128x128xf32, #tpu.memory_space<vmem>>
    %dma_start3A_43 = tpu.memref_squeeze %dma_start3A_42 : memref<1x128x128xf32, #tpu.memory_space<vmem>> -> memref<128x128xf32, #tpu.memory_space<vmem>>
    %dma_start3A_44 = arith.constant 0 : i32
    %dma_start3A_45 = tpu.memref_slice %arg5[%dma_start3A_38, %dma_start3A_44] : memref<102x128xi32, #tpu.memory_space<vmem>> -> memref<1x128xi32, #tpu.memory_space<vmem>>
    %dma_start3A_46 = tpu.memref_squeeze %dma_start3A_45 : memref<1x128xi32, #tpu.memory_space<vmem>> -> memref<128xi32, #tpu.memory_space<vmem>>
    %dma_start3A_47 = arith.constant 0 : i32
    %dma_start3A_48 = arith.constant 0 : i32
    %dma_start3A_49 = tpu.memref_slice %arg2[%dma_start3A_47, %dma_start3A_48] : memref<100000x128xf32, #tpu.memory_space<hbm>> -> memref<100000x128xf32, #tpu.memory_space<hbm>>
    tpu.enqueue_indirect_dma source(%dma_start3A_49 : memref<100000x128xf32, #tpu.memory_space<hbm>>) target(%dma_start3A_43 : memref<128x128xf32, #tpu.memory_space<vmem>>) offsets(%dma_start3A_46 : memref<128xi32, #tpu.memory_space<vmem>>) semaphore(%arg9 : memref<!tpu.dma_semaphore, #tpu.memory_space<semaphore_mem>>)
    %dma_start3A_50 = arith.constant 4 : i32
    %dma_start3A_51 = arith.constant 1 : i32
    %dma_start3A_52 = arith.constant 128 : i32
    %dma_start3A_53 = arith.constant 0 : i32
    %dma_start3A_54 = tpu.memref_slice %arg6[%dma_start3A_51, %dma_start3A_52, %dma_start3A_53] : memref<2x384x128xf32, #tpu.memory_space<vmem>> -> memref<1x128x128xf32, #tpu.memory_space<vmem>>
    %dma_start3A_55 = tpu.memref_squeeze %dma_start3A_54 : memref<1x128x128xf32, #tpu.memory_space<vmem>> -> memref<128x128xf32, #tpu.memory_space<vmem>>
    %dma_start3A_56 = arith.constant 0 : i32
    %dma_start3A_57 = tpu.memref_slice %arg5[%dma_start3A_50, %dma_start3A_56] : memref<102x128xi32, #tpu.memory_space<vmem>> -> memref<1x128xi32, #tpu.memory_space<vmem>>
    %dma_start3A_58 = tpu.memref_squeeze %dma_start3A_57 : memref<1x128xi32, #tpu.memory_space<vmem>> -> memref<128xi32, #tpu.memory_space<vmem>>
    %dma_start3A_59 = arith.constant 0 : i32
    %dma_start3A_60 = arith.constant 0 : i32
    %dma_start3A_61 = tpu.memref_slice %arg2[%dma_start3A_59, %dma_start3A_60] : memref<100000x128xf32, #tpu.memory_space<hbm>> -> memref<100000x128xf32, #tpu.memory_space<hbm>>
    tpu.enqueue_indirect_dma source(%dma_start3A_61 : memref<100000x128xf32, #tpu.memory_space<hbm>>) target(%dma_start3A_55 : memref<128x128xf32, #tpu.memory_space<vmem>>) offsets(%dma_start3A_58 : memref<128xi32, #tpu.memory_space<vmem>>) semaphore(%arg9 : memref<!tpu.dma_semaphore, #tpu.memory_space<semaphore_mem>>)
    %dma_start3A_62 = arith.constant 5 : i32
    %dma_start3A_63 = arith.constant 1 : i32
    %dma_start3A_64 = arith.constant 256 : i32
    %dma_start3A_65 = arith.constant 0 : i32
    %dma_start3A_66 = tpu.memref_slice %arg6[%dma_start3A_63, %dma_start3A_64, %dma_start3A_65] : memref<2x384x128xf32, #tpu.memory_space<vmem>> -> memref<1x128x128xf32, #tpu.memory_space<vmem>>
    %dma_start3A_67 = tpu.memref_squeeze %dma_start3A_66 : memref<1x128x128xf32, #tpu.memory_space<vmem>> -> memref<128x128xf32, #tpu.memory_space<vmem>>
    %dma_start3A_68 = arith.constant 0 : i32
    %dma_start3A_69 = tpu.memref_slice %arg5[%dma_start3A_62, %dma_start3A_68] : memref<102x128xi32, #tpu.memory_space<vmem>> -> memref<1x128xi32, #tpu.memory_space<vmem>>
    %dma_start3A_70 = tpu.memref_squeeze %dma_start3A_69 : memref<1x128xi32, #tpu.memory_space<vmem>> -> memref<128xi32, #tpu.memory_space<vmem>>
    %dma_start3A_71 = arith.constant 0 : i32
    %dma_start3A_72 = arith.constant 0 : i32
    %dma_start3A_73 = tpu.memref_slice %arg2[%dma_start3A_71, %dma_start3A_72] : memref<100000x128xf32, #tpu.memory_space<hbm>> -> memref<100000x128xf32, #tpu.memory_space<hbm>>
    tpu.enqueue_indirect_dma source(%dma_start3A_73 : memref<100000x128xf32, #tpu.memory_space<hbm>>) target(%dma_start3A_67 : memref<128x128xf32, #tpu.memory_space<vmem>>) offsets(%dma_start3A_70 : memref<128xi32, #tpu.memory_space<vmem>>) semaphore(%arg9 : memref<!tpu.dma_semaphore, #tpu.memory_space<semaphore_mem>>)
    %scan3A = arith.constant 0 : i32
    %scan3A_74 = arith.constant 0 : i32
    %scan3A_75 = arith.constant 17 : i32
    %scan3A_76 = arith.addi %scan3A_74, %scan3A_75 : i32
    %scan3A_77 = arith.constant 1 : i32
    %scan3A_78 = scf.for %scan3A_109 = %scan3A_74 to %scan3A_76 step %scan3A_77 iter_args(%scan3A_110 = %scan3A) -> (i32)  : i32 {
      %mul3A_111 = arith.constant 2 : i32
      %mul3A_112 = arith.muli %scan3A_109, %mul3A_111 : i32
      %add3A_113 = arith.constant 0 : i32
      %add3A_114 = arith.addi %mul3A_112, %add3A_113 : i32
      %dma_wait3A_115 = arith.constant 0 : i32
      %dma_wait3A_116 = arith.constant 0 : i32
      %dma_wait3A_117 = arith.constant 0 : i32
      %dma_wait3A_118 = tpu.memref_slice %arg6[%dma_wait3A_115, %dma_wait3A_116, %dma_wait3A_117] : memref<2x384x128xf32, #tpu.memory_space<vmem>> -> memref<1x384x128xf32, #tpu.memory_space<vmem>>
      %dma_wait3A_119 = tpu.memref_squeeze %dma_wait3A_118 : memref<1x384x128xf32, #tpu.memory_space<vmem>> -> memref<384x128xf32, #tpu.memory_space<vmem>>
      %dma_wait3A_120 = arith.constant 0 : i32
      %dma_wait3A_121 = arith.constant 0 : i32
      %dma_wait3A_122 = tpu.memref_slice %arg2[%dma_wait3A_120, %dma_wait3A_121] : memref<100000x128xf32, #tpu.memory_space<hbm>> -> memref<384x128xf32, #tpu.memory_space<hbm>>
      %dma_wait3A_123 = arith.constant 0 : i32
      %dma_wait3A_124 = arith.constant 0 : i32
      %dma_wait3A_125 = tpu.memref_slice %arg6[%dma_wait3A_115, %dma_wait3A_123, %dma_wait3A_124] : memref<2x384x128xf32, #tpu.memory_space<vmem>> -> memref<1x384x128xf32, #tpu.memory_space<vmem>>
      %dma_wait3A_126 = tpu.memref_squeeze %dma_wait3A_125 : memref<1x384x128xf32, #tpu.memory_space<vmem>> -> memref<384x128xf32, #tpu.memory_space<vmem>>
      %dma_wait3A_127 = arith.constant 0 : i32
      %dma_wait3A_128 = arith.constant 0 : i32
      %dma_wait3A_129 = tpu.memref_slice %arg2[%dma_wait3A_127, %dma_wait3A_128] : memref<100000x128xf32, #tpu.memory_space<hbm>> -> memref<384x128xf32, #tpu.memory_space<hbm>>
      tpu.wait_dma2 semaphore(%arg8 : memref<!tpu.dma_semaphore, #tpu.memory_space<semaphore_mem>>) src(%dma_wait3A_129 : memref<384x128xf32, #tpu.memory_space<hbm>>) dst(%dma_wait3A_126 : memref<384x128xf32, #tpu.memory_space<vmem>>)
      %ge3A = arith.constant 2 : i32
      %ge3A_130 = arith.cmpi sge, %add3A_114, %ge3A : i32
      %convert_element_type3A = arith.extui %ge3A_130 : i1 to i32
      %cond3A = arith.constant 0 : i32
      %cond3A_131 = arith.cmpi ne, %convert_element_type3A, %cond3A : i32
      scf.if %cond3A_131 {
        %dma_wait3A_303 = arith.constant 0 : i32
        %dma_wait3A_304 = arith.constant 0 : i32
        %dma_wait3A_305 = arith.constant 0 : i32
        %dma_wait3A_306 = tpu.memref_slice %arg7[%dma_wait3A_303, %dma_wait3A_304, %dma_wait3A_305] : memref<2x24x128xf32, #tpu.memory_space<vmem>> -> memref<1x24x128xf32, #tpu.memory_space<vmem>>
        %dma_wait3A_307 = tpu.memref_squeeze %dma_wait3A_306 : memref<1x24x128xf32, #tpu.memory_space<vmem>> -> memref<24x128xf32, #tpu.memory_space<vmem>>
        %dma_wait3A_308 = arith.constant 0 : i32
        %dma_wait3A_309 = arith.constant 0 : i32
        %dma_wait3A_310 = tpu.memref_slice %arg4[%dma_wait3A_308, %dma_wait3A_309] : memref<25000x128xf32, #tpu.memory_space<hbm>> -> memref<24x128xf32, #tpu.memory_space<hbm>>
        %dma_wait3A_311 = arith.constant 0 : i32
        %dma_wait3A_312 = arith.constant 0 : i32
        %dma_wait3A_313 = tpu.memref_slice %arg7[%dma_wait3A_303, %dma_wait3A_311, %dma_wait3A_312] : memref<2x24x128xf32, #tpu.memory_space<vmem>> -> memref<1x24x128xf32, #tpu.memory_space<vmem>>
        %dma_wait3A_314 = tpu.memref_squeeze %dma_wait3A_313 : memref<1x24x128xf32, #tpu.memory_space<vmem>> -> memref<24x128xf32, #tpu.memory_space<vmem>>
        %dma_wait3A_315 = arith.constant 0 : i32
        %dma_wait3A_316 = arith.constant 0 : i32
        %dma_wait3A_317 = tpu.memref_slice %arg4[%dma_wait3A_315, %dma_wait3A_316] : memref<25000x128xf32, #tpu.memory_space<hbm>> -> memref<24x128xf32, #tpu.memory_space<hbm>>
        tpu.wait_dma2 semaphore(%arg10 : memref<!tpu.dma_semaphore, #tpu.memory_space<semaphore_mem>>) src(%dma_wait3A_317 : memref<24x128xf32, #tpu.memory_space<hbm>>) dst(%dma_wait3A_314 : memref<24x128xf32, #tpu.memory_space<vmem>>)
      } else {
      }
      %scan3A_132 = arith.constant 0 : i32
      %scan3A_133 = arith.constant 0 : i32
      %scan3A_134 = arith.constant 24 : i32
      %scan3A_135 = arith.addi %scan3A_133, %scan3A_134 : i32
      %scan3A_136 = arith.constant 1 : i32
      %scan3A_137 = scf.for %scan3A_303 = %scan3A_133 to %scan3A_135 step %scan3A_136 iter_args(%scan3A_304 = %scan3A_132) -> (i32)  : i32 {
        %mul3A_305 = arith.constant 16 : i32
        %mul3A_306 = arith.muli %scan3A_303, %mul3A_305 : i32
        %get3A = arith.constant 0 : i32
        %get3A_307 = arith.index_cast %get3A : i32 to index
        %get3A_308 = arith.index_cast %mul3A_306 : i32 to index
        %get3A_309 = arith.constant 0 : index
        %get3A_310 = tpu.vector_load %arg6[%get3A_307, %get3A_308, %get3A_309] {strides = array<i32>} : memref<2x384x128xf32, #tpu.memory_space<vmem>>, vector<1x1x16xf32>,
        %get3A_311 = vector.shape_cast %get3A_310 : vector<1x1x16xf32> to vector<16xf32>
        %add3A_312 = arith.constant 1 : i32
        %add3A_313 = arith.addi %mul3A_306, %add3A_312 : i32
        %get3A_314 = arith.constant 0 : i32
        %get3A_315 = arith.index_cast %get3A_314 : i32 to index
        %get3A_316 = arith.index_cast %add3A_313 : i32 to index
        %get3A_317 = arith.constant 0 : index
        %get3A_318 = tpu.vector_load %arg6[%get3A_315, %get3A_316, %get3A_317] {strides = array<i32>} : memref<2x384x128xf32, #tpu.memory_space<vmem>>, vector<1x1x16xf32>,
        %get3A_319 = vector.shape_cast %get3A_318 : vector<1x1x16xf32> to vector<16xf32>
        %max3A = arith.maximumf %get3A_311, %get3A_319 : vector<16xf32>
        %add3A_320 = arith.constant 2 : i32
        %add3A_321 = arith.addi %mul3A_306, %add3A_320 : i32
        %get3A_322 = arith.constant 0 : i32
        %get3A_323 = arith.index_cast %get3A_322 : i32 to index
        %get3A_324 = arith.index_cast %add3A_321 : i32 to index
        %get3A_325 = arith.constant 0 : index
        %get3A_326 = tpu.vector_load %arg6[%get3A_323, %get3A_324, %get3A_325] {strides = array<i32>} : memref<2x384x128xf32, #tpu.memory_space<vmem>>, vector<1x1x16xf32>,
        %get3A_327 = vector.shape_cast %get3A_326 : vector<1x1x16xf32> to vector<16xf32>
        %max3A_328 = arith.maximumf %max3A, %get3A_327 : vector<16xf32>
        %add3A_329 = arith.constant 3 : i32
        %add3A_330 = arith.addi %mul3A_306, %add3A_329 : i32
        %get3A_331 = arith.constant 0 : i32
        %get3A_332 = arith.index_cast %get3A_331 : i32 to index
        %get3A_333 = arith.index_cast %add3A_330 : i32 to index
        %get3A_334 = arith.constant 0 : index
        %get3A_335 = tpu.vector_load %arg6[%get3A_332, %get3A_333, %get3A_334] {strides = array<i32>} : memref<2x384x128xf32, #tpu.memory_space<vmem>>, vector<1x1x16xf32>,
        %get3A_336 = vector.shape_cast %get3A_335 : vector<1x1x16xf32> to vector<16xf32>
        %max3A_337 = arith.maximumf %max3A_328, %get3A_336 : vector<16xf32>
        %add3A_338 = arith.constant 4 : i32
        %add3A_339 = arith.addi %mul3A_306, %add3A_338 : i32
        %get3A_340 = arith.constant 0 : i32
        %get3A_341 = arith.index_cast %get3A_340 : i32 to index
        %get3A_342 = arith.index_cast %add3A_339 : i32 to index
        %get3A_343 = arith.constant 0 : index
        %get3A_344 = tpu.vector_load %arg6[%get3A_341, %get3A_342, %get3A_343] {strides = array<i32>} : memref<2x384x128xf32, #tpu.memory_space<vmem>>, vector<1x1x16xf32>,
        %get3A_345 = vector.shape_cast %get3A_344 : vector<1x1x16xf32> to vector<16xf32>
        %max3A_346 = arith.maximumf %max3A_337, %get3A_345 : vector<16xf32>
        %add3A_347 = arith.constant 5 : i32
        %add3A_348 = arith.addi %mul3A_306, %add3A_347 : i32
        %get3A_349 = arith.constant 0 : i32
        %get3A_350 = arith.index_cast %get3A_349 : i32 to index
        %get3A_351 = arith.index_cast %add3A_348 : i32 to index
        %get3A_352 = arith.constant 0 : index
        %get3A_353 = tpu.vector_load %arg6[%get3A_350, %get3A_351, %get3A_352] {strides = array<i32>} : memref<2x384x128xf32, #tpu.memory_space<vmem>>, vector<1x1x16xf32>,
        %get3A_354 = vector.shape_cast %get3A_353 : vector<1x1x16xf32> to vector<16xf32>
        %max3A_355 = arith.maximumf %max3A_346, %get3A_354 : vector<16xf32>
        %add3A_356 = arith.constant 6 : i32
        %add3A_357 = arith.addi %mul3A_306, %add3A_356 : i32
        %get3A_358 = arith.constant 0 : i32
        %get3A_359 = arith.index_cast %get3A_358 : i32 to index
        %get3A_360 = arith.index_cast %add3A_357 : i32 to index
        %get3A_361 = arith.constant 0 : index
        %get3A_362 = tpu.vector_load %arg6[%get3A_359, %get3A_360, %get3A_361] {strides = array<i32>} : memref<2x384x128xf32, #tpu.memory_space<vmem>>, vector<1x1x16xf32>,
        %get3A_363 = vector.shape_cast %get3A_362 : vector<1x1x16xf32> to vector<16xf32>
        %max3A_364 = arith.maximumf %max3A_355, %get3A_363 : vector<16xf32>
        %add3A_365 = arith.constant 7 : i32
        %add3A_366 = arith.addi %mul3A_306, %add3A_365 : i32
        %get3A_367 = arith.constant 0 : i32
        %get3A_368 = arith.index_cast %get3A_367 : i32 to index
        %get3A_369 = arith.index_cast %add3A_366 : i32 to index
        %get3A_370 = arith.constant 0 : index
        %get3A_371 = tpu.vector_load %arg6[%get3A_368, %get3A_369, %get3A_370] {strides = array<i32>} : memref<2x384x128xf32, #tpu.memory_space<vmem>>, vector<1x1x16xf32>,
        %get3A_372 = vector.shape_cast %get3A_371 : vector<1x1x16xf32> to vector<16xf32>
        %max3A_373 = arith.maximumf %max3A_364, %get3A_372 : vector<16xf32>
        %add3A_374 = arith.constant 8 : i32
        %add3A_375 = arith.addi %mul3A_306, %add3A_374 : i32
        %get3A_376 = arith.constant 0 : i32
        %get3A_377 = arith.index_cast %get3A_376 : i32 to index
        %get3A_378 = arith.index_cast %add3A_375 : i32 to index
        %get3A_379 = arith.constant 0 : index
        %get3A_380 = tpu.vector_load %arg6[%get3A_377, %get3A_378, %get3A_379] {strides = array<i32>} : memref<2x384x128xf32, #tpu.memory_space<vmem>>, vector<1x1x16xf32>,
        %get3A_381 = vector.shape_cast %get3A_380 : vector<1x1x16xf32> to vector<16xf32>
        %max3A_382 = arith.maximumf %max3A_373, %get3A_381 : vector<16xf32>
        %add3A_383 = arith.constant 9 : i32
        %add3A_384 = arith.addi %mul3A_306, %add3A_383 : i32
        %get3A_385 = arith.constant 0 : i32
        %get3A_386 = arith.index_cast %get3A_385 : i32 to index
        %get3A_387 = arith.index_cast %add3A_384 : i32 to index
        %get3A_388 = arith.constant 0 : index
        %get3A_389 = tpu.vector_load %arg6[%get3A_386, %get3A_387, %get3A_388] {strides = array<i32>} : memref<2x384x128xf32, #tpu.memory_space<vmem>>, vector<1x1x16xf32>,
        %get3A_390 = vector.shape_cast %get3A_389 : vector<1x1x16xf32> to vector<16xf32>
        %max3A_391 = arith.maximumf %max3A_382, %get3A_390 : vector<16xf32>
        %add3A_392 = arith.constant 10 : i32
        %add3A_393 = arith.addi %mul3A_306, %add3A_392 : i32
        %get3A_394 = arith.constant 0 : i32
        %get3A_395 = arith.index_cast %get3A_394 : i32 to index
        %get3A_396 = arith.index_cast %add3A_393 : i32 to index
        %get3A_397 = arith.constant 0 : index
        %get3A_398 = tpu.vector_load %arg6[%get3A_395, %get3A_396, %get3A_397] {strides = array<i32>} : memref<2x384x128xf32, #tpu.memory_space<vmem>>, vector<1x1x16xf32>,
        %get3A_399 = vector.shape_cast %get3A_398 : vector<1x1x16xf32> to vector<16xf32>
        %max3A_400 = arith.maximumf %max3A_391, %get3A_399 : vector<16xf32>
        %add3A_401 = arith.constant 11 : i32
        %add3A_402 = arith.addi %mul3A_306, %add3A_401 : i32
        %get3A_403 = arith.constant 0 : i32
        %get3A_404 = arith.index_cast %get3A_403 : i32 to index
        %get3A_405 = arith.index_cast %add3A_402 : i32 to index
        %get3A_406 = arith.constant 0 : index
        %get3A_407 = tpu.vector_load %arg6[%get3A_404, %get3A_405, %get3A_406] {strides = array<i32>} : memref<2x384x128xf32, #tpu.memory_space<vmem>>, vector<1x1x16xf32>,
        %get3A_408 = vector.shape_cast %get3A_407 : vector<1x1x16xf32> to vector<16xf32>
        %max3A_409 = arith.maximumf %max3A_400, %get3A_408 : vector<16xf32>
        %add3A_410 = arith.constant 12 : i32
        %add3A_411 = arith.addi %mul3A_306, %add3A_410 : i32
        %get3A_412 = arith.constant 0 : i32
        %get3A_413 = arith.index_cast %get3A_412 : i32 to index
        %get3A_414 = arith.index_cast %add3A_411 : i32 to index
        %get3A_415 = arith.constant 0 : index
        %get3A_416 = tpu.vector_load %arg6[%get3A_413, %get3A_414, %get3A_415] {strides = array<i32>} : memref<2x384x128xf32, #tpu.memory_space<vmem>>, vector<1x1x16xf32>,
        %get3A_417 = vector.shape_cast %get3A_416 : vector<1x1x16xf32> to vector<16xf32>
        %max3A_418 = arith.maximumf %max3A_409, %get3A_417 : vector<16xf32>
        %add3A_419 = arith.constant 13 : i32
        %add3A_420 = arith.addi %mul3A_306, %add3A_419 : i32
        %get3A_421 = arith.constant 0 : i32
        %get3A_422 = arith.index_cast %get3A_421 : i32 to index
        %get3A_423 = arith.index_cast %add3A_420 : i32 to index
        %get3A_424 = arith.constant 0 : index
        %get3A_425 = tpu.vector_load %arg6[%get3A_422, %get3A_423, %get3A_424] {strides = array<i32>} : memref<2x384x128xf32, #tpu.memory_space<vmem>>, vector<1x1x16xf32>,
        %get3A_426 = vector.shape_cast %get3A_425 : vector<1x1x16xf32> to vector<16xf32>
        %max3A_427 = arith.maximumf %max3A_418, %get3A_426 : vector<16xf32>
        %add3A_428 = arith.constant 14 : i32
        %add3A_429 = arith.addi %mul3A_306, %add3A_428 : i32
        %get3A_430 = arith.constant 0 : i32
        %get3A_431 = arith.index_cast %get3A_430 : i32 to index
        %get3A_432 = arith.index_cast %add3A_429 : i32 to index
        %get3A_433 = arith.constant 0 : index
        %get3A_434 = tpu.vector_load %arg6[%get3A_431, %get3A_432, %get3A_433] {strides = array<i32>} : memref<2x384x128xf32, #tpu.memory_space<vmem>>, vector<1x1x16xf32>,
        %get3A_435 = vector.shape_cast %get3A_434 : vector<1x1x16xf32> to vector<16xf32>
        %max3A_436 = arith.maximumf %max3A_427, %get3A_435 : vector<16xf32>
        %add3A_437 = arith.constant 15 : i32
        %add3A_438 = arith.addi %mul3A_306, %add3A_437 : i32
        %get3A_439 = arith.constant 0 : i32
        %get3A_440 = arith.index_cast %get3A_439 : i32 to index
        %get3A_441 = arith.index_cast %add3A_438 : i32 to index
        %get3A_442 = arith.constant 0 : index
        %get3A_443 = tpu.vector_load %arg6[%get3A_440, %get3A_441, %get3A_442] {strides = array<i32>} : memref<2x384x128xf32, #tpu.memory_space<vmem>>, vector<1x1x16xf32>,
        %get3A_444 = vector.shape_cast %get3A_443 : vector<1x1x16xf32> to vector<16xf32>
        %max3A_445 = arith.maximumf %max3A_436, %get3A_444 : vector<16xf32>
        %swap3A = arith.constant 0 : i32
        %swap3A_446 = arith.index_cast %swap3A : i32 to index
        %swap3A_447 = arith.index_cast %scan3A_303 : i32 to index
        %swap3A_448 = arith.constant 0 : index
        %swap3A_449 = tpu.vector_load %arg7[%swap3A_446, %swap3A_447, %swap3A_448] {strides = array<i32>} : memref<2x24x128xf32, #tpu.memory_space<vmem>>, vector<1x1x16xf32>,
        %swap3A_450 = vector.shape_cast %swap3A_449 : vector<1x1x16xf32> to vector<16xf32>
        %swap3A_451 = vector.shape_cast %max3A_445 : vector<16xf32> to vector<1x1x16xf32>
        tpu.vector_store %arg7[%swap3A_446, %swap3A_447, %swap3A_448], %swap3A_451 {strides = array<i32>} : memref<2x24x128xf32, #tpu.memory_space<vmem>>, vector<1x1x16xf32>,
        %get3A_452 = arith.constant 0 : i32
        %get3A_453 = arith.index_cast %get3A_452 : i32 to index
        %get3A_454 = arith.index_cast %mul3A_306 : i32 to index
        %get3A_455 = arith.constant 16 : index
        %get3A_456 = tpu.vector_load %arg6[%get3A_453, %get3A_454, %get3A_455] {strides = array<i32>} : memref<2x384x128xf32, #tpu.memory_space<vmem>>, vector<1x1x16xf32>,
        %get3A_457 = vector.shape_cast %get3A_456 : vector<1x1x16xf32> to vector<16xf32>
        %add3A_458 = arith.constant 1 : i32
        %add3A_459 = arith.addi %mul3A_306, %add3A_458 : i32
        %get3A_460 = arith.constant 0 : i32
        %get3A_461 = arith.index_cast %get3A_460 : i32 to index
        %get3A_462 = arith.index_cast %add3A_459 : i32 to index
        %get3A_463 = arith.constant 16 : index
        %get3A_464 = tpu.vector_load %arg6[%get3A_461, %get3A_462, %get3A_463] {strides = array<i32>} : memref<2x384x128xf32, #tpu.memory_space<vmem>>, vector<1x1x16xf32>,
        %get3A_465 = vector.shape_cast %get3A_464 : vector<1x1x16xf32> to vector<16xf32>
        %max3A_466 = arith.maximumf %get3A_457, %get3A_465 : vector<16xf32>
        %add3A_467 = arith.constant 2 : i32
        %add3A_468 = arith.addi %mul3A_306, %add3A_467 : i32
        %get3A_469 = arith.constant 0 : i32
        %get3A_470 = arith.index_cast %get3A_469 : i32 to index
        %get3A_471 = arith.index_cast %add3A_468 : i32 to index
        %get3A_472 = arith.constant 16 : index
        %get3A_473 = tpu.vector_load %arg6[%get3A_470, %get3A_471, %get3A_472] {strides = array<i32>} : memref<2x384x128xf32, #tpu.memory_space<vmem>>, vector<1x1x16xf32>,
        %get3A_474 = vector.shape_cast %get3A_473 : vector<1x1x16xf32> to vector<16xf32>
        %max3A_475 = arith.maximumf %max3A_466, %get3A_474 : vector<16xf32>
        %add3A_476 = arith.constant 3 : i32
        %add3A_477 = arith.addi %mul3A_306, %add3A_476 : i32
        %get3A_478 = arith.constant 0 : i32
        %get3A_479 = arith.index_cast %get3A_478 : i32 to index
        %get3A_480 = arith.index_cast %add3A_477 : i32 to index
        %get3A_481 = arith.constant 16 : index
        %get3A_482 = tpu.vector_load %arg6[%get3A_479, %get3A_480, %get3A_481] {strides = array<i32>} : memref<2x384x128xf32, #tpu.memory_space<vmem>>, vector<1x1x16xf32>,
        %get3A_483 = vector.shape_cast %get3A_482 : vector<1x1x16xf32> to vector<16xf32>
        %max3A_484 = arith.maximumf %max3A_475, %get3A_483 : vector<16xf32>
        %add3A_485 = arith.constant 4 : i32
        %add3A_486 = arith.addi %mul3A_306, %add3A_485 : i32
        %get3A_487 = arith.constant 0 : i32
        %get3A_488 = arith.index_cast %get3A_487 : i32 to index
        %get3A_489 = arith.index_cast %add3A_486 : i32 to index
        %get3A_490 = arith.constant 16 : index
        %get3A_491 = tpu.vector_load %arg6[%get3A_488, %get3A_489, %get3A_490] {strides = array<i32>} : memref<2x384x128xf32, #tpu.memory_space<vmem>>, vector<1x1x16xf32>,
        %get3A_492 = vector.shape_cast %get3A_491 : vector<1x1x16xf32> to vector<16xf32>
        %max3A_493 = arith.maximumf %max3A_484, %get3A_492 : vector<16xf32>
        %add3A_494 = arith.constant 5 : i32
        %add3A_495 = arith.addi %mul3A_306, %add3A_494 : i32
        %get3A_496 = arith.constant 0 : i32
        %get3A_497 = arith.index_cast %get3A_496 : i32 to index
        %get3A_498 = arith.index_cast %add3A_495 : i32 to index
        %get3A_499 = arith.constant 16 : index
        %get3A_500 = tpu.vector_load %arg6[%get3A_497, %get3A_498, %get3A_499] {strides = array<i32>} : memref<2x384x128xf32, #tpu.memory_space<vmem>>, vector<1x1x16xf32>,
        %get3A_501 = vector.shape_cast %get3A_500 : vector<1x1x16xf32> to vector<16xf32>
        %max3A_502 = arith.maximumf %max3A_493, %get3A_501 : vector<16xf32>
        %add3A_503 = arith.constant 6 : i32
        %add3A_504 = arith.addi %mul3A_306, %add3A_503 : i32
        %get3A_505 = arith.constant 0 : i32
        %get3A_506 = arith.index_cast %get3A_505 : i32 to index
        %get3A_507 = arith.index_cast %add3A_504 : i32 to index
        %get3A_508 = arith.constant 16 : index
        %get3A_509 = tpu.vector_load %arg6[%get3A_506, %get3A_507, %get3A_508] {strides = array<i32>} : memref<2x384x128xf32, #tpu.memory_space<vmem>>, vector<1x1x16xf32>,
        %get3A_510 = vector.shape_cast %get3A_509 : vector<1x1x16xf32> to vector<16xf32>
        %max3A_511 = arith.maximumf %max3A_502, %get3A_510 : vector<16xf32>
        %add3A_512 = arith.constant 7 : i32
        %add3A_513 = arith.addi %mul3A_306, %add3A_512 : i32
        %get3A_514 = arith.constant 0 : i32
        %get3A_515 = arith.index_cast %get3A_514 : i32 to index
        %get3A_516 = arith.index_cast %add3A_513 : i32 to index
        %get3A_517 = arith.constant 16 : index
        %get3A_518 = tpu.vector_load %arg6[%get3A_515, %get3A_516, %get3A_517] {strides = array<i32>} : memref<2x384x128xf32, #tpu.memory_space<vmem>>, vector<1x1x16xf32>,
        %get3A_519 = vector.shape_cast %get3A_518 : vector<1x1x16xf32> to vector<16xf32>
        %max3A_520 = arith.maximumf %max3A_511, %get3A_519 : vector<16xf32>
        %add3A_521 = arith.constant 8 : i32
        %add3A_522 = arith.addi %mul3A_306, %add3A_521 : i32
        %get3A_523 = arith.constant 0 : i32
        %get3A_524 = arith.index_cast %get3A_523 : i32 to index
        %get3A_525 = arith.index_cast %add3A_522 : i32 to index
        %get3A_526 = arith.constant 16 : index
        %get3A_527 = tpu.vector_load %arg6[%get3A_524, %get3A_525, %get3A_526] {strides = array<i32>} : memref<2x384x128xf32, #tpu.memory_space<vmem>>, vector<1x1x16xf32>,
        %get3A_528 = vector.shape_cast %get3A_527 : vector<1x1x16xf32> to vector<16xf32>
        %max3A_529 = arith.maximumf %max3A_520, %get3A_528 : vector<16xf32>
        %add3A_530 = arith.constant 9 : i32
        %add3A_531 = arith.addi %mul3A_306, %add3A_530 : i32
        %get3A_532 = arith.constant 0 : i32
        %get3A_533 = arith.index_cast %get3A_532 : i32 to index
        %get3A_534 = arith.index_cast %add3A_531 : i32 to index
        %get3A_535 = arith.constant 16 : index
        %get3A_536 = tpu.vector_load %arg6[%get3A_533, %get3A_534, %get3A_535] {strides = array<i32>} : memref<2x384x128xf32, #tpu.memory_space<vmem>>, vector<1x1x16xf32>,
        %get3A_537 = vector.shape_cast %get3A_536 : vector<1x1x16xf32> to vector<16xf32>
        %max3A_538 = arith.maximumf %max3A_529, %get3A_537 : vector<16xf32>
        %add3A_539 = arith.constant 10 : i32
        %add3A_540 = arith.addi %mul3A_306, %add3A_539 : i32
        %get3A_541 = arith.constant 0 : i32
        %get3A_542 = arith.index_cast %get3A_541 : i32 to index
        %get3A_543 = arith.index_cast %add3A_540 : i32 to index
        %get3A_544 = arith.constant 16 : index
        %get3A_545 = tpu.vector_load %arg6[%get3A_542, %get3A_543, %get3A_544] {strides = array<i32>} : memref<2x384x128xf32, #tpu.memory_space<vmem>>, vector<1x1x16xf32>,
        %get3A_546 = vector.shape_cast %get3A_545 : vector<1x1x16xf32> to vector<16xf32>
        %max3A_547 = arith.maximumf %max3A_538, %get3A_546 : vector<16xf32>
        %add3A_548 = arith.constant 11 : i32
        %add3A_549 = arith.addi %mul3A_306, %add3A_548 : i32
        %get3A_550 = arith.constant 0 : i32
        %get3A_551 = arith.index_cast %get3A_550 : i32 to index
        %get3A_552 = arith.index_cast %add3A_549 : i32 to index
        %get3A_553 = arith.constant 16 : index
        %get3A_554 = tpu.vector_load %arg6[%get3A_551, %get3A_552, %get3A_553] {strides = array<i32>} : memref<2x384x128xf32, #tpu.memory_space<vmem>>, vector<1x1x16xf32>,
        %get3A_555 = vector.shape_cast %get3A_554 : vector<1x1x16xf32> to vector<16xf32>
        %max3A_556 = arith.maximumf %max3A_547, %get3A_555 : vector<16xf32>
        %add3A_557 = arith.constant 12 : i32
        %add3A_558 = arith.addi %mul3A_306, %add3A_557 : i32
        %get3A_559 = arith.constant 0 : i32
        %get3A_560 = arith.index_cast %get3A_559 : i32 to index
        %get3A_561 = arith.index_cast %add3A_558 : i32 to index
        %get3A_562 = arith.constant 16 : index
        %get3A_563 = tpu.vector_load %arg6[%get3A_560, %get3A_561, %get3A_562] {strides = array<i32>} : memref<2x384x128xf32, #tpu.memory_space<vmem>>, vector<1x1x16xf32>,
        %get3A_564 = vector.shape_cast %get3A_563 : vector<1x1x16xf32> to vector<16xf32>
        %max3A_565 = arith.maximumf %max3A_556, %get3A_564 : vector<16xf32>
        %add3A_566 = arith.constant 13 : i32
        %add3A_567 = arith.addi %mul3A_306, %add3A_566 : i32
        %get3A_568 = arith.constant 0 : i32
        %get3A_569 = arith.index_cast %get3A_568 : i32 to index
        %get3A_570 = arith.index_cast %add3A_567 : i32 to index
        %get3A_571 = arith.constant 16 : index
        %get3A_572 = tpu.vector_load %arg6[%get3A_569, %get3A_570, %get3A_571] {strides = array<i32>} : memref<2x384x128xf32, #tpu.memory_space<vmem>>, vector<1x1x16xf32>,
        %get3A_573 = vector.shape_cast %get3A_572 : vector<1x1x16xf32> to vector<16xf32>
        %max3A_574 = arith.maximumf %max3A_565, %get3A_573 : vector<16xf32>
        %add3A_575 = arith.constant 14 : i32
        %add3A_576 = arith.addi %mul3A_306, %add3A_575 : i32
        %get3A_577 = arith.constant 0 : i32
        %get3A_578 = arith.index_cast %get3A_577 : i32 to index
        %get3A_579 = arith.index_cast %add3A_576 : i32 to index
        %get3A_580 = arith.constant 16 : index
        %get3A_581 = tpu.vector_load %arg6[%get3A_578, %get3A_579, %get3A_580] {strides = array<i32>} : memref<2x384x128xf32, #tpu.memory_space<vmem>>, vector<1x1x16xf32>,
        %get3A_582 = vector.shape_cast %get3A_581 : vector<1x1x16xf32> to vector<16xf32>
        %max3A_583 = arith.maximumf %max3A_574, %get3A_582 : vector<16xf32>
        %add3A_584 = arith.constant 15 : i32
        %add3A_585 = arith.addi %mul3A_306, %add3A_584 : i32
        %get3A_586 = arith.constant 0 : i32
        %get3A_587 = arith.index_cast %get3A_586 : i32 to index
        %get3A_588 = arith.index_cast %add3A_585 : i32 to index
        %get3A_589 = arith.constant 16 : index
        %get3A_590 = tpu.vector_load %arg6[%get3A_587, %get3A_588, %get3A_589] {strides = array<i32>} : memref<2x384x128xf32, #tpu.memory_space<vmem>>, vector<1x1x16xf32>,
        %get3A_591 = vector.shape_cast %get3A_590 : vector<1x1x16xf32> to vector<16xf32>
        %max3A_592 = arith.maximumf %max3A_583, %get3A_591 : vector<16xf32>
        %swap3A_593 = arith.constant 0 : i32
        %swap3A_594 = arith.index_cast %swap3A_593 : i32 to index
        %swap3A_595 = arith.index_cast %scan3A_303 : i32 to index
        %swap3A_596 = arith.constant 16 : index
        %swap3A_597 = tpu.vector_load %arg7[%swap3A_594, %swap3A_595, %swap3A_596] {strides = array<i32>} : memref<2x24x128xf32, #tpu.memory_space<vmem>>, vector<1x1x16xf32>,
        %swap3A_598 = vector.shape_cast %swap3A_597 : vector<1x1x16xf32> to vector<16xf32>
        %swap3A_599 = vector.shape_cast %max3A_592 : vector<16xf32> to vector<1x1x16xf32>
        tpu.vector_store %arg7[%swap3A_594, %swap3A_595, %swap3A_596], %swap3A_599 {strides = array<i32>} : memref<2x24x128xf32, #tpu.memory_space<vmem>>, vector<1x1x16xf32>,
        %get3A_600 = arith.constant 0 : i32
        %get3A_601 = arith.index_cast %get3A_600 : i32 to index
        %get3A_602 = arith.index_cast %mul3A_306 : i32 to index
        %get3A_603 = arith.constant 32 : index
        %get3A_604 = tpu.vector_load %arg6[%get3A_601, %get3A_602, %get3A_603] {strides = array<i32>} : memref<2x384x128xf32, #tpu.memory_space<vmem>>, vector<1x1x16xf32>,
        %get3A_605 = vector.shape_cast %get3A_604 : vector<1x1x16xf32> to vector<16xf32>
        %add3A_606 = arith.constant 1 : i32
        %add3A_607 = arith.addi %mul3A_306, %add3A_606 : i32
        %get3A_608 = arith.constant 0 : i32
        %get3A_609 = arith.index_cast %get3A_608 : i32 to index
        %get3A_610 = arith.index_cast %add3A_607 : i32 to index
        %get3A_611 = arith.constant 32 : index
        %get3A_612 = tpu.vector_load %arg6[%get3A_609, %get3A_610, %get3A_611] {strides = array<i32>} : memref<2x384x128xf32, #tpu.memory_space<vmem>>, vector<1x1x16xf32>,
        %get3A_613 = vector.shape_cast %get3A_612 : vector<1x1x16xf32> to vector<16xf32>
        %max3A_614 = arith.maximumf %get3A_605, %get3A_613 : vector<16xf32>
        %add3A_615 = arith.constant 2 : i32
        %add3A_616 = arith.addi %mul3A_306, %add3A_615 : i32
        %get3A_617 = arith.constant 0 : i32
        %get3A_618 = arith.index_cast %get3A_617 : i32 to index
        %get3A_619 = arith.index_cast %add3A_616 : i32 to index
        %get3A_620 = arith.constant 32 : index
        %get3A_621 = tpu.vector_load %arg6[%get3A_618, %get3A_619, %get3A_620] {strides = array<i32>} : memref<2x384x128xf32, #tpu.memory_space<vmem>>, vector<1x1x16xf32>,
        %get3A_622 = vector.shape_cast %get3A_621 : vector<1x1x16xf32> to vector<16xf32>
        %max3A_623 = arith.maximumf %max3A_614, %get3A_622 : vector<16xf32>
        %add3A_624 = arith.constant 3 : i32
        %add3A_625 = arith.addi %mul3A_306, %add3A_624 : i32
        %get3A_626 = arith.constant 0 : i32
        %get3A_627 = arith.index_cast %get3A_626 : i32 to index
        %get3A_628 = arith.index_cast %add3A_625 : i32 to index
        %get3A_629 = arith.constant 32 : index
        %get3A_630 = tpu.vector_load %arg6[%get3A_627, %get3A_628, %get3A_629] {strides = array<i32>} : memref<2x384x128xf32, #tpu.memory_space<vmem>>, vector<1x1x16xf32>,
        %get3A_631 = vector.shape_cast %get3A_630 : vector<1x1x16xf32> to vector<16xf32>
        %max3A_632 = arith.maximumf %max3A_623, %get3A_631 : vector<16xf32>
        %add3A_633 = arith.constant 4 : i32
        %add3A_634 = arith.addi %mul3A_306, %add3A_633 : i32
        %get3A_635 = arith.constant 0 : i32
        %get3A_636 = arith.index_cast %get3A_635 : i32 to index
        %get3A_637 = arith.index_cast %add3A_634 : i32 to index
        %get3A_638 = arith.constant 32 : index
        %get3A_639 = tpu.vector_load %arg6[%get3A_636, %get3A_637, %get3A_638] {strides = array<i32>} : memref<2x384x128xf32, #tpu.memory_space<vmem>>, vector<1x1x16xf32>,
        %get3A_640 = vector.shape_cast %get3A_639 : vector<1x1x16xf32> to vector<16xf32>
        %max3A_641 = arith.maximumf %max3A_632, %get3A_640 : vector<16xf32>
        %add3A_642 = arith.constant 5 : i32
        %add3A_643 = arith.addi %mul3A_306, %add3A_642 : i32
        %get3A_644 = arith.constant 0 : i32
        %get3A_645 = arith.index_cast %get3A_644 : i32 to index
        %get3A_646 = arith.index_cast %add3A_643 : i32 to index
        %get3A_647 = arith.constant 32 : index
        %get3A_648 = tpu.vector_load %arg6[%get3A_645, %get3A_646, %get3A_647] {strides = array<i32>} : memref<2x384x128xf32, #tpu.memory_space<vmem>>, vector<1x1x16xf32>,
        %get3A_649 = vector.shape_cast %get3A_648 : vector<1x1x16xf32> to vector<16xf32>
        %max3A_650 = arith.maximumf %max3A_641, %get3A_649 : vector<16xf32>
        %add3A_651 = arith.constant 6 : i32
        %add3A_652 = arith.addi %mul3A_306, %add3A_651 : i32
        %get3A_653 = arith.constant 0 : i32
        %get3A_654 = arith.index_cast %get3A_653 : i32 to index
        %get3A_655 = arith.index_cast %add3A_652 : i32 to index
        %get3A_656 = arith.constant 32 : index
        %get3A_657 = tpu.vector_load %arg6[%get3A_654, %get3A_655, %get3A_656] {strides = array<i32>} : memref<2x384x128xf32, #tpu.memory_space<vmem>>, vector<1x1x16xf32>,
        %get3A_658 = vector.shape_cast %get3A_657 : vector<1x1x16xf32> to vector<16xf32>
        %max3A_659 = arith.maximumf %max3A_650, %get3A_658 : vector<16xf32>
        %add3A_660 = arith.constant 7 : i32
        %add3A_661 = arith.addi %mul3A_306, %add3A_660 : i32
        %get3A_662 = arith.constant 0 : i32
        %get3A_663 = arith.index_cast %get3A_662 : i32 to index
        %get3A_664 = arith.index_cast %add3A_661 : i32 to index
        %get3A_665 = arith.constant 32 : index
        %get3A_666 = tpu.vector_load %arg6[%get3A_663, %get3A_664, %get3A_665] {strides = array<i32>} : memref<2x384x128xf32, #tpu.memory_space<vmem>>, vector<1x1x16xf32>,
        %get3A_667 = vector.shape_cast %get3A_666 : vector<1x1x16xf32> to vector<16xf32>
        %max3A_668 = arith.maximumf %max3A_659, %get3A_667 : vector<16xf32>
        %add3A_669 = arith.constant 8 : i32
        %add3A_670 = arith.addi %mul3A_306, %add3A_669 : i32
        %get3A_671 = arith.constant 0 : i32
        %get3A_672 = arith.index_cast %get3A_671 : i32 to index
        %get3A_673 = arith.index_cast %add3A_670 : i32 to index
        %get3A_674 = arith.constant 32 : index
        %get3A_675 = tpu.vector_load %arg6[%get3A_672, %get3A_673, %get3A_674] {strides = array<i32>} : memref<2x384x128xf32, #tpu.memory_space<vmem>>, vector<1x1x16xf32>,
        %get3A_676 = vector.shape_cast %get3A_675 : vector<1x1x16xf32> to vector<16xf32>
        %max3A_677 = arith.maximumf %max3A_668, %get3A_676 : vector<16xf32>
        %add3A_678 = arith.constant 9 : i32
        %add3A_679 = arith.addi %mul3A_306, %add3A_678 : i32
        %get3A_680 = arith.constant 0 : i32
        %get3A_681 = arith.index_cast %get3A_680 : i32 to index
        %get3A_682 = arith.index_cast %add3A_679 : i32 to index
        %get3A_683 = arith.constant 32 : index
        %get3A_684 = tpu.vector_load %arg6[%get3A_681, %get3A_682, %get3A_683] {strides = array<i32>} : memref<2x384x128xf32, #tpu.memory_space<vmem>>, vector<1x1x16xf32>,
        %get3A_685 = vector.shape_cast %get3A_684 : vector<1x1x16xf32> to vector<16xf32>
        %max3A_686 = arith.maximumf %max3A_677, %get3A_685 : vector<16xf32>
        %add3A_687 = arith.constant 10 : i32
        %add3A_688 = arith.addi %mul3A_306, %add3A_687 : i32
        %get3A_689 = arith.constant 0 : i32
        %get3A_690 = arith.index_cast %get3A_689 : i32 to index
        %get3A_691 = arith.index_cast %add3A_688 : i32 to index
        %get3A_692 = arith.constant 32 : index
        %get3A_693 = tpu.vector_load %arg6[%get3A_690, %get3A_691, %get3A_692] {strides = array<i32>} : memref<2x384x128xf32, #tpu.memory_space<vmem>>, vector<1x1x16xf32>,
        %get3A_694 = vector.shape_cast %get3A_693 : vector<1x1x16xf32> to vector<16xf32>
        %max3A_695 = arith.maximumf %max3A_686, %get3A_694 : vector<16xf32>
        %add3A_696 = arith.constant 11 : i32
        %add3A_697 = arith.addi %mul3A_306, %add3A_696 : i32
        %get3A_698 = arith.constant 0 : i32
        %get3A_699 = arith.index_cast %get3A_698 : i32 to index
        %get3A_700 = arith.index_cast %add3A_697 : i32 to index
        %get3A_701 = arith.constant 32 : index
        %get3A_702 = tpu.vector_load %arg6[%get3A_699, %get3A_700, %get3A_701] {strides = array<i32>} : memref<2x384x128xf32, #tpu.memory_space<vmem>>, vector<1x1x16xf32>,
        %get3A_703 = vector.shape_cast %get3A_702 : vector<1x1x16xf32> to vector<16xf32>
        %max3A_704 = arith.maximumf %max3A_695, %get3A_703 : vector<16xf32>
        %add3A_705 = arith.constant 12 : i32
        %add3A_706 = arith.addi %mul3A_306, %add3A_705 : i32
        %get3A_707 = arith.constant 0 : i32
        %get3A_708 = arith.index_cast %get3A_707 : i32 to index
        %get3A_709 = arith.index_cast %add3A_706 : i32 to index
        %get3A_710 = arith.constant 32 : index
        %get3A_711 = tpu.vector_load %arg6[%get3A_708, %get3A_709, %get3A_710] {strides = array<i32>} : memref<2x384x128xf32, #tpu.memory_space<vmem>>, vector<1x1x16xf32>,
        %get3A_712 = vector.shape_cast %get3A_711 : vector<1x1x16xf32> to vector<16xf32>
        %max3A_713 = arith.maximumf %max3A_704, %get3A_712 : vector<16xf32>
        %add3A_714 = arith.constant 13 : i32
        %add3A_715 = arith.addi %mul3A_306, %add3A_714 : i32
        %get3A_716 = arith.constant 0 : i32
        %get3A_717 = arith.index_cast %get3A_716 : i32 to index
        %get3A_718 = arith.index_cast %add3A_715 : i32 to index
        %get3A_719 = arith.constant 32 : index
        %get3A_720 = tpu.vector_load %arg6[%get3A_717, %get3A_718, %get3A_719] {strides = array<i32>} : memref<2x384x128xf32, #tpu.memory_space<vmem>>, vector<1x1x16xf32>,
        %get3A_721 = vector.shape_cast %get3A_720 : vector<1x1x16xf32> to vector<16xf32>
        %max3A_722 = arith.maximumf %max3A_713, %get3A_721 : vector<16xf32>
        %add3A_723 = arith.constant 14 : i32
        %add3A_724 = arith.addi %mul3A_306, %add3A_723 : i32
        %get3A_725 = arith.constant 0 : i32
        %get3A_726 = arith.index_cast %get3A_725 : i32 to index
        %get3A_727 = arith.index_cast %add3A_724 : i32 to index
        %get3A_728 = arith.constant 32 : index
        %get3A_729 = tpu.vector_load %arg6[%get3A_726, %get3A_727, %get3A_728] {strides = array<i32>} : memref<2x384x128xf32, #tpu.memory_space<vmem>>, vector<1x1x16xf32>,
        %get3A_730 = vector.shape_cast %get3A_729 : vector<1x1x16xf32> to vector<16xf32>
        %max3A_731 = arith.maximumf %max3A_722, %get3A_730 : vector<16xf32>
        %add3A_732 = arith.constant 15 : i32
        %add3A_733 = arith.addi %mul3A_306, %add3A_732 : i32
        %get3A_734 = arith.constant 0 : i32
        %get3A_735 = arith.index_cast %get3A_734 : i32 to index
        %get3A_736 = arith.index_cast %add3A_733 : i32 to index
        %get3A_737 = arith.constant 32 : index
        %get3A_738 = tpu.vector_load %arg6[%get3A_735, %get3A_736, %get3A_737] {strides = array<i32>} : memref<2x384x128xf32, #tpu.memory_space<vmem>>, vector<1x1x16xf32>,
        %get3A_739 = vector.shape_cast %get3A_738 : vector<1x1x16xf32> to vector<16xf32>
        %max3A_740 = arith.maximumf %max3A_731, %get3A_739 : vector<16xf32>
        %swap3A_741 = arith.constant 0 : i32
        %swap3A_742 = arith.index_cast %swap3A_741 : i32 to index
        %swap3A_743 = arith.index_cast %scan3A_303 : i32 to index
        %swap3A_744 = arith.constant 32 : index
        %swap3A_745 = tpu.vector_load %arg7[%swap3A_742, %swap3A_743, %swap3A_744] {strides = array<i32>} : memref<2x24x128xf32, #tpu.memory_space<vmem>>, vector<1x1x16xf32>,
        %swap3A_746 = vector.shape_cast %swap3A_745 : vector<1x1x16xf32> to vector<16xf32>
        %swap3A_747 = vector.shape_cast %max3A_740 : vector<16xf32> to vector<1x1x16xf32>
        tpu.vector_store %arg7[%swap3A_742, %swap3A_743, %swap3A_744], %swap3A_747 {strides = array<i32>} : memref<2x24x128xf32, #tpu.memory_space<vmem>>, vector<1x1x16xf32>,
        %get3A_748 = arith.constant 0 : i32
        %get3A_749 = arith.index_cast %get3A_748 : i32 to index
        %get3A_750 = arith.index_cast %mul3A_306 : i32 to index
        %get3A_751 = arith.constant 48 : index
        %get3A_752 = tpu.vector_load %arg6[%get3A_749, %get3A_750, %get3A_751] {strides = array<i32>} : memref<2x384x128xf32, #tpu.memory_space<vmem>>, vector<1x1x16xf32>,
        %get3A_753 = vector.shape_cast %get3A_752 : vector<1x1x16xf32> to vector<16xf32>
        %add3A_754 = arith.constant 1 : i32
        %add3A_755 = arith.addi %mul3A_306, %add3A_754 : i32
        %get3A_756 = arith.constant 0 : i32
        %get3A_757 = arith.index_cast %get3A_756 : i32 to index
        %get3A_758 = arith.index_cast %add3A_755 : i32 to index
        %get3A_759 = arith.constant 48 : index
        %get3A_760 = tpu.vector_load %arg6[%get3A_757, %get3A_758, %get3A_759] {strides = array<i32>} : memref<2x384x128xf32, #tpu.memory_space<vmem>>, vector<1x1x16xf32>,
        %get3A_761 = vector.shape_cast %get3A_760 : vector<1x1x16xf32> to vector<16xf32>
        %max3A_762 = arith.maximumf %get3A_753, %get3A_761 : vector<16xf32>
        %add3A_763 = arith.constant 2 : i32
        %add3A_764 = arith.addi %mul3A_306, %add3A_763 : i32
        %get3A_765 = arith.constant 0 : i32
        %get3A_766 = arith.index_cast %get3A_765 : i32 to index
        %get3A_767 = arith.index_cast %add3A_764 : i32 to index
        %get3A_768 = arith.constant 48 : index
        %get3A_769 = tpu.vector_load %arg6[%get3A_766, %get3A_767, %get3A_768] {strides = array<i32>} : memref<2x384x128xf32, #tpu.memory_space<vmem>>, vector<1x1x16xf32>,
        %get3A_770 = vector.shape_cast %get3A_769 : vector<1x1x16xf32> to vector<16xf32>
        %max3A_771 = arith.maximumf %max3A_762, %get3A_770 : vector<16xf32>
        %add3A_772 = arith.constant 3 : i32
        %add3A_773 = arith.addi %mul3A_306, %add3A_772 : i32
        %get3A_774 = arith.constant 0 : i32
        %get3A_775 = arith.index_cast %get3A_774 : i32 to index
        %get3A_776 = arith.index_cast %add3A_773 : i32 to index
        %get3A_777 = arith.constant 48 : index
        %get3A_778 = tpu.vector_load %arg6[%get3A_775, %get3A_776, %get3A_777] {strides = array<i32>} : memref<2x384x128xf32, #tpu.memory_space<vmem>>, vector<1x1x16xf32>,
        %get3A_779 = vector.shape_cast %get3A_778 : vector<1x1x16xf32> to vector<16xf32>
        %max3A_780 = arith.maximumf %max3A_771, %get3A_779 : vector<16xf32>
        %add3A_781 = arith.constant 4 : i32
        %add3A_782 = arith.addi %mul3A_306, %add3A_781 : i32
        %get3A_783 = arith.constant 0 : i32
        %get3A_784 = arith.index_cast %get3A_783 : i32 to index
        %get3A_785 = arith.index_cast %add3A_782 : i32 to index
        %get3A_786 = arith.constant 48 : index
        %get3A_787 = tpu.vector_load %arg6[%get3A_784, %get3A_785, %get3A_786] {strides = array<i32>} : memref<2x384x128xf32, #tpu.memory_space<vmem>>, vector<1x1x16xf32>,
        %get3A_788 = vector.shape_cast %get3A_787 : vector<1x1x16xf32> to vector<16xf32>
        %max3A_789 = arith.maximumf %max3A_780, %get3A_788 : vector<16xf32>
        %add3A_790 = arith.constant 5 : i32
        %add3A_791 = arith.addi %mul3A_306, %add3A_790 : i32
        %get3A_792 = arith.constant 0 : i32
        %get3A_793 = arith.index_cast %get3A_792 : i32 to index
        %get3A_794 = arith.index_cast %add3A_791 : i32 to index
        %get3A_795 = arith.constant 48 : index
        %get3A_796 = tpu.vector_load %arg6[%get3A_793, %get3A_794, %get3A_795] {strides = array<i32>} : memref<2x384x128xf32, #tpu.memory_space<vmem>>, vector<1x1x16xf32>,
        %get3A_797 = vector.shape_cast %get3A_796 : vector<1x1x16xf32> to vector<16xf32>
        %max3A_798 = arith.maximumf %max3A_789, %get3A_797 : vector<16xf32>
        %add3A_799 = arith.constant 6 : i32
        %add3A_800 = arith.addi %mul3A_306, %add3A_799 : i32
        %get3A_801 = arith.constant 0 : i32
        %get3A_802 = arith.index_cast %get3A_801 : i32 to index
        %get3A_803 = arith.index_cast %add3A_800 : i32 to index
        %get3A_804 = arith.constant 48 : index
        %get3A_805 = tpu.vector_load %arg6[%get3A_802, %get3A_803, %get3A_804] {strides = array<i32>} : memref<2x384x128xf32, #tpu.memory_space<vmem>>, vector<1x1x16xf32>,
        %get3A_806 = vector.shape_cast %get3A_805 : vector<1x1x16xf32> to vector<16xf32>
        %max3A_807 = arith.maximumf %max3A_798, %get3A_806 : vector<16xf32>
        %add3A_808 = arith.constant 7 : i32
        %add3A_809 = arith.addi %mul3A_306, %add3A_808 : i32
        %get3A_810 = arith.constant 0 : i32
        %get3A_811 = arith.index_cast %get3A_810 : i32 to index
        %get3A_812 = arith.index_cast %add3A_809 : i32 to index
        %get3A_813 = arith.constant 48 : index
        %get3A_814 = tpu.vector_load %arg6[%get3A_811, %get3A_812, %get3A_813] {strides = array<i32>} : memref<2x384x128xf32, #tpu.memory_space<vmem>>, vector<1x1x16xf32>,
        %get3A_815 = vector.shape_cast %get3A_814 : vector<1x1x16xf32> to vector<16xf32>
        %max3A_816 = arith.maximumf %max3A_807, %get3A_815 : vector<16xf32>
        %add3A_817 = arith.constant 8 : i32
        %add3A_818 = arith.addi %mul3A_306, %add3A_817 : i32
        %get3A_819 = arith.constant 0 : i32
        %get3A_820 = arith.index_cast %get3A_819 : i32 to index
        %get3A_821 = arith.index_cast %add3A_818 : i32 to index
        %get3A_822 = arith.constant 48 : index
        %get3A_823 = tpu.vector_load %arg6[%get3A_820, %get3A_821, %get3A_822] {strides = array<i32>} : memref<2x384x128xf32, #tpu.memory_space<vmem>>, vector<1x1x16xf32>,
        %get3A_824 = vector.shape_cast %get3A_823 : vector<1x1x16xf32> to vector<16xf32>
        %max3A_825 = arith.maximumf %max3A_816, %get3A_824 : vector<16xf32>
        %add3A_826 = arith.constant 9 : i32
        %add3A_827 = arith.addi %mul3A_306, %add3A_826 : i32
        %get3A_828 = arith.constant 0 : i32
        %get3A_829 = arith.index_cast %get3A_828 : i32 to index
        %get3A_830 = arith.index_cast %add3A_827 : i32 to index
        %get3A_831 = arith.constant 48 : index
        %get3A_832 = tpu.vector_load %arg6[%get3A_829, %get3A_830, %get3A_831] {strides = array<i32>} : memref<2x384x128xf32, #tpu.memory_space<vmem>>, vector<1x1x16xf32>,
        %get3A_833 = vector.shape_cast %get3A_832 : vector<1x1x16xf32> to vector<16xf32>
        %max3A_834 = arith.maximumf %max3A_825, %get3A_833 : vector<16xf32>
        %add3A_835 = arith.constant 10 : i32
        %add3A_836 = arith.addi %mul3A_306, %add3A_835 : i32
        %get3A_837 = arith.constant 0 : i32
        %get3A_838 = arith.index_cast %get3A_837 : i32 to index
        %get3A_839 = arith.index_cast %add3A_836 : i32 to index
        %get3A_840 = arith.constant 48 : index
        %get3A_841 = tpu.vector_load %arg6[%get3A_838, %get3A_839, %get3A_840] {strides = array<i32>} : memref<2x384x128xf32, #tpu.memory_space<vmem>>, vector<1x1x16xf32>,
        %get3A_842 = vector.shape_cast %get3A_841 : vector<1x1x16xf32> to vector<16xf32>
        %max3A_843 = arith.maximumf %max3A_834, %get3A_842 : vector<16xf32>
        %add3A_844 = arith.constant 11 : i32
        %add3A_845 = arith.addi %mul3A_306, %add3A_844 : i32
        %get3A_846 = arith.constant 0 : i32
        %get3A_847 = arith.index_cast %get3A_846 : i32 to index
        %get3A_848 = arith.index_cast %add3A_845 : i32 to index
        %get3A_849 = arith.constant 48 : index
        %get3A_850 = tpu.vector_load %arg6[%get3A_847, %get3A_848, %get3A_849] {strides = array<i32>} : memref<2x384x128xf32, #tpu.memory_space<vmem>>, vector<1x1x16xf32>,
        %get3A_851 = vector.shape_cast %get3A_850 : vector<1x1x16xf32> to vector<16xf32>
        %max3A_852 = arith.maximumf %max3A_843, %get3A_851 : vector<16xf32>
        %add3A_853 = arith.constant 12 : i32
        %add3A_854 = arith.addi %mul3A_306, %add3A_853 : i32
        %get3A_855 = arith.constant 0 : i32
        %get3A_856 = arith.index_cast %get3A_855 : i32 to index
        %get3A_857 = arith.index_cast %add3A_854 : i32 to index
        %get3A_858 = arith.constant 48 : index
        %get3A_859 = tpu.vector_load %arg6[%get3A_856, %get3A_857, %get3A_858] {strides = array<i32>} : memref<2x384x128xf32, #tpu.memory_space<vmem>>, vector<1x1x16xf32>,
        %get3A_860 = vector.shape_cast %get3A_859 : vector<1x1x16xf32> to vector<16xf32>
        %max3A_861 = arith.maximumf %max3A_852, %get3A_860 : vector<16xf32>
        %add3A_862 = arith.constant 13 : i32
        %add3A_863 = arith.addi %mul3A_306, %add3A_862 : i32
        %get3A_864 = arith.constant 0 : i32
        %get3A_865 = arith.index_cast %get3A_864 : i32 to index
        %get3A_866 = arith.index_cast %add3A_863 : i32 to index
        %get3A_867 = arith.constant 48 : index
        %get3A_868 = tpu.vector_load %arg6[%get3A_865, %get3A_866, %get3A_867] {strides = array<i32>} : memref<2x384x128xf32, #tpu.memory_space<vmem>>, vector<1x1x16xf32>,
        %get3A_869 = vector.shape_cast %get3A_868 : vector<1x1x16xf32> to vector<16xf32>
        %max3A_870 = arith.maximumf %max3A_861, %get3A_869 : vector<16xf32>
        %add3A_871 = arith.constant 14 : i32
        %add3A_872 = arith.addi %mul3A_306, %add3A_871 : i32
        %get3A_873 = arith.constant 0 : i32
        %get3A_874 = arith.index_cast %get3A_873 : i32 to index
        %get3A_875 = arith.index_cast %add3A_872 : i32 to index
        %get3A_876 = arith.constant 48 : index
        %get3A_877 = tpu.vector_load %arg6[%get3A_874, %get3A_875, %get3A_876] {strides = array<i32>} : memref<2x384x128xf32, #tpu.memory_space<vmem>>, vector<1x1x16xf32>,
        %get3A_878 = vector.shape_cast %get3A_877 : vector<1x1x16xf32> to vector<16xf32>
        %max3A_879 = arith.maximumf %max3A_870, %get3A_878 : vector<16xf32>
        %add3A_880 = arith.constant 15 : i32
        %add3A_881 = arith.addi %mul3A_306, %add3A_880 : i32
        %get3A_882 = arith.constant 0 : i32
        %get3A_883 = arith.index_cast %get3A_882 : i32 to index
        %get3A_884 = arith.index_cast %add3A_881 : i32 to index
        %get3A_885 = arith.constant 48 : index
        %get3A_886 = tpu.vector_load %arg6[%get3A_883, %get3A_884, %get3A_885] {strides = array<i32>} : memref<2x384x128xf32, #tpu.memory_space<vmem>>, vector<1x1x16xf32>,
        %get3A_887 = vector.shape_cast %get3A_886 : vector<1x1x16xf32> to vector<16xf32>
        %max3A_888 = arith.maximumf %max3A_879, %get3A_887 : vector<16xf32>
        %swap3A_889 = arith.constant 0 : i32
        %swap3A_890 = arith.index_cast %swap3A_889 : i32 to index
        %swap3A_891 = arith.index_cast %scan3A_303 : i32 to index
        %swap3A_892 = arith.constant 48 : index
        %swap3A_893 = tpu.vector_load %arg7[%swap3A_890, %swap3A_891, %swap3A_892] {strides = array<i32>} : memref<2x24x128xf32, #tpu.memory_space<vmem>>, vector<1x1x16xf32>,
        %swap3A_894 = vector.shape_cast %swap3A_893 : vector<1x1x16xf32> to vector<16xf32>
        %swap3A_895 = vector.shape_cast %max3A_888 : vector<16xf32> to vector<1x1x16xf32>
        tpu.vector_store %arg7[%swap3A_890, %swap3A_891, %swap3A_892], %swap3A_895 {strides = array<i32>} : memref<2x24x128xf32, #tpu.memory_space<vmem>>, vector<1x1x16xf32>,
        %get3A_896 = arith.constant 0 : i32
        %get3A_897 = arith.index_cast %get3A_896 : i32 to index
        %get3A_898 = arith.index_cast %mul3A_306 : i32 to index
        %get3A_899 = arith.constant 64 : index
        %get3A_900 = tpu.vector_load %arg6[%get3A_897, %get3A_898, %get3A_899] {strides = array<i32>} : memref<2x384x128xf32, #tpu.memory_space<vmem>>, vector<1x1x16xf32>,
        %get3A_901 = vector.shape_cast %get3A_900 : vector<1x1x16xf32> to vector<16xf32>
        %add3A_902 = arith.constant 1 : i32
        %add3A_903 = arith.addi %mul3A_306, %add3A_902 : i32
        %get3A_904 = arith.constant 0 : i32
        %get3A_905 = arith.index_cast %get3A_904 : i32 to index
        %get3A_906 = arith.index_cast %add3A_903 : i32 to index
        %get3A_907 = arith.constant 64 : index
        %get3A_908 = tpu.vector_load %arg6[%get3A_905, %get3A_906, %get3A_907] {strides = array<i32>} : memref<2x384x128xf32, #tpu.memory_space<vmem>>, vector<1x1x16xf32>,
        %get3A_909 = vector.shape_cast %get3A_908 : vector<1x1x16xf32> to vector<16xf32>
        %max3A_910 = arith.maximumf %get3A_901, %get3A_909 : vector<16xf32>
        %add3A_911 = arith.constant 2 : i32
        %add3A_912 = arith.addi %mul3A_306, %add3A_911 : i32
        %get3A_913 = arith.constant 0 : i32
        %get3A_914 = arith.index_cast %get3A_913 : i32 to index
        %get3A_915 = arith.index_cast %add3A_912 : i32 to index
        %get3A_916 = arith.constant 64 : index
        %get3A_917 = tpu.vector_load %arg6[%get3A_914, %get3A_915, %get3A_916] {strides = array<i32>} : memref<2x384x128xf32, #tpu.memory_space<vmem>>, vector<1x1x16xf32>,
        %get3A_918 = vector.shape_cast %get3A_917 : vector<1x1x16xf32> to vector<16xf32>
        %max3A_919 = arith.maximumf %max3A_910, %get3A_918 : vector<16xf32>
        %add3A_920 = arith.constant 3 : i32
        %add3A_921 = arith.addi %mul3A_306, %add3A_920 : i32
        %get3A_922 = arith.constant 0 : i32
        %get3A_923 = arith.index_cast %get3A_922 : i32 to index
        %get3A_924 = arith.index_cast %add3A_921 : i32 to index
        %get3A_925 = arith.constant 64 : index
        %get3A_926 = tpu.vector_load %arg6[%get3A_923, %get3A_924, %get3A_925] {strides = array<i32>} : memref<2x384x128xf32, #tpu.memory_space<vmem>>, vector<1x1x16xf32>,
        %get3A_927 = vector.shape_cast %get3A_926 : vector<1x1x16xf32> to vector<16xf32>
        %max3A_928 = arith.maximumf %max3A_919, %get3A_927 : vector<16xf32>
        %add3A_929 = arith.constant 4 : i32
        %add3A_930 = arith.addi %mul3A_306, %add3A_929 : i32
        %get3A_931 = arith.constant 0 : i32
        %get3A_932 = arith.index_cast %get3A_931 : i32 to index
        %get3A_933 = arith.index_cast %add3A_930 : i32 to index
        %get3A_934 = arith.constant 64 : index
        %get3A_935 = tpu.vector_load %arg6[%get3A_932, %get3A_933, %get3A_934] {strides = array<i32>} : memref<2x384x128xf32, #tpu.memory_space<vmem>>, vector<1x1x16xf32>,
        %get3A_936 = vector.shape_cast %get3A_935 : vector<1x1x16xf32> to vector<16xf32>
        %max3A_937 = arith.maximumf %max3A_928, %get3A_936 : vector<16xf32>
        %add3A_938 = arith.constant 5 : i32
        %add3A_939 = arith.addi %mul3A_306, %add3A_938 : i32
        %get3A_940 = arith.constant 0 : i32
        %get3A_941 = arith.index_cast %get3A_940 : i32 to index
        %get3A_942 = arith.index_cast %add3A_939 : i32 to index
        %get3A_943 = arith.constant 64 : index
        %get3A_944 = tpu.vector_load %arg6[%get3A_941, %get3A_942, %get3A_943] {strides = array<i32>} : memref<2x384x128xf32, #tpu.memory_space<vmem>>, vector<1x1x16xf32>,
        %get3A_945 = vector.shape_cast %get3A_944 : vector<1x1x16xf32> to vector<16xf32>
        %max3A_946 = arith.maximumf %max3A_937, %get3A_945 : vector<16xf32>
        %add3A_947 = arith.constant 6 : i32
        %add3A_948 = arith.addi %mul3A_306, %add3A_947 : i32
        %get3A_949 = arith.constant 0 : i32
        %get3A_950 = arith.index_cast %get3A_949 : i32 to index
        %get3A_951 = arith.index_cast %add3A_948 : i32 to index
        %get3A_952 = arith.constant 64 : index
        %get3A_953 = tpu.vector_load %arg6[%get3A_950, %get3A_951, %get3A_952] {strides = array<i32>} : memref<2x384x128xf32, #tpu.memory_space<vmem>>, vector<1x1x16xf32>,
        %get3A_954 = vector.shape_cast %get3A_953 : vector<1x1x16xf32> to vector<16xf32>
        %max3A_955 = arith.maximumf %max3A_946, %get3A_954 : vector<16xf32>
        %add3A_956 = arith.constant 7 : i32
        %add3A_957 = arith.addi %mul3A_306, %add3A_956 : i32
        %get3A_958 = arith.constant 0 : i32
        %get3A_959 = arith.index_cast %get3A_958 : i32 to index
        %get3A_960 = arith.index_cast %add3A_957 : i32 to index
        %get3A_961 = arith.constant 64 : index
        %get3A_962 = tpu.vector_load %arg6[%get3A_959, %get3A_960, %get3A_961] {strides = array<i32>} : memref<2x384x128xf32, #tpu.memory_space<vmem>>, vector<1x1x16xf32>,
        %get3A_963 = vector.shape_cast %get3A_962 : vector<1x1x16xf32> to vector<16xf32>
        %max3A_964 = arith.maximumf %max3A_955, %get3A_963 : vector<16xf32>
        %add3A_965 = arith.constant 8 : i32
        %add3A_966 = arith.addi %mul3A_306, %add3A_965 : i32
        %get3A_967 = arith.constant 0 : i32
        %get3A_968 = arith.index_cast %get3A_967 : i32 to index
        %get3A_969 = arith.index_cast %add3A_966 : i32 to index
        %get3A_970 = arith.constant 64 : index
        %get3A_971 = tpu.vector_load %arg6[%get3A_968, %get3A_969, %get3A_970] {strides = array<i32>} : memref<2x384x128xf32, #tpu.memory_space<vmem>>, vector<1x1x16xf32>,
        %get3A_972 = vector.shape_cast %get3A_971 : vector<1x1x16xf32> to vector<16xf32>
        %max3A_973 = arith.maximumf %max3A_964, %get3A_972 : vector<16xf32>
        %add3A_974 = arith.constant 9 : i32
        %add3A_975 = arith.addi %mul3A_306, %add3A_974 : i32
        %get3A_976 = arith.constant 0 : i32
        %get3A_977 = arith.index_cast %get3A_976 : i32 to index
        %get3A_978 = arith.index_cast %add3A_975 : i32 to index
        %get3A_979 = arith.constant 64 : index
        %get3A_980 = tpu.vector_load %arg6[%get3A_977, %get3A_978, %get3A_979] {strides = array<i32>} : memref<2x384x128xf32, #tpu.memory_space<vmem>>, vector<1x1x16xf32>,
        %get3A_981 = vector.shape_cast %get3A_980 : vector<1x1x16xf32> to vector<16xf32>
        %max3A_982 = arith.maximumf %max3A_973, %get3A_981 : vector<16xf32>
        %add3A_983 = arith.constant 10 : i32
        %add3A_984 = arith.addi %mul3A_306, %add3A_983 : i32
        %get3A_985 = arith.constant 0 : i32
        %get3A_986 = arith.index_cast %get3A_985 : i32 to index
        %get3A_987 = arith.index_cast %add3A_984 : i32 to index
        %get3A_988 = arith.constant 64 : index
        %get3A_989 = tpu.vector_load %arg6[%get3A_986, %get3A_987, %get3A_988] {strides = array<i32>} : memref<2x384x128xf32, #tpu.memory_space<vmem>>, vector<1x1x16xf32>,
        %get3A_990 = vector.shape_cast %get3A_989 : vector<1x1x16xf32> to vector<16xf32>
        %max3A_991 = arith.maximumf %max3A_982, %get3A_990 : vector<16xf32>
        %add3A_992 = arith.constant 11 : i32
        %add3A_993 = arith.addi %mul3A_306, %add3A_992 : i32
        %get3A_994 = arith.constant 0 : i32
        %get3A_995 = arith.index_cast %get3A_994 : i32 to index
        %get3A_996 = arith.index_cast %add3A_993 : i32 to index
        %get3A_997 = arith.constant 64 : index
        %get3A_998 = tpu.vector_load %arg6[%get3A_995, %get3A_996, %get3A_997] {strides = array<i32>} : memref<2x384x128xf32, #tpu.memory_space<vmem>>, vector<1x1x16xf32>,
        %get3A_999 = vector.shape_cast %get3A_998 : vector<1x1x16xf32> to vector<16xf32>
        %max3A_1000 = arith.maximumf %max3A_991, %get3A_999 : vector<16xf32>
        %add3A_1001 = arith.constant 12 : i32
        %add3A_1002 = arith.addi %mul3A_306, %add3A_1001 : i32
        %get3A_1003 = arith.constant 0 : i32
        %get3A_1004 = arith.index_cast %get3A_1003 : i32 to index
        %get3A_1005 = arith.index_cast %add3A_1002 : i32 to index
        %get3A_1006 = arith.constant 64 : index
        %get3A_1007 = tpu.vector_load %arg6[%get3A_1004, %get3A_1005, %get3A_1006] {strides = array<i32>} : memref<2x384x128xf32, #tpu.memory_space<vmem>>, vector<1x1x16xf32>,
        %get3A_1008 = vector.shape_cast %get3A_1007 : vector<1x1x16xf32> to vector<16xf32>
        %max3A_1009 = arith.maximumf %max3A_1000, %get3A_1008 : vector<16xf32>
        %add3A_1010 = arith.constant 13 : i32
        %add3A_1011 = arith.addi %mul3A_306, %add3A_1010 : i32
        %get3A_1012 = arith.constant 0 : i32
        %get3A_1013 = arith.index_cast %get3A_1012 : i32 to index
        %get3A_1014 = arith.index_cast %add3A_1011 : i32 to index
        %get3A_1015 = arith.constant 64 : index
        %get3A_1016 = tpu.vector_load %arg6[%get3A_1013, %get3A_1014, %get3A_1015] {strides = array<i32>} : memref<2x384x128xf32, #tpu.memory_space<vmem>>, vector<1x1x16xf32>,
        %get3A_1017 = vector.shape_cast %get3A_1016 : vector<1x1x16xf32> to vector<16xf32>
        %max3A_1018 = arith.maximumf %max3A_1009, %get3A_1017 : vector<16xf32>
        %add3A_1019 = arith.constant 14 : i32
        %add3A_1020 = arith.addi %mul3A_306, %add3A_1019 : i32
        %get3A_1021 = arith.constant 0 : i32
        %get3A_1022 = arith.index_cast %get3A_1021 : i32 to index
        %get3A_1023 = arith.index_cast %add3A_1020 : i32 to index
        %get3A_1024 = arith.constant 64 : index
        %get3A_1025 = tpu.vector_load %arg6[%get3A_1022, %get3A_1023, %get3A_1024] {strides = array<i32>} : memref<2x384x128xf32, #tpu.memory_space<vmem>>, vector<1x1x16xf32>,
        %get3A_1026 = vector.shape_cast %get3A_1025 : vector<1x1x16xf32> to vector<16xf32>
        %max3A_1027 = arith.maximumf %max3A_1018, %get3A_1026 : vector<16xf32>
        %add3A_1028 = arith.constant 15 : i32
        %add3A_1029 = arith.addi %mul3A_306, %add3A_1028 : i32
        %get3A_1030 = arith.constant 0 : i32
        %get3A_1031 = arith.index_cast %get3A_1030 : i32 to index
        %get3A_1032 = arith.index_cast %add3A_1029 : i32 to index
        %get3A_1033 = arith.constant 64 : index
        %get3A_1034 = tpu.vector_load %arg6[%get3A_1031, %get3A_1032, %get3A_1033] {strides = array<i32>} : memref<2x384x128xf32, #tpu.memory_space<vmem>>, vector<1x1x16xf32>,
        %get3A_1035 = vector.shape_cast %get3A_1034 : vector<1x1x16xf32> to vector<16xf32>
        %max3A_1036 = arith.maximumf %max3A_1027, %get3A_1035 : vector<16xf32>
        %swap3A_1037 = arith.constant 0 : i32
        %swap3A_1038 = arith.index_cast %swap3A_1037 : i32 to index
        %swap3A_1039 = arith.index_cast %scan3A_303 : i32 to index
        %swap3A_1040 = arith.constant 64 : index
        %swap3A_1041 = tpu.vector_load %arg7[%swap3A_1038, %swap3A_1039, %swap3A_1040] {strides = array<i32>} : memref<2x24x128xf32, #tpu.memory_space<vmem>>, vector<1x1x16xf32>,
        %swap3A_1042 = vector.shape_cast %swap3A_1041 : vector<1x1x16xf32> to vector<16xf32>
        %swap3A_1043 = vector.shape_cast %max3A_1036 : vector<16xf32> to vector<1x1x16xf32>
        tpu.vector_store %arg7[%swap3A_1038, %swap3A_1039, %swap3A_1040], %swap3A_1043 {strides = array<i32>} : memref<2x24x128xf32, #tpu.memory_space<vmem>>, vector<1x1x16xf32>,
        %get3A_1044 = arith.constant 0 : i32
        %get3A_1045 = arith.index_cast %get3A_1044 : i32 to index
        %get3A_1046 = arith.index_cast %mul3A_306 : i32 to index
        %get3A_1047 = arith.constant 80 : index
        %get3A_1048 = tpu.vector_load %arg6[%get3A_1045, %get3A_1046, %get3A_1047] {strides = array<i32>} : memref<2x384x128xf32, #tpu.memory_space<vmem>>, vector<1x1x16xf32>,
        %get3A_1049 = vector.shape_cast %get3A_1048 : vector<1x1x16xf32> to vector<16xf32>
        %add3A_1050 = arith.constant 1 : i32
        %add3A_1051 = arith.addi %mul3A_306, %add3A_1050 : i32
        %get3A_1052 = arith.constant 0 : i32
        %get3A_1053 = arith.index_cast %get3A_1052 : i32 to index
        %get3A_1054 = arith.index_cast %add3A_1051 : i32 to index
        %get3A_1055 = arith.constant 80 : index
        %get3A_1056 = tpu.vector_load %arg6[%get3A_1053, %get3A_1054, %get3A_1055] {strides = array<i32>} : memref<2x384x128xf32, #tpu.memory_space<vmem>>, vector<1x1x16xf32>,
        %get3A_1057 = vector.shape_cast %get3A_1056 : vector<1x1x16xf32> to vector<16xf32>
        %max3A_1058 = arith.maximumf %get3A_1049, %get3A_1057 : vector<16xf32>
        %add3A_1059 = arith.constant 2 : i32
        %add3A_1060 = arith.addi %mul3A_306, %add3A_1059 : i32
        %get3A_1061 = arith.constant 0 : i32
        %get3A_1062 = arith.index_cast %get3A_1061 : i32 to index
        %get3A_1063 = arith.index_cast %add3A_1060 : i32 to index
        %get3A_1064 = arith.constant 80 : index
        %get3A_1065 = tpu.vector_load %arg6[%get3A_1062, %get3A_1063, %get3A_1064] {strides = array<i32>} : memref<2x384x128xf32, #tpu.memory_space<vmem>>, vector<1x1x16xf32>,
        %get3A_1066 = vector.shape_cast %get3A_1065 : vector<1x1x16xf32> to vector<16xf32>
        %max3A_1067 = arith.maximumf %max3A_1058, %get3A_1066 : vector<16xf32>
        %add3A_1068 = arith.constant 3 : i32
        %add3A_1069 = arith.addi %mul3A_306, %add3A_1068 : i32
        %get3A_1070 = arith.constant 0 : i32
        %get3A_1071 = arith.index_cast %get3A_1070 : i32 to index
        %get3A_1072 = arith.index_cast %add3A_1069 : i32 to index
        %get3A_1073 = arith.constant 80 : index
        %get3A_1074 = tpu.vector_load %arg6[%get3A_1071, %get3A_1072, %get3A_1073] {strides = array<i32>} : memref<2x384x128xf32, #tpu.memory_space<vmem>>, vector<1x1x16xf32>,
        %get3A_1075 = vector.shape_cast %get3A_1074 : vector<1x1x16xf32> to vector<16xf32>
        %max3A_1076 = arith.maximumf %max3A_1067, %get3A_1075 : vector<16xf32>
        %add3A_1077 = arith.constant 4 : i32
        %add3A_1078 = arith.addi %mul3A_306, %add3A_1077 : i32
        %get3A_1079 = arith.constant 0 : i32
        %get3A_1080 = arith.index_cast %get3A_1079 : i32 to index
        %get3A_1081 = arith.index_cast %add3A_1078 : i32 to index
        %get3A_1082 = arith.constant 80 : index
        %get3A_1083 = tpu.vector_load %arg6[%get3A_1080, %get3A_1081, %get3A_1082] {strides = array<i32>} : memref<2x384x128xf32, #tpu.memory_space<vmem>>, vector<1x1x16xf32>,
        %get3A_1084 = vector.shape_cast %get3A_1083 : vector<1x1x16xf32> to vector<16xf32>
        %max3A_1085 = arith.maximumf %max3A_1076, %get3A_1084 : vector<16xf32>
        %add3A_1086 = arith.constant 5 : i32
        %add3A_1087 = arith.addi %mul3A_306, %add3A_1086 : i32
        %get3A_1088 = arith.constant 0 : i32
        %get3A_1089 = arith.index_cast %get3A_1088 : i32 to index
        %get3A_1090 = arith.index_cast %add3A_1087 : i32 to index
        %get3A_1091 = arith.constant 80 : index
        %get3A_1092 = tpu.vector_load %arg6[%get3A_1089, %get3A_1090, %get3A_1091] {strides = array<i32>} : memref<2x384x128xf32, #tpu.memory_space<vmem>>, vector<1x1x16xf32>,
        %get3A_1093 = vector.shape_cast %get3A_1092 : vector<1x1x16xf32> to vector<16xf32>
        %max3A_1094 = arith.maximumf %max3A_1085, %get3A_1093 : vector<16xf32>
        %add3A_1095 = arith.constant 6 : i32
        %add3A_1096 = arith.addi %mul3A_306, %add3A_1095 : i32
        %get3A_1097 = arith.constant 0 : i32
        %get3A_1098 = arith.index_cast %get3A_1097 : i32 to index
        %get3A_1099 = arith.index_cast %add3A_1096 : i32 to index
        %get3A_1100 = arith.constant 80 : index
        %get3A_1101 = tpu.vector_load %arg6[%get3A_1098, %get3A_1099, %get3A_1100] {strides = array<i32>} : memref<2x384x128xf32, #tpu.memory_space<vmem>>, vector<1x1x16xf32>,
        %get3A_1102 = vector.shape_cast %get3A_1101 : vector<1x1x16xf32> to vector<16xf32>
        %max3A_1103 = arith.maximumf %max3A_1094, %get3A_1102 : vector<16xf32>
        %add3A_1104 = arith.constant 7 : i32
        %add3A_1105 = arith.addi %mul3A_306, %add3A_1104 : i32
        %get3A_1106 = arith.constant 0 : i32
        %get3A_1107 = arith.index_cast %get3A_1106 : i32 to index
        %get3A_1108 = arith.index_cast %add3A_1105 : i32 to index
        %get3A_1109 = arith.constant 80 : index
        %get3A_1110 = tpu.vector_load %arg6[%get3A_1107, %get3A_1108, %get3A_1109] {strides = array<i32>} : memref<2x384x128xf32, #tpu.memory_space<vmem>>, vector<1x1x16xf32>,
        %get3A_1111 = vector.shape_cast %get3A_1110 : vector<1x1x16xf32> to vector<16xf32>
        %max3A_1112 = arith.maximumf %max3A_1103, %get3A_1111 : vector<16xf32>
        %add3A_1113 = arith.constant 8 : i32
        %add3A_1114 = arith.addi %mul3A_306, %add3A_1113 : i32
        %get3A_1115 = arith.constant 0 : i32
        %get3A_1116 = arith.index_cast %get3A_1115 : i32 to index
        %get3A_1117 = arith.index_cast %add3A_1114 : i32 to index
        %get3A_1118 = arith.constant 80 : index
        %get3A_1119 = tpu.vector_load %arg6[%get3A_1116, %get3A_1117, %get3A_1118] {strides = array<i32>} : memref<2x384x128xf32, #tpu.memory_space<vmem>>, vector<1x1x16xf32>,
        %get3A_1120 = vector.shape_cast %get3A_1119 : vector<1x1x16xf32> to vector<16xf32>
        %max3A_1121 = arith.maximumf %max3A_1112, %get3A_1120 : vector<16xf32>
        %add3A_1122 = arith.constant 9 : i32
        %add3A_1123 = arith.addi %mul3A_306, %add3A_1122 : i32
        %get3A_1124 = arith.constant 0 : i32
        %get3A_1125 = arith.index_cast %get3A_1124 : i32 to index
        %get3A_1126 = arith.index_cast %add3A_1123 : i32 to index
        %get3A_1127 = arith.constant 80 : index
        %get3A_1128 = tpu.vector_load %arg6[%get3A_1125, %get3A_1126, %get3A_1127] {strides = array<i32>} : memref<2x384x128xf32, #tpu.memory_space<vmem>>, vector<1x1x16xf32>,
        %get3A_1129 = vector.shape_cast %get3A_1128 : vector<1x1x16xf32> to vector<16xf32>
        %max3A_1130 = arith.maximumf %max3A_1121, %get3A_1129 : vector<16xf32>
        %add3A_1131 = arith.constant 10 : i32
        %add3A_1132 = arith.addi %mul3A_306, %add3A_1131 : i32
        %get3A_1133 = arith.constant 0 : i32
        %get3A_1134 = arith.index_cast %get3A_1133 : i32 to index
        %get3A_1135 = arith.index_cast %add3A_1132 : i32 to index
        %get3A_1136 = arith.constant 80 : index
        %get3A_1137 = tpu.vector_load %arg6[%get3A_1134, %get3A_1135, %get3A_1136] {strides = array<i32>} : memref<2x384x128xf32, #tpu.memory_space<vmem>>, vector<1x1x16xf32>,
        %get3A_1138 = vector.shape_cast %get3A_1137 : vector<1x1x16xf32> to vector<16xf32>
        %max3A_1139 = arith.maximumf %max3A_1130, %get3A_1138 : vector<16xf32>
        %add3A_1140 = arith.constant 11 : i32
        %add3A_1141 = arith.addi %mul3A_306, %add3A_1140 : i32
        %get3A_1142 = arith.constant 0 : i32
        %get3A_1143 = arith.index_cast %get3A_1142 : i32 to index
        %get3A_1144 = arith.index_cast %add3A_1141 : i32 to index
        %get3A_1145 = arith.constant 80 : index
        %get3A_1146 = tpu.vector_load %arg6[%get3A_1143, %get3A_1144, %get3A_1145] {strides = array<i32>} : memref<2x384x128xf32, #tpu.memory_space<vmem>>, vector<1x1x16xf32>,
        %get3A_1147 = vector.shape_cast %get3A_1146 : vector<1x1x16xf32> to vector<16xf32>
        %max3A_1148 = arith.maximumf %max3A_1139, %get3A_1147 : vector<16xf32>
        %add3A_1149 = arith.constant 12 : i32
        %add3A_1150 = arith.addi %mul3A_306, %add3A_1149 : i32
        %get3A_1151 = arith.constant 0 : i32
        %get3A_1152 = arith.index_cast %get3A_1151 : i32 to index
        %get3A_1153 = arith.index_cast %add3A_1150 : i32 to index
        %get3A_1154 = arith.constant 80 : index
        %get3A_1155 = tpu.vector_load %arg6[%get3A_1152, %get3A_1153, %get3A_1154] {strides = array<i32>} : memref<2x384x128xf32, #tpu.memory_space<vmem>>, vector<1x1x16xf32>,
        %get3A_1156 = vector.shape_cast %get3A_1155 : vector<1x1x16xf32> to vector<16xf32>
        %max3A_1157 = arith.maximumf %max3A_1148, %get3A_1156 : vector<16xf32>
        %add3A_1158 = arith.constant 13 : i32
        %add3A_1159 = arith.addi %mul3A_306, %add3A_1158 : i32
        %get3A_1160 = arith.constant 0 : i32
        %get3A_1161 = arith.index_cast %get3A_1160 : i32 to index
        %get3A_1162 = arith.index_cast %add3A_1159 : i32 to index
        %get3A_1163 = arith.constant 80 : index
        %get3A_1164 = tpu.vector_load %arg6[%get3A_1161, %get3A_1162, %get3A_1163] {strides = array<i32>} : memref<2x384x128xf32, #tpu.memory_space<vmem>>, vector<1x1x16xf32>,
        %get3A_1165 = vector.shape_cast %get3A_1164 : vector<1x1x16xf32> to vector<16xf32>
        %max3A_1166 = arith.maximumf %max3A_1157, %get3A_1165 : vector<16xf32>
        %add3A_1167 = arith.constant 14 : i32
        %add3A_1168 = arith.addi %mul3A_306, %add3A_1167 : i32
        %get3A_1169 = arith.constant 0 : i32
        %get3A_1170 = arith.index_cast %get3A_1169 : i32 to index
        %get3A_1171 = arith.index_cast %add3A_1168 : i32 to index
        %get3A_1172 = arith.constant 80 : index
        %get3A_1173 = tpu.vector_load %arg6[%get3A_1170, %get3A_1171, %get3A_1172] {strides = array<i32>} : memref<2x384x128xf32, #tpu.memory_space<vmem>>, vector<1x1x16xf32>,
        %get3A_1174 = vector.shape_cast %get3A_1173 : vector<1x1x16xf32> to vector<16xf32>
        %max3A_1175 = arith.maximumf %max3A_1166, %get3A_1174 : vector<16xf32>
        %add3A_1176 = arith.constant 15 : i32
        %add3A_1177 = arith.addi %mul3A_306, %add3A_1176 : i32
        %get3A_1178 = arith.constant 0 : i32
        %get3A_1179 = arith.index_cast %get3A_1178 : i32 to index
        %get3A_1180 = arith.index_cast %add3A_1177 : i32 to index
        %get3A_1181 = arith.constant 80 : index
        %get3A_1182 = tpu.vector_load %arg6[%get3A_1179, %get3A_1180, %get3A_1181] {strides = array<i32>} : memref<2x384x128xf32, #tpu.memory_space<vmem>>, vector<1x1x16xf32>,
        %get3A_1183 = vector.shape_cast %get3A_1182 : vector<1x1x16xf32> to vector<16xf32>
        %max3A_1184 = arith.maximumf %max3A_1175, %get3A_1183 : vector<16xf32>
        %swap3A_1185 = arith.constant 0 : i32
        %swap3A_1186 = arith.index_cast %swap3A_1185 : i32 to index
        %swap3A_1187 = arith.index_cast %scan3A_303 : i32 to index
        %swap3A_1188 = arith.constant 80 : index
        %swap3A_1189 = tpu.vector_load %arg7[%swap3A_1186, %swap3A_1187, %swap3A_1188] {strides = array<i32>} : memref<2x24x128xf32, #tpu.memory_space<vmem>>, vector<1x1x16xf32>,
        %swap3A_1190 = vector.shape_cast %swap3A_1189 : vector<1x1x16xf32> to vector<16xf32>
        %swap3A_1191 = vector.shape_cast %max3A_1184 : vector<16xf32> to vector<1x1x16xf32>
        tpu.vector_store %arg7[%swap3A_1186, %swap3A_1187, %swap3A_1188], %swap3A_1191 {strides = array<i32>} : memref<2x24x128xf32, #tpu.memory_space<vmem>>, vector<1x1x16xf32>,
        %get3A_1192 = arith.constant 0 : i32
        %get3A_1193 = arith.index_cast %get3A_1192 : i32 to index
        %get3A_1194 = arith.index_cast %mul3A_306 : i32 to index
        %get3A_1195 = arith.constant 96 : index
        %get3A_1196 = tpu.vector_load %arg6[%get3A_1193, %get3A_1194, %get3A_1195] {strides = array<i32>} : memref<2x384x128xf32, #tpu.memory_space<vmem>>, vector<1x1x16xf32>,
        %get3A_1197 = vector.shape_cast %get3A_1196 : vector<1x1x16xf32> to vector<16xf32>
        %add3A_1198 = arith.constant 1 : i32
        %add3A_1199 = arith.addi %mul3A_306, %add3A_1198 : i32
        %get3A_1200 = arith.constant 0 : i32
        %get3A_1201 = arith.index_cast %get3A_1200 : i32 to index
        %get3A_1202 = arith.index_cast %add3A_1199 : i32 to index
        %get3A_1203 = arith.constant 96 : index
        %get3A_1204 = tpu.vector_load %arg6[%get3A_1201, %get3A_1202, %get3A_1203] {strides = array<i32>} : memref<2x384x128xf32, #tpu.memory_space<vmem>>, vector<1x1x16xf32>,
        %get3A_1205 = vector.shape_cast %get3A_1204 : vector<1x1x16xf32> to vector<16xf32>
        %max3A_1206 = arith.maximumf %get3A_1197, %get3A_1205 : vector<16xf32>
        %add3A_1207 = arith.constant 2 : i32
        %add3A_1208 = arith.addi %mul3A_306, %add3A_1207 : i32
        %get3A_1209 = arith.constant 0 : i32
        %get3A_1210 = arith.index_cast %get3A_1209 : i32 to index
        %get3A_1211 = arith.index_cast %add3A_1208 : i32 to index
        %get3A_1212 = arith.constant 96 : index
        %get3A_1213 = tpu.vector_load %arg6[%get3A_1210, %get3A_1211, %get3A_1212] {strides = array<i32>} : memref<2x384x128xf32, #tpu.memory_space<vmem>>, vector<1x1x16xf32>,
        %get3A_1214 = vector.shape_cast %get3A_1213 : vector<1x1x16xf32> to vector<16xf32>
        %max3A_1215 = arith.maximumf %max3A_1206, %get3A_1214 : vector<16xf32>
        %add3A_1216 = arith.constant 3 : i32
        %add3A_1217 = arith.addi %mul3A_306, %add3A_1216 : i32
        %get3A_1218 = arith.constant 0 : i32
        %get3A_1219 = arith.index_cast %get3A_1218 : i32 to index
        %get3A_1220 = arith.index_cast %add3A_1217 : i32 to index
        %get3A_1221 = arith.constant 96 : index
        %get3A_1222 = tpu.vector_load %arg6[%get3A_1219, %get3A_1220, %get3A_1221] {strides = array<i32>} : memref<2x384x128xf32, #tpu.memory_space<vmem>>, vector<1x1x16xf32>,
        %get3A_1223 = vector.shape_cast %get3A_1222 : vector<1x1x16xf32> to vector<16xf32>
        %max3A_1224 = arith.maximumf %max3A_1215, %get3A_1223 : vector<16xf32>
        %add3A_1225 = arith.constant 4 : i32
        %add3A_1226 = arith.addi %mul3A_306, %add3A_1225 : i32
        %get3A_1227 = arith.constant 0 : i32
        %get3A_1228 = arith.index_cast %get3A_1227 : i32 to index
        %get3A_1229 = arith.index_cast %add3A_1226 : i32 to index
        %get3A_1230 = arith.constant 96 : index
        %get3A_1231 = tpu.vector_load %arg6[%get3A_1228, %get3A_1229, %get3A_1230] {strides = array<i32>} : memref<2x384x128xf32, #tpu.memory_space<vmem>>, vector<1x1x16xf32>,
        %get3A_1232 = vector.shape_cast %get3A_1231 : vector<1x1x16xf32> to vector<16xf32>
        %max3A_1233 = arith.maximumf %max3A_1224, %get3A_1232 : vector<16xf32>
        %add3A_1234 = arith.constant 5 : i32
        %add3A_1235 = arith.addi %mul3A_306, %add3A_1234 : i32
        %get3A_1236 = arith.constant 0 : i32
        %get3A_1237 = arith.index_cast %get3A_1236 : i32 to index
        %get3A_1238 = arith.index_cast %add3A_1235 : i32 to index
        %get3A_1239 = arith.constant 96 : index
        %get3A_1240 = tpu.vector_load %arg6[%get3A_1237, %get3A_1238, %get3A_1239] {strides = array<i32>} : memref<2x384x128xf32, #tpu.memory_space<vmem>>, vector<1x1x16xf32>,
        %get3A_1241 = vector.shape_cast %get3A_1240 : vector<1x1x16xf32> to vector<16xf32>
        %max3A_1242 = arith.maximumf %max3A_1233, %get3A_1241 : vector<16xf32>
        %add3A_1243 = arith.constant 6 : i32
        %add3A_1244 = arith.addi %mul3A_306, %add3A_1243 : i32
        %get3A_1245 = arith.constant 0 : i32
        %get3A_1246 = arith.index_cast %get3A_1245 : i32 to index
        %get3A_1247 = arith.index_cast %add3A_1244 : i32 to index
        %get3A_1248 = arith.constant 96 : index
        %get3A_1249 = tpu.vector_load %arg6[%get3A_1246, %get3A_1247, %get3A_1248] {strides = array<i32>} : memref<2x384x128xf32, #tpu.memory_space<vmem>>, vector<1x1x16xf32>,
        %get3A_1250 = vector.shape_cast %get3A_1249 : vector<1x1x16xf32> to vector<16xf32>
        %max3A_1251 = arith.maximumf %max3A_1242, %get3A_1250 : vector<16xf32>
        %add3A_1252 = arith.constant 7 : i32
        %add3A_1253 = arith.addi %mul3A_306, %add3A_1252 : i32
        %get3A_1254 = arith.constant 0 : i32
        %get3A_1255 = arith.index_cast %get3A_1254 : i32 to index
        %get3A_1256 = arith.index_cast %add3A_1253 : i32 to index
        %get3A_1257 = arith.constant 96 : index
        %get3A_1258 = tpu.vector_load %arg6[%get3A_1255, %get3A_1256, %get3A_1257] {strides = array<i32>} : memref<2x384x128xf32, #tpu.memory_space<vmem>>, vector<1x1x16xf32>,
        %get3A_1259 = vector.shape_cast %get3A_1258 : vector<1x1x16xf32> to vector<16xf32>
        %max3A_1260 = arith.maximumf %max3A_1251, %get3A_1259 : vector<16xf32>
        %add3A_1261 = arith.constant 8 : i32
        %add3A_1262 = arith.addi %mul3A_306, %add3A_1261 : i32
        %get3A_1263 = arith.constant 0 : i32
        %get3A_1264 = arith.index_cast %get3A_1263 : i32 to index
        %get3A_1265 = arith.index_cast %add3A_1262 : i32 to index
        %get3A_1266 = arith.constant 96 : index
        %get3A_1267 = tpu.vector_load %arg6[%get3A_1264, %get3A_1265, %get3A_1266] {strides = array<i32>} : memref<2x384x128xf32, #tpu.memory_space<vmem>>, vector<1x1x16xf32>,
        %get3A_1268 = vector.shape_cast %get3A_1267 : vector<1x1x16xf32> to vector<16xf32>
        %max3A_1269 = arith.maximumf %max3A_1260, %get3A_1268 : vector<16xf32>
        %add3A_1270 = arith.constant 9 : i32
        %add3A_1271 = arith.addi %mul3A_306, %add3A_1270 : i32
        %get3A_1272 = arith.constant 0 : i32
        %get3A_1273 = arith.index_cast %get3A_1272 : i32 to index
        %get3A_1274 = arith.index_cast %add3A_1271 : i32 to index
        %get3A_1275 = arith.constant 96 : index
        %get3A_1276 = tpu.vector_load %arg6[%get3A_1273, %get3A_1274, %get3A_1275] {strides = array<i32>} : memref<2x384x128xf32, #tpu.memory_space<vmem>>, vector<1x1x16xf32>,
        %get3A_1277 = vector.shape_cast %get3A_1276 : vector<1x1x16xf32> to vector<16xf32>
        %max3A_1278 = arith.maximumf %max3A_1269, %get3A_1277 : vector<16xf32>
        %add3A_1279 = arith.constant 10 : i32
        %add3A_1280 = arith.addi %mul3A_306, %add3A_1279 : i32
        %get3A_1281 = arith.constant 0 : i32
        %get3A_1282 = arith.index_cast %get3A_1281 : i32 to index
        %get3A_1283 = arith.index_cast %add3A_1280 : i32 to index
        %get3A_1284 = arith.constant 96 : index
        %get3A_1285 = tpu.vector_load %arg6[%get3A_1282, %get3A_1283, %get3A_1284] {strides = array<i32>} : memref<2x384x128xf32, #tpu.memory_space<vmem>>, vector<1x1x16xf32>,
        %get3A_1286 = vector.shape_cast %get3A_1285 : vector<1x1x16xf32> to vector<16xf32>
        %max3A_1287 = arith.maximumf %max3A_1278, %get3A_1286 : vector<16xf32>
        %add3A_1288 = arith.constant 11 : i32
        %add3A_1289 = arith.addi %mul3A_306, %add3A_1288 : i32
        %get3A_1290 = arith.constant 0 : i32
        %get3A_1291 = arith.index_cast %get3A_1290 : i32 to index
        %get3A_1292 = arith.index_cast %add3A_1289 : i32 to index
        %get3A_1293 = arith.constant 96 : index
        %get3A_1294 = tpu.vector_load %arg6[%get3A_1291, %get3A_1292, %get3A_1293] {strides = array<i32>} : memref<2x384x128xf32, #tpu.memory_space<vmem>>, vector<1x1x16xf32>,
        %get3A_1295 = vector.shape_cast %get3A_1294 : vector<1x1x16xf32> to vector<16xf32>
        %max3A_1296 = arith.maximumf %max3A_1287, %get3A_1295 : vector<16xf32>
        %add3A_1297 = arith.constant 12 : i32
        %add3A_1298 = arith.addi %mul3A_306, %add3A_1297 : i32
        %get3A_1299 = arith.constant 0 : i32
        %get3A_1300 = arith.index_cast %get3A_1299 : i32 to index
        %get3A_1301 = arith.index_cast %add3A_1298 : i32 to index
        %get3A_1302 = arith.constant 96 : index
        %get3A_1303 = tpu.vector_load %arg6[%get3A_1300, %get3A_1301, %get3A_1302] {strides = array<i32>} : memref<2x384x128xf32, #tpu.memory_space<vmem>>, vector<1x1x16xf32>,
        %get3A_1304 = vector.shape_cast %get3A_1303 : vector<1x1x16xf32> to vector<16xf32>
        %max3A_1305 = arith.maximumf %max3A_1296, %get3A_1304 : vector<16xf32>
        %add3A_1306 = arith.constant 13 : i32
        %add3A_1307 = arith.addi %mul3A_306, %add3A_1306 : i32
        %get3A_1308 = arith.constant 0 : i32
        %get3A_1309 = arith.index_cast %get3A_1308 : i32 to index
        %get3A_1310 = arith.index_cast %add3A_1307 : i32 to index
        %get3A_1311 = arith.constant 96 : index
        %get3A_1312 = tpu.vector_load %arg6[%get3A_1309, %get3A_1310, %get3A_1311] {strides = array<i32>} : memref<2x384x128xf32, #tpu.memory_space<vmem>>, vector<1x1x16xf32>,
        %get3A_1313 = vector.shape_cast %get3A_1312 : vector<1x1x16xf32> to vector<16xf32>
        %max3A_1314 = arith.maximumf %max3A_1305, %get3A_1313 : vector<16xf32>
        %add3A_1315 = arith.constant 14 : i32
        %add3A_1316 = arith.addi %mul3A_306, %add3A_1315 : i32
        %get3A_1317 = arith.constant 0 : i32
        %get3A_1318 = arith.index_cast %get3A_1317 : i32 to index
        %get3A_1319 = arith.index_cast %add3A_1316 : i32 to index
        %get3A_1320 = arith.constant 96 : index
        %get3A_1321 = tpu.vector_load %arg6[%get3A_1318, %get3A_1319, %get3A_1320] {strides = array<i32>} : memref<2x384x128xf32, #tpu.memory_space<vmem>>, vector<1x1x16xf32>,
        %get3A_1322 = vector.shape_cast %get3A_1321 : vector<1x1x16xf32> to vector<16xf32>
        %max3A_1323 = arith.maximumf %max3A_1314, %get3A_1322 : vector<16xf32>
        %add3A_1324 = arith.constant 15 : i32
        %add3A_1325 = arith.addi %mul3A_306, %add3A_1324 : i32
        %get3A_1326 = arith.constant 0 : i32
        %get3A_1327 = arith.index_cast %get3A_1326 : i32 to index
        %get3A_1328 = arith.index_cast %add3A_1325 : i32 to index
        %get3A_1329 = arith.constant 96 : index
        %get3A_1330 = tpu.vector_load %arg6[%get3A_1327, %get3A_1328, %get3A_1329] {strides = array<i32>} : memref<2x384x128xf32, #tpu.memory_space<vmem>>, vector<1x1x16xf32>,
        %get3A_1331 = vector.shape_cast %get3A_1330 : vector<1x1x16xf32> to vector<16xf32>
        %max3A_1332 = arith.maximumf %max3A_1323, %get3A_1331 : vector<16xf32>
        %swap3A_1333 = arith.constant 0 : i32
        %swap3A_1334 = arith.index_cast %swap3A_1333 : i32 to index
        %swap3A_1335 = arith.index_cast %scan3A_303 : i32 to index
        %swap3A_1336 = arith.constant 96 : index
        %swap3A_1337 = tpu.vector_load %arg7[%swap3A_1334, %swap3A_1335, %swap3A_1336] {strides = array<i32>} : memref<2x24x128xf32, #tpu.memory_space<vmem>>, vector<1x1x16xf32>,
        %swap3A_1338 = vector.shape_cast %swap3A_1337 : vector<1x1x16xf32> to vector<16xf32>
        %swap3A_1339 = vector.shape_cast %max3A_1332 : vector<16xf32> to vector<1x1x16xf32>
        tpu.vector_store %arg7[%swap3A_1334, %swap3A_1335, %swap3A_1336], %swap3A_1339 {strides = array<i32>} : memref<2x24x128xf32, #tpu.memory_space<vmem>>, vector<1x1x16xf32>,
        %get3A_1340 = arith.constant 0 : i32
        %get3A_1341 = arith.index_cast %get3A_1340 : i32 to index
        %get3A_1342 = arith.index_cast %mul3A_306 : i32 to index
        %get3A_1343 = arith.constant 112 : index
        %get3A_1344 = tpu.vector_load %arg6[%get3A_1341, %get3A_1342, %get3A_1343] {strides = array<i32>} : memref<2x384x128xf32, #tpu.memory_space<vmem>>, vector<1x1x16xf32>,
        %get3A_1345 = vector.shape_cast %get3A_1344 : vector<1x1x16xf32> to vector<16xf32>
        %add3A_1346 = arith.constant 1 : i32
        %add3A_1347 = arith.addi %mul3A_306, %add3A_1346 : i32
        %get3A_1348 = arith.constant 0 : i32
        %get3A_1349 = arith.index_cast %get3A_1348 : i32 to index
        %get3A_1350 = arith.index_cast %add3A_1347 : i32 to index
        %get3A_1351 = arith.constant 112 : index
        %get3A_1352 = tpu.vector_load %arg6[%get3A_1349, %get3A_1350, %get3A_1351] {strides = array<i32>} : memref<2x384x128xf32, #tpu.memory_space<vmem>>, vector<1x1x16xf32>,
        %get3A_1353 = vector.shape_cast %get3A_1352 : vector<1x1x16xf32> to vector<16xf32>
        %max3A_1354 = arith.maximumf %get3A_1345, %get3A_1353 : vector<16xf32>
        %add3A_1355 = arith.constant 2 : i32
        %add3A_1356 = arith.addi %mul3A_306, %add3A_1355 : i32
        %get3A_1357 = arith.constant 0 : i32
        %get3A_1358 = arith.index_cast %get3A_1357 : i32 to index
        %get3A_1359 = arith.index_cast %add3A_1356 : i32 to index
        %get3A_1360 = arith.constant 112 : index
        %get3A_1361 = tpu.vector_load %arg6[%get3A_1358, %get3A_1359, %get3A_1360] {strides = array<i32>} : memref<2x384x128xf32, #tpu.memory_space<vmem>>, vector<1x1x16xf32>,
        %get3A_1362 = vector.shape_cast %get3A_1361 : vector<1x1x16xf32> to vector<16xf32>
        %max3A_1363 = arith.maximumf %max3A_1354, %get3A_1362 : vector<16xf32>
        %add3A_1364 = arith.constant 3 : i32
        %add3A_1365 = arith.addi %mul3A_306, %add3A_1364 : i32
        %get3A_1366 = arith.constant 0 : i32
        %get3A_1367 = arith.index_cast %get3A_1366 : i32 to index
        %get3A_1368 = arith.index_cast %add3A_1365 : i32 to index
        %get3A_1369 = arith.constant 112 : index
        %get3A_1370 = tpu.vector_load %arg6[%get3A_1367, %get3A_1368, %get3A_1369] {strides = array<i32>} : memref<2x384x128xf32, #tpu.memory_space<vmem>>, vector<1x1x16xf32>,
        %get3A_1371 = vector.shape_cast %get3A_1370 : vector<1x1x16xf32> to vector<16xf32>
        %max3A_1372 = arith.maximumf %max3A_1363, %get3A_1371 : vector<16xf32>
        %add3A_1373 = arith.constant 4 : i32
        %add3A_1374 = arith.addi %mul3A_306, %add3A_1373 : i32
        %get3A_1375 = arith.constant 0 : i32
        %get3A_1376 = arith.index_cast %get3A_1375 : i32 to index
        %get3A_1377 = arith.index_cast %add3A_1374 : i32 to index
        %get3A_1378 = arith.constant 112 : index
        %get3A_1379 = tpu.vector_load %arg6[%get3A_1376, %get3A_1377, %get3A_1378] {strides = array<i32>} : memref<2x384x128xf32, #tpu.memory_space<vmem>>, vector<1x1x16xf32>,
        %get3A_1380 = vector.shape_cast %get3A_1379 : vector<1x1x16xf32> to vector<16xf32>
        %max3A_1381 = arith.maximumf %max3A_1372, %get3A_1380 : vector<16xf32>
        %add3A_1382 = arith.constant 5 : i32
        %add3A_1383 = arith.addi %mul3A_306, %add3A_1382 : i32
        %get3A_1384 = arith.constant 0 : i32
        %get3A_1385 = arith.index_cast %get3A_1384 : i32 to index
        %get3A_1386 = arith.index_cast %add3A_1383 : i32 to index
        %get3A_1387 = arith.constant 112 : index
        %get3A_1388 = tpu.vector_load %arg6[%get3A_1385, %get3A_1386, %get3A_1387] {strides = array<i32>} : memref<2x384x128xf32, #tpu.memory_space<vmem>>, vector<1x1x16xf32>,
        %get3A_1389 = vector.shape_cast %get3A_1388 : vector<1x1x16xf32> to vector<16xf32>
        %max3A_1390 = arith.maximumf %max3A_1381, %get3A_1389 : vector<16xf32>
        %add3A_1391 = arith.constant 6 : i32
        %add3A_1392 = arith.addi %mul3A_306, %add3A_1391 : i32
        %get3A_1393 = arith.constant 0 : i32
        %get3A_1394 = arith.index_cast %get3A_1393 : i32 to index
        %get3A_1395 = arith.index_cast %add3A_1392 : i32 to index
        %get3A_1396 = arith.constant 112 : index
        %get3A_1397 = tpu.vector_load %arg6[%get3A_1394, %get3A_1395, %get3A_1396] {strides = array<i32>} : memref<2x384x128xf32, #tpu.memory_space<vmem>>, vector<1x1x16xf32>,
        %get3A_1398 = vector.shape_cast %get3A_1397 : vector<1x1x16xf32> to vector<16xf32>
        %max3A_1399 = arith.maximumf %max3A_1390, %get3A_1398 : vector<16xf32>
        %add3A_1400 = arith.constant 7 : i32
        %add3A_1401 = arith.addi %mul3A_306, %add3A_1400 : i32
        %get3A_1402 = arith.constant 0 : i32
        %get3A_1403 = arith.index_cast %get3A_1402 : i32 to index
        %get3A_1404 = arith.index_cast %add3A_1401 : i32 to index
        %get3A_1405 = arith.constant 112 : index
        %get3A_1406 = tpu.vector_load %arg6[%get3A_1403, %get3A_1404, %get3A_1405] {strides = array<i32>} : memref<2x384x128xf32, #tpu.memory_space<vmem>>, vector<1x1x16xf32>,
        %get3A_1407 = vector.shape_cast %get3A_1406 : vector<1x1x16xf32> to vector<16xf32>
        %max3A_1408 = arith.maximumf %max3A_1399, %get3A_1407 : vector<16xf32>
        %add3A_1409 = arith.constant 8 : i32
        %add3A_1410 = arith.addi %mul3A_306, %add3A_1409 : i32
        %get3A_1411 = arith.constant 0 : i32
        %get3A_1412 = arith.index_cast %get3A_1411 : i32 to index
        %get3A_1413 = arith.index_cast %add3A_1410 : i32 to index
        %get3A_1414 = arith.constant 112 : index
        %get3A_1415 = tpu.vector_load %arg6[%get3A_1412, %get3A_1413, %get3A_1414] {strides = array<i32>} : memref<2x384x128xf32, #tpu.memory_space<vmem>>, vector<1x1x16xf32>,
        %get3A_1416 = vector.shape_cast %get3A_1415 : vector<1x1x16xf32> to vector<16xf32>
        %max3A_1417 = arith.maximumf %max3A_1408, %get3A_1416 : vector<16xf32>
        %add3A_1418 = arith.constant 9 : i32
        %add3A_1419 = arith.addi %mul3A_306, %add3A_1418 : i32
        %get3A_1420 = arith.constant 0 : i32
        %get3A_1421 = arith.index_cast %get3A_1420 : i32 to index
        %get3A_1422 = arith.index_cast %add3A_1419 : i32 to index
        %get3A_1423 = arith.constant 112 : index
        %get3A_1424 = tpu.vector_load %arg6[%get3A_1421, %get3A_1422, %get3A_1423] {strides = array<i32>} : memref<2x384x128xf32, #tpu.memory_space<vmem>>, vector<1x1x16xf32>,
        %get3A_1425 = vector.shape_cast %get3A_1424 : vector<1x1x16xf32> to vector<16xf32>
        %max3A_1426 = arith.maximumf %max3A_1417, %get3A_1425 : vector<16xf32>
        %add3A_1427 = arith.constant 10 : i32
        %add3A_1428 = arith.addi %mul3A_306, %add3A_1427 : i32
        %get3A_1429 = arith.constant 0 : i32
        %get3A_1430 = arith.index_cast %get3A_1429 : i32 to index
        %get3A_1431 = arith.index_cast %add3A_1428 : i32 to index
        %get3A_1432 = arith.constant 112 : index
        %get3A_1433 = tpu.vector_load %arg6[%get3A_1430, %get3A_1431, %get3A_1432] {strides = array<i32>} : memref<2x384x128xf32, #tpu.memory_space<vmem>>, vector<1x1x16xf32>,
        %get3A_1434 = vector.shape_cast %get3A_1433 : vector<1x1x16xf32> to vector<16xf32>
        %max3A_1435 = arith.maximumf %max3A_1426, %get3A_1434 : vector<16xf32>
        %add3A_1436 = arith.constant 11 : i32
        %add3A_1437 = arith.addi %mul3A_306, %add3A_1436 : i32
        %get3A_1438 = arith.constant 0 : i32
        %get3A_1439 = arith.index_cast %get3A_1438 : i32 to index
        %get3A_1440 = arith.index_cast %add3A_1437 : i32 to index
        %get3A_1441 = arith.constant 112 : index
        %get3A_1442 = tpu.vector_load %arg6[%get3A_1439, %get3A_1440, %get3A_1441] {strides = array<i32>} : memref<2x384x128xf32, #tpu.memory_space<vmem>>, vector<1x1x16xf32>,
        %get3A_1443 = vector.shape_cast %get3A_1442 : vector<1x1x16xf32> to vector<16xf32>
        %max3A_1444 = arith.maximumf %max3A_1435, %get3A_1443 : vector<16xf32>
        %add3A_1445 = arith.constant 12 : i32
        %add3A_1446 = arith.addi %mul3A_306, %add3A_1445 : i32
        %get3A_1447 = arith.constant 0 : i32
        %get3A_1448 = arith.index_cast %get3A_1447 : i32 to index
        %get3A_1449 = arith.index_cast %add3A_1446 : i32 to index
        %get3A_1450 = arith.constant 112 : index
        %get3A_1451 = tpu.vector_load %arg6[%get3A_1448, %get3A_1449, %get3A_1450] {strides = array<i32>} : memref<2x384x128xf32, #tpu.memory_space<vmem>>, vector<1x1x16xf32>,
        %get3A_1452 = vector.shape_cast %get3A_1451 : vector<1x1x16xf32> to vector<16xf32>
        %max3A_1453 = arith.maximumf %max3A_1444, %get3A_1452 : vector<16xf32>
        %add3A_1454 = arith.constant 13 : i32
        %add3A_1455 = arith.addi %mul3A_306, %add3A_1454 : i32
        %get3A_1456 = arith.constant 0 : i32
        %get3A_1457 = arith.index_cast %get3A_1456 : i32 to index
        %get3A_1458 = arith.index_cast %add3A_1455 : i32 to index
        %get3A_1459 = arith.constant 112 : index
        %get3A_1460 = tpu.vector_load %arg6[%get3A_1457, %get3A_1458, %get3A_1459] {strides = array<i32>} : memref<2x384x128xf32, #tpu.memory_space<vmem>>, vector<1x1x16xf32>,
        %get3A_1461 = vector.shape_cast %get3A_1460 : vector<1x1x16xf32> to vector<16xf32>
        %max3A_1462 = arith.maximumf %max3A_1453, %get3A_1461 : vector<16xf32>
        %add3A_1463 = arith.constant 14 : i32
        %add3A_1464 = arith.addi %mul3A_306, %add3A_1463 : i32
        %get3A_1465 = arith.constant 0 : i32
        %get3A_1466 = arith.index_cast %get3A_1465 : i32 to index
        %get3A_1467 = arith.index_cast %add3A_1464 : i32 to index
        %get3A_1468 = arith.constant 112 : index
        %get3A_1469 = tpu.vector_load %arg6[%get3A_1466, %get3A_1467, %get3A_1468] {strides = array<i32>} : memref<2x384x128xf32, #tpu.memory_space<vmem>>, vector<1x1x16xf32>,
        %get3A_1470 = vector.shape_cast %get3A_1469 : vector<1x1x16xf32> to vector<16xf32>
        %max3A_1471 = arith.maximumf %max3A_1462, %get3A_1470 : vector<16xf32>
        %add3A_1472 = arith.constant 15 : i32
        %add3A_1473 = arith.addi %mul3A_306, %add3A_1472 : i32
        %get3A_1474 = arith.constant 0 : i32
        %get3A_1475 = arith.index_cast %get3A_1474 : i32 to index
        %get3A_1476 = arith.index_cast %add3A_1473 : i32 to index
        %get3A_1477 = arith.constant 112 : index
        %get3A_1478 = tpu.vector_load %arg6[%get3A_1475, %get3A_1476, %get3A_1477] {strides = array<i32>} : memref<2x384x128xf32, #tpu.memory_space<vmem>>, vector<1x1x16xf32>,
        %get3A_1479 = vector.shape_cast %get3A_1478 : vector<1x1x16xf32> to vector<16xf32>
        %max3A_1480 = arith.maximumf %max3A_1471, %get3A_1479 : vector<16xf32>
        %swap3A_1481 = arith.constant 0 : i32
        %swap3A_1482 = arith.index_cast %swap3A_1481 : i32 to index
        %swap3A_1483 = arith.index_cast %scan3A_303 : i32 to index
        %swap3A_1484 = arith.constant 112 : index
        %swap3A_1485 = tpu.vector_load %arg7[%swap3A_1482, %swap3A_1483, %swap3A_1484] {strides = array<i32>} : memref<2x24x128xf32, #tpu.memory_space<vmem>>, vector<1x1x16xf32>,
        %swap3A_1486 = vector.shape_cast %swap3A_1485 : vector<1x1x16xf32> to vector<16xf32>
        %swap3A_1487 = vector.shape_cast %max3A_1480 : vector<16xf32> to vector<1x1x16xf32>
        tpu.vector_store %arg7[%swap3A_1482, %swap3A_1483, %swap3A_1484], %swap3A_1487 {strides = array<i32>} : memref<2x24x128xf32, #tpu.memory_space<vmem>>, vector<1x1x16xf32>,
        %scan3A_1488 = arith.constant 0 : i32
        scf.yield %scan3A_1488 : i32
      }
      %scan3A_138 = arith.constant 24 : i32
      %add3A_139 = arith.constant 2 : i32
      %add3A_140 = arith.addi %add3A_114, %add3A_139 : i32
      %lt3A = arith.constant 34 : i32
      %lt3A_141 = arith.cmpi slt, %add3A_140, %lt3A : i32
      %convert_element_type3A_142 = arith.extui %lt3A_141 : i1 to i32
      %cond3A_143 = arith.constant 0 : i32
      %cond3A_144 = arith.cmpi ne, %convert_element_type3A_142, %cond3A_143 : i32
      scf.if %cond3A_144 {
        %mul3A_303 = arith.constant 3 : i32
        %mul3A_304 = arith.muli %mul3A_303, %add3A_140 : i32
        %add3A_305 = arith.constant 0 : i32
        %add3A_306 = arith.addi %mul3A_304, %add3A_305 : i32
        %dma_start3A_307 = arith.constant 0 : i32
        %dma_start3A_308 = arith.constant 0 : i32
        %dma_start3A_309 = arith.constant 0 : i32
        %dma_start3A_310 = tpu.memref_slice %arg6[%dma_start3A_307, %dma_start3A_308, %dma_start3A_309] : memref<2x384x128xf32, #tpu.memory_space<vmem>> -> memref<1x128x128xf32, #tpu.memory_space<vmem>>
        %dma_start3A_311 = tpu.memref_squeeze %dma_start3A_310 : memref<1x128x128xf32, #tpu.memory_space<vmem>> -> memref<128x128xf32, #tpu.memory_space<vmem>>
        %dma_start3A_312 = arith.constant 0 : i32
        %dma_start3A_313 = tpu.memref_slice %arg5[%add3A_306, %dma_start3A_312] : memref<102x128xi32, #tpu.memory_space<vmem>> -> memref<1x128xi32, #tpu.memory_space<vmem>>
        %dma_start3A_314 = tpu.memref_squeeze %dma_start3A_313 : memref<1x128xi32, #tpu.memory_space<vmem>> -> memref<128xi32, #tpu.memory_space<vmem>>
        %dma_start3A_315 = arith.constant 0 : i32
        %dma_start3A_316 = arith.constant 0 : i32
        %dma_start3A_317 = tpu.memref_slice %arg2[%dma_start3A_315, %dma_start3A_316] : memref<100000x128xf32, #tpu.memory_space<hbm>> -> memref<100000x128xf32, #tpu.memory_space<hbm>>
        tpu.enqueue_indirect_dma source(%dma_start3A_317 : memref<100000x128xf32, #tpu.memory_space<hbm>>) target(%dma_start3A_311 : memref<128x128xf32, #tpu.memory_space<vmem>>) offsets(%dma_start3A_314 : memref<128xi32, #tpu.memory_space<vmem>>) semaphore(%arg8 : memref<!tpu.dma_semaphore, #tpu.memory_space<semaphore_mem>>)
        %mul3A_318 = arith.constant 3 : i32
        %mul3A_319 = arith.muli %mul3A_318, %add3A_140 : i32
        %add3A_320 = arith.constant 1 : i32
        %add3A_321 = arith.addi %mul3A_319, %add3A_320 : i32
        %dma_start3A_322 = arith.constant 0 : i32
        %dma_start3A_323 = arith.constant 128 : i32
        %dma_start3A_324 = arith.constant 0 : i32
        %dma_start3A_325 = tpu.memref_slice %arg6[%dma_start3A_322, %dma_start3A_323, %dma_start3A_324] : memref<2x384x128xf32, #tpu.memory_space<vmem>> -> memref<1x128x128xf32, #tpu.memory_space<vmem>>
        %dma_start3A_326 = tpu.memref_squeeze %dma_start3A_325 : memref<1x128x128xf32, #tpu.memory_space<vmem>> -> memref<128x128xf32, #tpu.memory_space<vmem>>
        %dma_start3A_327 = arith.constant 0 : i32
        %dma_start3A_328 = tpu.memref_slice %arg5[%add3A_321, %dma_start3A_327] : memref<102x128xi32, #tpu.memory_space<vmem>> -> memref<1x128xi32, #tpu.memory_space<vmem>>
        %dma_start3A_329 = tpu.memref_squeeze %dma_start3A_328 : memref<1x128xi32, #tpu.memory_space<vmem>> -> memref<128xi32, #tpu.memory_space<vmem>>
        %dma_start3A_330 = arith.constant 0 : i32
        %dma_start3A_331 = arith.constant 0 : i32
        %dma_start3A_332 = tpu.memref_slice %arg2[%dma_start3A_330, %dma_start3A_331] : memref<100000x128xf32, #tpu.memory_space<hbm>> -> memref<100000x128xf32, #tpu.memory_space<hbm>>
        tpu.enqueue_indirect_dma source(%dma_start3A_332 : memref<100000x128xf32, #tpu.memory_space<hbm>>) target(%dma_start3A_326 : memref<128x128xf32, #tpu.memory_space<vmem>>) offsets(%dma_start3A_329 : memref<128xi32, #tpu.memory_space<vmem>>) semaphore(%arg8 : memref<!tpu.dma_semaphore, #tpu.memory_space<semaphore_mem>>)
        %mul3A_333 = arith.constant 3 : i32
        %mul3A_334 = arith.muli %mul3A_333, %add3A_140 : i32
        %add3A_335 = arith.constant 2 : i32
        %add3A_336 = arith.addi %mul3A_334, %add3A_335 : i32
        %dma_start3A_337 = arith.constant 0 : i32
        %dma_start3A_338 = arith.constant 256 : i32
        %dma_start3A_339 = arith.constant 0 : i32
        %dma_start3A_340 = tpu.memref_slice %arg6[%dma_start3A_337, %dma_start3A_338, %dma_start3A_339] : memref<2x384x128xf32, #tpu.memory_space<vmem>> -> memref<1x128x128xf32, #tpu.memory_space<vmem>>
        %dma_start3A_341 = tpu.memref_squeeze %dma_start3A_340 : memref<1x128x128xf32, #tpu.memory_space<vmem>> -> memref<128x128xf32, #tpu.memory_space<vmem>>
        %dma_start3A_342 = arith.constant 0 : i32
        %dma_start3A_343 = tpu.memref_slice %arg5[%add3A_336, %dma_start3A_342] : memref<102x128xi32, #tpu.memory_space<vmem>> -> memref<1x128xi32, #tpu.memory_space<vmem>>
        %dma_start3A_344 = tpu.memref_squeeze %dma_start3A_343 : memref<1x128xi32, #tpu.memory_space<vmem>> -> memref<128xi32, #tpu.memory_space<vmem>>
        %dma_start3A_345 = arith.constant 0 : i32
        %dma_start3A_346 = arith.constant 0 : i32
        %dma_start3A_347 = tpu.memref_slice %arg2[%dma_start3A_345, %dma_start3A_346] : memref<100000x128xf32, #tpu.memory_space<hbm>> -> memref<100000x128xf32, #tpu.memory_space<hbm>>
        tpu.enqueue_indirect_dma source(%dma_start3A_347 : memref<100000x128xf32, #tpu.memory_space<hbm>>) target(%dma_start3A_341 : memref<128x128xf32, #tpu.memory_space<vmem>>) offsets(%dma_start3A_344 : memref<128xi32, #tpu.memory_space<vmem>>) semaphore(%arg8 : memref<!tpu.dma_semaphore, #tpu.memory_space<semaphore_mem>>)
      } else {
      }
      %mul3A_145 = arith.constant 24 : i32
      %mul3A_146 = arith.muli %add3A_114, %mul3A_145 : i32
      %add3A_147 = arith.addi %mul3A_2, %mul3A_146 : i32
      %add3A_148 = arith.constant 0 : i32
      %add3A_149 = arith.addi %add3A_147, %add3A_148 : i32
      %min3A = arith.constant 24992 : i32
      %min3A_150 = arith.minsi %add3A_149, %min3A : i32
      %dma_start3A_151 = arith.constant 0 : i32
      %dma_start3A_152 = arith.constant 0 : i32
      %dma_start3A_153 = arith.constant 0 : i32
      %dma_start3A_154 = tpu.memref_slice %arg7[%dma_start3A_151, %dma_start3A_152, %dma_start3A_153] : memref<2x24x128xf32, #tpu.memory_space<vmem>> -> memref<1x8x128xf32, #tpu.memory_space<vmem>>
      %dma_start3A_155 = tpu.memref_squeeze %dma_start3A_154 : memref<1x8x128xf32, #tpu.memory_space<vmem>> -> memref<8x128xf32, #tpu.memory_space<vmem>>
      %dma_start3A_156 = arith.constant 0 : i32
      %dma_start3A_157 = tpu.memref_slice %arg4[%min3A_150, %dma_start3A_156] : memref<25000x128xf32, #tpu.memory_space<hbm>> -> memref<8x128xf32, #tpu.memory_space<hbm>>
      %dma_start3A_158 = arith.constant 0 : i32
      %dma_start3A_159 = tpu.memref_slice %arg4[%min3A_150, %dma_start3A_158] : memref<25000x128xf32, #tpu.memory_space<hbm>> -> memref<8x128xf32, #tpu.memory_space<hbm>>
      %dma_start3A_160 = arith.constant 0 : i32
      %dma_start3A_161 = arith.constant 0 : i32
      %dma_start3A_162 = tpu.memref_slice %arg7[%dma_start3A_151, %dma_start3A_160, %dma_start3A_161] : memref<2x24x128xf32, #tpu.memory_space<vmem>> -> memref<1x8x128xf32, #tpu.memory_space<vmem>>
      %dma_start3A_163 = tpu.memref_squeeze %dma_start3A_162 : memref<1x8x128xf32, #tpu.memory_space<vmem>> -> memref<8x128xf32, #tpu.memory_space<vmem>>
      tpu.enqueue_dma source(%dma_start3A_163 : memref<8x128xf32, #tpu.memory_space<vmem>>) target(%dma_start3A_159 : memref<8x128xf32, #tpu.memory_space<hbm>>) target_semaphore(%arg10 : memref<!tpu.dma_semaphore, #tpu.memory_space<semaphore_mem>>)
      %mul3A_164 = arith.constant 24 : i32
      %mul3A_165 = arith.muli %add3A_114, %mul3A_164 : i32
      %add3A_166 = arith.addi %mul3A_2, %mul3A_165 : i32
      %add3A_167 = arith.constant 8 : i32
      %add3A_168 = arith.addi %add3A_166, %add3A_167 : i32
      %min3A_169 = arith.constant 24992 : i32
      %min3A_170 = arith.minsi %add3A_168, %min3A_169 : i32
      %dma_start3A_171 = arith.constant 0 : i32
      %dma_start3A_172 = arith.constant 8 : i32
      %dma_start3A_173 = arith.constant 0 : i32
      %dma_start3A_174 = tpu.memref_slice %arg7[%dma_start3A_171, %dma_start3A_172, %dma_start3A_173] : memref<2x24x128xf32, #tpu.memory_space<vmem>> -> memref<1x8x128xf32, #tpu.memory_space<vmem>>
      %dma_start3A_175 = tpu.memref_squeeze %dma_start3A_174 : memref<1x8x128xf32, #tpu.memory_space<vmem>> -> memref<8x128xf32, #tpu.memory_space<vmem>>
      %dma_start3A_176 = arith.constant 0 : i32
      %dma_start3A_177 = tpu.memref_slice %arg4[%min3A_170, %dma_start3A_176] : memref<25000x128xf32, #tpu.memory_space<hbm>> -> memref<8x128xf32, #tpu.memory_space<hbm>>
      %dma_start3A_178 = arith.constant 0 : i32
      %dma_start3A_179 = tpu.memref_slice %arg4[%min3A_170, %dma_start3A_178] : memref<25000x128xf32, #tpu.memory_space<hbm>> -> memref<8x128xf32, #tpu.memory_space<hbm>>
      %dma_start3A_180 = arith.constant 8 : i32
      %dma_start3A_181 = arith.constant 0 : i32
      %dma_start3A_182 = tpu.memref_slice %arg7[%dma_start3A_171, %dma_start3A_180, %dma_start3A_181] : memref<2x24x128xf32, #tpu.memory_space<vmem>> -> memref<1x8x128xf32, #tpu.memory_space<vmem>>
      %dma_start3A_183 = tpu.memref_squeeze %dma_start3A_182 : memref<1x8x128xf32, #tpu.memory_space<vmem>> -> memref<8x128xf32, #tpu.memory_space<vmem>>
      tpu.enqueue_dma source(%dma_start3A_183 : memref<8x128xf32, #tpu.memory_space<vmem>>) target(%dma_start3A_179 : memref<8x128xf32, #tpu.memory_space<hbm>>) target_semaphore(%arg10 : memref<!tpu.dma_semaphore, #tpu.memory_space<semaphore_mem>>)
      %mul3A_184 = arith.constant 24 : i32
      %mul3A_185 = arith.muli %add3A_114, %mul3A_184 : i32
      %add3A_186 = arith.addi %mul3A_2, %mul3A_185 : i32
      %add3A_187 = arith.constant 16 : i32
      %add3A_188 = arith.addi %add3A_186, %add3A_187 : i32
      %min3A_189 = arith.constant 24992 : i32
      %min3A_190 = arith.minsi %add3A_188, %min3A_189 : i32
      %dma_start3A_191 = arith.constant 0 : i32
      %dma_start3A_192 = arith.constant 16 : i32
      %dma_start3A_193 = arith.constant 0 : i32
      %dma_start3A_194 = tpu.memref_slice %arg7[%dma_start3A_191, %dma_start3A_192, %dma_start3A_193] : memref<2x24x128xf32, #tpu.memory_space<vmem>> -> memref<1x8x128xf32, #tpu.memory_space<vmem>>
      %dma_start3A_195 = tpu.memref_squeeze %dma_start3A_194 : memref<1x8x128xf32, #tpu.memory_space<vmem>> -> memref<8x128xf32, #tpu.memory_space<vmem>>
      %dma_start3A_196 = arith.constant 0 : i32
      %dma_start3A_197 = tpu.memref_slice %arg4[%min3A_190, %dma_start3A_196] : memref<25000x128xf32, #tpu.memory_space<hbm>> -> memref<8x128xf32, #tpu.memory_space<hbm>>
      %dma_start3A_198 = arith.constant 0 : i32
      %dma_start3A_199 = tpu.memref_slice %arg4[%min3A_190, %dma_start3A_198] : memref<25000x128xf32, #tpu.memory_space<hbm>> -> memref<8x128xf32, #tpu.memory_space<hbm>>
      %dma_start3A_200 = arith.constant 16 : i32
      %dma_start3A_201 = arith.constant 0 : i32
      %dma_start3A_202 = tpu.memref_slice %arg7[%dma_start3A_191, %dma_start3A_200, %dma_start3A_201] : memref<2x24x128xf32, #tpu.memory_space<vmem>> -> memref<1x8x128xf32, #tpu.memory_space<vmem>>
      %dma_start3A_203 = tpu.memref_squeeze %dma_start3A_202 : memref<1x8x128xf32, #tpu.memory_space<vmem>> -> memref<8x128xf32, #tpu.memory_space<vmem>>
      tpu.enqueue_dma source(%dma_start3A_203 : memref<8x128xf32, #tpu.memory_space<vmem>>) target(%dma_start3A_199 : memref<8x128xf32, #tpu.memory_space<hbm>>) target_semaphore(%arg10 : memref<!tpu.dma_semaphore, #tpu.memory_space<semaphore_mem>>)
      %mul3A_204 = arith.constant 2 : i32
      %mul3A_205 = arith.muli %scan3A_109, %mul3A_204 : i32
      %add3A_206 = arith.constant 1 : i32
      %add3A_207 = arith.addi %mul3A_205, %add3A_206 : i32
      %dma_wait3A_208 = arith.constant 1 : i32
      %dma_wait3A_209 = arith.constant 0 : i32
      %dma_wait3A_210 = arith.constant 0 : i32
      %dma_wait3A_211 = tpu.memref_slice %arg6[%dma_wait3A_208, %dma_wait3A_209, %dma_wait3A_210] : memref<2x384x128xf32, #tpu.memory_space<vmem>> -> memref<1x384x128xf32, #tpu.memory_space<vmem>>
      %dma_wait3A_212 = tpu.memref_squeeze %dma_wait3A_211 : memref<1x384x128xf32, #tpu.memory_space<vmem>> -> memref<384x128xf32, #tpu.memory_space<vmem>>
      %dma_wait3A_213 = arith.constant 0 : i32
      %dma_wait3A_214 = arith.constant 0 : i32
      %dma_wait3A_215 = tpu.memref_slice %arg2[%dma_wait3A_213, %dma_wait3A_214] : memref<100000x128xf32, #tpu.memory_space<hbm>> -> memref<384x128xf32, #tpu.memory_space<hbm>>
      %dma_wait3A_216 = arith.constant 0 : i32
      %dma_wait3A_217 = arith.constant 0 : i32
      %dma_wait3A_218 = tpu.memref_slice %arg6[%dma_wait3A_208, %dma_wait3A_216, %dma_wait3A_217] : memref<2x384x128xf32, #tpu.memory_space<vmem>> -> memref<1x384x128xf32, #tpu.memory_space<vmem>>
      %dma_wait3A_219 = tpu.memref_squeeze %dma_wait3A_218 : memref<1x384x128xf32, #tpu.memory_space<vmem>> -> memref<384x128xf32, #tpu.memory_space<vmem>>
      %dma_wait3A_220 = arith.constant 0 : i32
      %dma_wait3A_221 = arith.constant 0 : i32
      %dma_wait3A_222 = tpu.memref_slice %arg2[%dma_wait3A_220, %dma_wait3A_221] : memref<100000x128xf32, #tpu.memory_space<hbm>> -> memref<384x128xf32, #tpu.memory_space<hbm>>
      tpu.wait_dma2 semaphore(%arg9 : memref<!tpu.dma_semaphore, #tpu.memory_space<semaphore_mem>>) src(%dma_wait3A_222 : memref<384x128xf32, #tpu.memory_space<hbm>>) dst(%dma_wait3A_219 : memref<384x128xf32, #tpu.memory_space<vmem>>)
      %ge3A_223 = arith.constant 2 : i32
      %ge3A_224 = arith.cmpi sge, %add3A_207, %ge3A_223 : i32
      %convert_element_type3A_225 = arith.extui %ge3A_224 : i1 to i32
      %cond3A_226 = arith.constant 0 : i32
      %cond3A_227 = arith.cmpi ne, %convert_element_type3A_225, %cond3A_226 : i32
      scf.if %cond3A_227 {
        %dma_wait3A_303 = arith.constant 1 : i32
        %dma_wait3A_304 = arith.constant 0 : i32
        %dma_wait3A_305 = arith.constant 0 : i32
        %dma_wait3A_306 = tpu.memref_slice %arg7[%dma_wait3A_303, %dma_wait3A_304, %dma_wait3A_305] : memref<2x24x128xf32, #tpu.memory_space<vmem>> -> memref<1x24x128xf32, #tpu.memory_space<vmem>>
        %dma_wait3A_307 = tpu.memref_squeeze %dma_wait3A_306 : memref<1x24x128xf32, #tpu.memory_space<vmem>> -> memref<24x128xf32, #tpu.memory_space<vmem>>
        %dma_wait3A_308 = arith.constant 0 : i32
        %dma_wait3A_309 = arith.constant 0 : i32
        %dma_wait3A_310 = tpu.memref_slice %arg4[%dma_wait3A_308, %dma_wait3A_309] : memref<25000x128xf32, #tpu.memory_space<hbm>> -> memref<24x128xf32, #tpu.memory_space<hbm>>
        %dma_wait3A_311 = arith.constant 0 : i32
        %dma_wait3A_312 = arith.constant 0 : i32
        %dma_wait3A_313 = tpu.memref_slice %arg7[%dma_wait3A_303, %dma_wait3A_311, %dma_wait3A_312] : memref<2x24x128xf32, #tpu.memory_space<vmem>> -> memref<1x24x128xf32, #tpu.memory_space<vmem>>
        %dma_wait3A_314 = tpu.memref_squeeze %dma_wait3A_313 : memref<1x24x128xf32, #tpu.memory_space<vmem>> -> memref<24x128xf32, #tpu.memory_space<vmem>>
        %dma_wait3A_315 = arith.constant 0 : i32
        %dma_wait3A_316 = arith.constant 0 : i32
        %dma_wait3A_317 = tpu.memref_slice %arg4[%dma_wait3A_315, %dma_wait3A_316] : memref<25000x128xf32, #tpu.memory_space<hbm>> -> memref<24x128xf32, #tpu.memory_space<hbm>>
        tpu.wait_dma2 semaphore(%arg11 : memref<!tpu.dma_semaphore, #tpu.memory_space<semaphore_mem>>) src(%dma_wait3A_317 : memref<24x128xf32, #tpu.memory_space<hbm>>) dst(%dma_wait3A_314 : memref<24x128xf32, #tpu.memory_space<vmem>>)
      } else {
      }
      %scan3A_228 = arith.constant 0 : i32
      %scan3A_229 = arith.constant 0 : i32
      %scan3A_230 = arith.constant 24 : i32
      %scan3A_231 = arith.addi %scan3A_229, %scan3A_230 : i32
      %scan3A_232 = arith.constant 1 : i32
      %scan3A_233 = scf.for %scan3A_303 = %scan3A_229 to %scan3A_231 step %scan3A_232 iter_args(%scan3A_304 = %scan3A_228) -> (i32)  : i32 {
        %mul3A_305 = arith.constant 16 : i32
        %mul3A_306 = arith.muli %scan3A_303, %mul3A_305 : i32
        %get3A = arith.constant 1 : i32
        %get3A_307 = arith.index_cast %get3A : i32 to index
        %get3A_308 = arith.index_cast %mul3A_306 : i32 to index
        %get3A_309 = arith.constant 0 : index
        %get3A_310 = tpu.vector_load %arg6[%get3A_307, %get3A_308, %get3A_309] {strides = array<i32>} : memref<2x384x128xf32, #tpu.memory_space<vmem>>, vector<1x1x16xf32>,
        %get3A_311 = vector.shape_cast %get3A_310 : vector<1x1x16xf32> to vector<16xf32>
        %add3A_312 = arith.constant 1 : i32
        %add3A_313 = arith.addi %mul3A_306, %add3A_312 : i32
        %get3A_314 = arith.constant 1 : i32
        %get3A_315 = arith.index_cast %get3A_314 : i32 to index
        %get3A_316 = arith.index_cast %add3A_313 : i32 to index
        %get3A_317 = arith.constant 0 : index
        %get3A_318 = tpu.vector_load %arg6[%get3A_315, %get3A_316, %get3A_317] {strides = array<i32>} : memref<2x384x128xf32, #tpu.memory_space<vmem>>, vector<1x1x16xf32>,
        %get3A_319 = vector.shape_cast %get3A_318 : vector<1x1x16xf32> to vector<16xf32>
        %max3A = arith.maximumf %get3A_311, %get3A_319 : vector<16xf32>
        %add3A_320 = arith.constant 2 : i32
        %add3A_321 = arith.addi %mul3A_306, %add3A_320 : i32
        %get3A_322 = arith.constant 1 : i32
        %get3A_323 = arith.index_cast %get3A_322 : i32 to index
        %get3A_324 = arith.index_cast %add3A_321 : i32 to index
        %get3A_325 = arith.constant 0 : index
        %get3A_326 = tpu.vector_load %arg6[%get3A_323, %get3A_324, %get3A_325] {strides = array<i32>} : memref<2x384x128xf32, #tpu.memory_space<vmem>>, vector<1x1x16xf32>,
        %get3A_327 = vector.shape_cast %get3A_326 : vector<1x1x16xf32> to vector<16xf32>
        %max3A_328 = arith.maximumf %max3A, %get3A_327 : vector<16xf32>
        %add3A_329 = arith.constant 3 : i32
        %add3A_330 = arith.addi %mul3A_306, %add3A_329 : i32
        %get3A_331 = arith.constant 1 : i32
        %get3A_332 = arith.index_cast %get3A_331 : i32 to index
        %get3A_333 = arith.index_cast %add3A_330 : i32 to index
        %get3A_334 = arith.constant 0 : index
        %get3A_335 = tpu.vector_load %arg6[%get3A_332, %get3A_333, %get3A_334] {strides = array<i32>} : memref<2x384x128xf32, #tpu.memory_space<vmem>>, vector<1x1x16xf32>,
        %get3A_336 = vector.shape_cast %get3A_335 : vector<1x1x16xf32> to vector<16xf32>
        %max3A_337 = arith.maximumf %max3A_328, %get3A_336 : vector<16xf32>
        %add3A_338 = arith.constant 4 : i32
        %add3A_339 = arith.addi %mul3A_306, %add3A_338 : i32
        %get3A_340 = arith.constant 1 : i32
        %get3A_341 = arith.index_cast %get3A_340 : i32 to index
        %get3A_342 = arith.index_cast %add3A_339 : i32 to index
        %get3A_343 = arith.constant 0 : index
        %get3A_344 = tpu.vector_load %arg6[%get3A_341, %get3A_342, %get3A_343] {strides = array<i32>} : memref<2x384x128xf32, #tpu.memory_space<vmem>>, vector<1x1x16xf32>,
        %get3A_345 = vector.shape_cast %get3A_344 : vector<1x1x16xf32> to vector<16xf32>
        %max3A_346 = arith.maximumf %max3A_337, %get3A_345 : vector<16xf32>
        %add3A_347 = arith.constant 5 : i32
        %add3A_348 = arith.addi %mul3A_306, %add3A_347 : i32
        %get3A_349 = arith.constant 1 : i32
        %get3A_350 = arith.index_cast %get3A_349 : i32 to index
        %get3A_351 = arith.index_cast %add3A_348 : i32 to index
        %get3A_352 = arith.constant 0 : index
        %get3A_353 = tpu.vector_load %arg6[%get3A_350, %get3A_351, %get3A_352] {strides = array<i32>} : memref<2x384x128xf32, #tpu.memory_space<vmem>>, vector<1x1x16xf32>,
        %get3A_354 = vector.shape_cast %get3A_353 : vector<1x1x16xf32> to vector<16xf32>
        %max3A_355 = arith.maximumf %max3A_346, %get3A_354 : vector<16xf32>
        %add3A_356 = arith.constant 6 : i32
        %add3A_357 = arith.addi %mul3A_306, %add3A_356 : i32
        %get3A_358 = arith.constant 1 : i32
        %get3A_359 = arith.index_cast %get3A_358 : i32 to index
        %get3A_360 = arith.index_cast %add3A_357 : i32 to index
        %get3A_361 = arith.constant 0 : index
        %get3A_362 = tpu.vector_load %arg6[%get3A_359, %get3A_360, %get3A_361] {strides = array<i32>} : memref<2x384x128xf32, #tpu.memory_space<vmem>>, vector<1x1x16xf32>,
        %get3A_363 = vector.shape_cast %get3A_362 : vector<1x1x16xf32> to vector<16xf32>
        %max3A_364 = arith.maximumf %max3A_355, %get3A_363 : vector<16xf32>
        %add3A_365 = arith.constant 7 : i32
        %add3A_366 = arith.addi %mul3A_306, %add3A_365 : i32
        %get3A_367 = arith.constant 1 : i32
        %get3A_368 = arith.index_cast %get3A_367 : i32 to index
        %get3A_369 = arith.index_cast %add3A_366 : i32 to index
        %get3A_370 = arith.constant 0 : index
        %get3A_371 = tpu.vector_load %arg6[%get3A_368, %get3A_369, %get3A_370] {strides = array<i32>} : memref<2x384x128xf32, #tpu.memory_space<vmem>>, vector<1x1x16xf32>,
        %get3A_372 = vector.shape_cast %get3A_371 : vector<1x1x16xf32> to vector<16xf32>
        %max3A_373 = arith.maximumf %max3A_364, %get3A_372 : vector<16xf32>
        %add3A_374 = arith.constant 8 : i32
        %add3A_375 = arith.addi %mul3A_306, %add3A_374 : i32
        %get3A_376 = arith.constant 1 : i32
        %get3A_377 = arith.index_cast %get3A_376 : i32 to index
        %get3A_378 = arith.index_cast %add3A_375 : i32 to index
        %get3A_379 = arith.constant 0 : index
        %get3A_380 = tpu.vector_load %arg6[%get3A_377, %get3A_378, %get3A_379] {strides = array<i32>} : memref<2x384x128xf32, #tpu.memory_space<vmem>>, vector<1x1x16xf32>,
        %get3A_381 = vector.shape_cast %get3A_380 : vector<1x1x16xf32> to vector<16xf32>
        %max3A_382 = arith.maximumf %max3A_373, %get3A_381 : vector<16xf32>
        %add3A_383 = arith.constant 9 : i32
        %add3A_384 = arith.addi %mul3A_306, %add3A_383 : i32
        %get3A_385 = arith.constant 1 : i32
        %get3A_386 = arith.index_cast %get3A_385 : i32 to index
        %get3A_387 = arith.index_cast %add3A_384 : i32 to index
        %get3A_388 = arith.constant 0 : index
        %get3A_389 = tpu.vector_load %arg6[%get3A_386, %get3A_387, %get3A_388] {strides = array<i32>} : memref<2x384x128xf32, #tpu.memory_space<vmem>>, vector<1x1x16xf32>,
        %get3A_390 = vector.shape_cast %get3A_389 : vector<1x1x16xf32> to vector<16xf32>
        %max3A_391 = arith.maximumf %max3A_382, %get3A_390 : vector<16xf32>
        %add3A_392 = arith.constant 10 : i32
        %add3A_393 = arith.addi %mul3A_306, %add3A_392 : i32
        %get3A_394 = arith.constant 1 : i32
        %get3A_395 = arith.index_cast %get3A_394 : i32 to index
        %get3A_396 = arith.index_cast %add3A_393 : i32 to index
        %get3A_397 = arith.constant 0 : index
        %get3A_398 = tpu.vector_load %arg6[%get3A_395, %get3A_396, %get3A_397] {strides = array<i32>} : memref<2x384x128xf32, #tpu.memory_space<vmem>>, vector<1x1x16xf32>,
        %get3A_399 = vector.shape_cast %get3A_398 : vector<1x1x16xf32> to vector<16xf32>
        %max3A_400 = arith.maximumf %max3A_391, %get3A_399 : vector<16xf32>
        %add3A_401 = arith.constant 11 : i32
        %add3A_402 = arith.addi %mul3A_306, %add3A_401 : i32
        %get3A_403 = arith.constant 1 : i32
        %get3A_404 = arith.index_cast %get3A_403 : i32 to index
        %get3A_405 = arith.index_cast %add3A_402 : i32 to index
        %get3A_406 = arith.constant 0 : index
        %get3A_407 = tpu.vector_load %arg6[%get3A_404, %get3A_405, %get3A_406] {strides = array<i32>} : memref<2x384x128xf32, #tpu.memory_space<vmem>>, vector<1x1x16xf32>,
        %get3A_408 = vector.shape_cast %get3A_407 : vector<1x1x16xf32> to vector<16xf32>
        %max3A_409 = arith.maximumf %max3A_400, %get3A_408 : vector<16xf32>
        %add3A_410 = arith.constant 12 : i32
        %add3A_411 = arith.addi %mul3A_306, %add3A_410 : i32
        %get3A_412 = arith.constant 1 : i32
        %get3A_413 = arith.index_cast %get3A_412 : i32 to index
        %get3A_414 = arith.index_cast %add3A_411 : i32 to index
        %get3A_415 = arith.constant 0 : index
        %get3A_416 = tpu.vector_load %arg6[%get3A_413, %get3A_414, %get3A_415] {strides = array<i32>} : memref<2x384x128xf32, #tpu.memory_space<vmem>>, vector<1x1x16xf32>,
        %get3A_417 = vector.shape_cast %get3A_416 : vector<1x1x16xf32> to vector<16xf32>
        %max3A_418 = arith.maximumf %max3A_409, %get3A_417 : vector<16xf32>
        %add3A_419 = arith.constant 13 : i32
        %add3A_420 = arith.addi %mul3A_306, %add3A_419 : i32
        %get3A_421 = arith.constant 1 : i32
        %get3A_422 = arith.index_cast %get3A_421 : i32 to index
        %get3A_423 = arith.index_cast %add3A_420 : i32 to index
        %get3A_424 = arith.constant 0 : index
        %get3A_425 = tpu.vector_load %arg6[%get3A_422, %get3A_423, %get3A_424] {strides = array<i32>} : memref<2x384x128xf32, #tpu.memory_space<vmem>>, vector<1x1x16xf32>,
        %get3A_426 = vector.shape_cast %get3A_425 : vector<1x1x16xf32> to vector<16xf32>
        %max3A_427 = arith.maximumf %max3A_418, %get3A_426 : vector<16xf32>
        %add3A_428 = arith.constant 14 : i32
        %add3A_429 = arith.addi %mul3A_306, %add3A_428 : i32
        %get3A_430 = arith.constant 1 : i32
        %get3A_431 = arith.index_cast %get3A_430 : i32 to index
        %get3A_432 = arith.index_cast %add3A_429 : i32 to index
        %get3A_433 = arith.constant 0 : index
        %get3A_434 = tpu.vector_load %arg6[%get3A_431, %get3A_432, %get3A_433] {strides = array<i32>} : memref<2x384x128xf32, #tpu.memory_space<vmem>>, vector<1x1x16xf32>,
        %get3A_435 = vector.shape_cast %get3A_434 : vector<1x1x16xf32> to vector<16xf32>
        %max3A_436 = arith.maximumf %max3A_427, %get3A_435 : vector<16xf32>
        %add3A_437 = arith.constant 15 : i32
        %add3A_438 = arith.addi %mul3A_306, %add3A_437 : i32
        %get3A_439 = arith.constant 1 : i32
        %get3A_440 = arith.index_cast %get3A_439 : i32 to index
        %get3A_441 = arith.index_cast %add3A_438 : i32 to index
        %get3A_442 = arith.constant 0 : index
        %get3A_443 = tpu.vector_load %arg6[%get3A_440, %get3A_441, %get3A_442] {strides = array<i32>} : memref<2x384x128xf32, #tpu.memory_space<vmem>>, vector<1x1x16xf32>,
        %get3A_444 = vector.shape_cast %get3A_443 : vector<1x1x16xf32> to vector<16xf32>
        %max3A_445 = arith.maximumf %max3A_436, %get3A_444 : vector<16xf32>
        %swap3A = arith.constant 1 : i32
        %swap3A_446 = arith.index_cast %swap3A : i32 to index
        %swap3A_447 = arith.index_cast %scan3A_303 : i32 to index
        %swap3A_448 = arith.constant 0 : index
        %swap3A_449 = tpu.vector_load %arg7[%swap3A_446, %swap3A_447, %swap3A_448] {strides = array<i32>} : memref<2x24x128xf32, #tpu.memory_space<vmem>>, vector<1x1x16xf32>,
        %swap3A_450 = vector.shape_cast %swap3A_449 : vector<1x1x16xf32> to vector<16xf32>
        %swap3A_451 = vector.shape_cast %max3A_445 : vector<16xf32> to vector<1x1x16xf32>
        tpu.vector_store %arg7[%swap3A_446, %swap3A_447, %swap3A_448], %swap3A_451 {strides = array<i32>} : memref<2x24x128xf32, #tpu.memory_space<vmem>>, vector<1x1x16xf32>,
        %get3A_452 = arith.constant 1 : i32
        %get3A_453 = arith.index_cast %get3A_452 : i32 to index
        %get3A_454 = arith.index_cast %mul3A_306 : i32 to index
        %get3A_455 = arith.constant 16 : index
        %get3A_456 = tpu.vector_load %arg6[%get3A_453, %get3A_454, %get3A_455] {strides = array<i32>} : memref<2x384x128xf32, #tpu.memory_space<vmem>>, vector<1x1x16xf32>,
        %get3A_457 = vector.shape_cast %get3A_456 : vector<1x1x16xf32> to vector<16xf32>
        %add3A_458 = arith.constant 1 : i32
        %add3A_459 = arith.addi %mul3A_306, %add3A_458 : i32
        %get3A_460 = arith.constant 1 : i32
        %get3A_461 = arith.index_cast %get3A_460 : i32 to index
        %get3A_462 = arith.index_cast %add3A_459 : i32 to index
        %get3A_463 = arith.constant 16 : index
        %get3A_464 = tpu.vector_load %arg6[%get3A_461, %get3A_462, %get3A_463] {strides = array<i32>} : memref<2x384x128xf32, #tpu.memory_space<vmem>>, vector<1x1x16xf32>,
        %get3A_465 = vector.shape_cast %get3A_464 : vector<1x1x16xf32> to vector<16xf32>
        %max3A_466 = arith.maximumf %get3A_457, %get3A_465 : vector<16xf32>
        %add3A_467 = arith.constant 2 : i32
        %add3A_468 = arith.addi %mul3A_306, %add3A_467 : i32
        %get3A_469 = arith.constant 1 : i32
        %get3A_470 = arith.index_cast %get3A_469 : i32 to index
        %get3A_471 = arith.index_cast %add3A_468 : i32 to index
        %get3A_472 = arith.constant 16 : index
        %get3A_473 = tpu.vector_load %arg6[%get3A_470, %get3A_471, %get3A_472] {strides = array<i32>} : memref<2x384x128xf32, #tpu.memory_space<vmem>>, vector<1x1x16xf32>,
        %get3A_474 = vector.shape_cast %get3A_473 : vector<1x1x16xf32> to vector<16xf32>
        %max3A_475 = arith.maximumf %max3A_466, %get3A_474 : vector<16xf32>
        %add3A_476 = arith.constant 3 : i32
        %add3A_477 = arith.addi %mul3A_306, %add3A_476 : i32
        %get3A_478 = arith.constant 1 : i32
        %get3A_479 = arith.index_cast %get3A_478 : i32 to index
        %get3A_480 = arith.index_cast %add3A_477 : i32 to index
        %get3A_481 = arith.constant 16 : index
        %get3A_482 = tpu.vector_load %arg6[%get3A_479, %get3A_480, %get3A_481] {strides = array<i32>} : memref<2x384x128xf32, #tpu.memory_space<vmem>>, vector<1x1x16xf32>,
        %get3A_483 = vector.shape_cast %get3A_482 : vector<1x1x16xf32> to vector<16xf32>
        %max3A_484 = arith.maximumf %max3A_475, %get3A_483 : vector<16xf32>
        %add3A_485 = arith.constant 4 : i32
        %add3A_486 = arith.addi %mul3A_306, %add3A_485 : i32
        %get3A_487 = arith.constant 1 : i32
        %get3A_488 = arith.index_cast %get3A_487 : i32 to index
        %get3A_489 = arith.index_cast %add3A_486 : i32 to index
        %get3A_490 = arith.constant 16 : index
        %get3A_491 = tpu.vector_load %arg6[%get3A_488, %get3A_489, %get3A_490] {strides = array<i32>} : memref<2x384x128xf32, #tpu.memory_space<vmem>>, vector<1x1x16xf32>,
        %get3A_492 = vector.shape_cast %get3A_491 : vector<1x1x16xf32> to vector<16xf32>
        %max3A_493 = arith.maximumf %max3A_484, %get3A_492 : vector<16xf32>
        %add3A_494 = arith.constant 5 : i32
        %add3A_495 = arith.addi %mul3A_306, %add3A_494 : i32
        %get3A_496 = arith.constant 1 : i32
        %get3A_497 = arith.index_cast %get3A_496 : i32 to index
        %get3A_498 = arith.index_cast %add3A_495 : i32 to index
        %get3A_499 = arith.constant 16 : index
        %get3A_500 = tpu.vector_load %arg6[%get3A_497, %get3A_498, %get3A_499] {strides = array<i32>} : memref<2x384x128xf32, #tpu.memory_space<vmem>>, vector<1x1x16xf32>,
        %get3A_501 = vector.shape_cast %get3A_500 : vector<1x1x16xf32> to vector<16xf32>
        %max3A_502 = arith.maximumf %max3A_493, %get3A_501 : vector<16xf32>
        %add3A_503 = arith.constant 6 : i32
        %add3A_504 = arith.addi %mul3A_306, %add3A_503 : i32
        %get3A_505 = arith.constant 1 : i32
        %get3A_506 = arith.index_cast %get3A_505 : i32 to index
        %get3A_507 = arith.index_cast %add3A_504 : i32 to index
        %get3A_508 = arith.constant 16 : index
        %get3A_509 = tpu.vector_load %arg6[%get3A_506, %get3A_507, %get3A_508] {strides = array<i32>} : memref<2x384x128xf32, #tpu.memory_space<vmem>>, vector<1x1x16xf32>,
        %get3A_510 = vector.shape_cast %get3A_509 : vector<1x1x16xf32> to vector<16xf32>
        %max3A_511 = arith.maximumf %max3A_502, %get3A_510 : vector<16xf32>
        %add3A_512 = arith.constant 7 : i32
        %add3A_513 = arith.addi %mul3A_306, %add3A_512 : i32
        %get3A_514 = arith.constant 1 : i32
        %get3A_515 = arith.index_cast %get3A_514 : i32 to index
        %get3A_516 = arith.index_cast %add3A_513 : i32 to index
        %get3A_517 = arith.constant 16 : index
        %get3A_518 = tpu.vector_load %arg6[%get3A_515, %get3A_516, %get3A_517] {strides = array<i32>} : memref<2x384x128xf32, #tpu.memory_space<vmem>>, vector<1x1x16xf32>,
        %get3A_519 = vector.shape_cast %get3A_518 : vector<1x1x16xf32> to vector<16xf32>
        %max3A_520 = arith.maximumf %max3A_511, %get3A_519 : vector<16xf32>
        %add3A_521 = arith.constant 8 : i32
        %add3A_522 = arith.addi %mul3A_306, %add3A_521 : i32
        %get3A_523 = arith.constant 1 : i32
        %get3A_524 = arith.index_cast %get3A_523 : i32 to index
        %get3A_525 = arith.index_cast %add3A_522 : i32 to index
        %get3A_526 = arith.constant 16 : index
        %get3A_527 = tpu.vector_load %arg6[%get3A_524, %get3A_525, %get3A_526] {strides = array<i32>} : memref<2x384x128xf32, #tpu.memory_space<vmem>>, vector<1x1x16xf32>,
        %get3A_528 = vector.shape_cast %get3A_527 : vector<1x1x16xf32> to vector<16xf32>
        %max3A_529 = arith.maximumf %max3A_520, %get3A_528 : vector<16xf32>
        %add3A_530 = arith.constant 9 : i32
        %add3A_531 = arith.addi %mul3A_306, %add3A_530 : i32
        %get3A_532 = arith.constant 1 : i32
        %get3A_533 = arith.index_cast %get3A_532 : i32 to index
        %get3A_534 = arith.index_cast %add3A_531 : i32 to index
        %get3A_535 = arith.constant 16 : index
        %get3A_536 = tpu.vector_load %arg6[%get3A_533, %get3A_534, %get3A_535] {strides = array<i32>} : memref<2x384x128xf32, #tpu.memory_space<vmem>>, vector<1x1x16xf32>,
        %get3A_537 = vector.shape_cast %get3A_536 : vector<1x1x16xf32> to vector<16xf32>
        %max3A_538 = arith.maximumf %max3A_529, %get3A_537 : vector<16xf32>
        %add3A_539 = arith.constant 10 : i32
        %add3A_540 = arith.addi %mul3A_306, %add3A_539 : i32
        %get3A_541 = arith.constant 1 : i32
        %get3A_542 = arith.index_cast %get3A_541 : i32 to index
        %get3A_543 = arith.index_cast %add3A_540 : i32 to index
        %get3A_544 = arith.constant 16 : index
        %get3A_545 = tpu.vector_load %arg6[%get3A_542, %get3A_543, %get3A_544] {strides = array<i32>} : memref<2x384x128xf32, #tpu.memory_space<vmem>>, vector<1x1x16xf32>,
        %get3A_546 = vector.shape_cast %get3A_545 : vector<1x1x16xf32> to vector<16xf32>
        %max3A_547 = arith.maximumf %max3A_538, %get3A_546 : vector<16xf32>
        %add3A_548 = arith.constant 11 : i32
        %add3A_549 = arith.addi %mul3A_306, %add3A_548 : i32
        %get3A_550 = arith.constant 1 : i32
        %get3A_551 = arith.index_cast %get3A_550 : i32 to index
        %get3A_552 = arith.index_cast %add3A_549 : i32 to index
        %get3A_553 = arith.constant 16 : index
        %get3A_554 = tpu.vector_load %arg6[%get3A_551, %get3A_552, %get3A_553] {strides = array<i32>} : memref<2x384x128xf32, #tpu.memory_space<vmem>>, vector<1x1x16xf32>,
        %get3A_555 = vector.shape_cast %get3A_554 : vector<1x1x16xf32> to vector<16xf32>
        %max3A_556 = arith.maximumf %max3A_547, %get3A_555 : vector<16xf32>
        %add3A_557 = arith.constant 12 : i32
        %add3A_558 = arith.addi %mul3A_306, %add3A_557 : i32
        %get3A_559 = arith.constant 1 : i32
        %get3A_560 = arith.index_cast %get3A_559 : i32 to index
        %get3A_561 = arith.index_cast %add3A_558 : i32 to index
        %get3A_562 = arith.constant 16 : index
        %get3A_563 = tpu.vector_load %arg6[%get3A_560, %get3A_561, %get3A_562] {strides = array<i32>} : memref<2x384x128xf32, #tpu.memory_space<vmem>>, vector<1x1x16xf32>,
        %get3A_564 = vector.shape_cast %get3A_563 : vector<1x1x16xf32> to vector<16xf32>
        %max3A_565 = arith.maximumf %max3A_556, %get3A_564 : vector<16xf32>
        %add3A_566 = arith.constant 13 : i32
        %add3A_567 = arith.addi %mul3A_306, %add3A_566 : i32
        %get3A_568 = arith.constant 1 : i32
        %get3A_569 = arith.index_cast %get3A_568 : i32 to index
        %get3A_570 = arith.index_cast %add3A_567 : i32 to index
        %get3A_571 = arith.constant 16 : index
        %get3A_572 = tpu.vector_load %arg6[%get3A_569, %get3A_570, %get3A_571] {strides = array<i32>} : memref<2x384x128xf32, #tpu.memory_space<vmem>>, vector<1x1x16xf32>,
        %get3A_573 = vector.shape_cast %get3A_572 : vector<1x1x16xf32> to vector<16xf32>
        %max3A_574 = arith.maximumf %max3A_565, %get3A_573 : vector<16xf32>
        %add3A_575 = arith.constant 14 : i32
        %add3A_576 = arith.addi %mul3A_306, %add3A_575 : i32
        %get3A_577 = arith.constant 1 : i32
        %get3A_578 = arith.index_cast %get3A_577 : i32 to index
        %get3A_579 = arith.index_cast %add3A_576 : i32 to index
        %get3A_580 = arith.constant 16 : index
        %get3A_581 = tpu.vector_load %arg6[%get3A_578, %get3A_579, %get3A_580] {strides = array<i32>} : memref<2x384x128xf32, #tpu.memory_space<vmem>>, vector<1x1x16xf32>,
        %get3A_582 = vector.shape_cast %get3A_581 : vector<1x1x16xf32> to vector<16xf32>
        %max3A_583 = arith.maximumf %max3A_574, %get3A_582 : vector<16xf32>
        %add3A_584 = arith.constant 15 : i32
        %add3A_585 = arith.addi %mul3A_306, %add3A_584 : i32
        %get3A_586 = arith.constant 1 : i32
        %get3A_587 = arith.index_cast %get3A_586 : i32 to index
        %get3A_588 = arith.index_cast %add3A_585 : i32 to index
        %get3A_589 = arith.constant 16 : index
        %get3A_590 = tpu.vector_load %arg6[%get3A_587, %get3A_588, %get3A_589] {strides = array<i32>} : memref<2x384x128xf32, #tpu.memory_space<vmem>>, vector<1x1x16xf32>,
        %get3A_591 = vector.shape_cast %get3A_590 : vector<1x1x16xf32> to vector<16xf32>
        %max3A_592 = arith.maximumf %max3A_583, %get3A_591 : vector<16xf32>
        %swap3A_593 = arith.constant 1 : i32
        %swap3A_594 = arith.index_cast %swap3A_593 : i32 to index
        %swap3A_595 = arith.index_cast %scan3A_303 : i32 to index
        %swap3A_596 = arith.constant 16 : index
        %swap3A_597 = tpu.vector_load %arg7[%swap3A_594, %swap3A_595, %swap3A_596] {strides = array<i32>} : memref<2x24x128xf32, #tpu.memory_space<vmem>>, vector<1x1x16xf32>,
        %swap3A_598 = vector.shape_cast %swap3A_597 : vector<1x1x16xf32> to vector<16xf32>
        %swap3A_599 = vector.shape_cast %max3A_592 : vector<16xf32> to vector<1x1x16xf32>
        tpu.vector_store %arg7[%swap3A_594, %swap3A_595, %swap3A_596], %swap3A_599 {strides = array<i32>} : memref<2x24x128xf32, #tpu.memory_space<vmem>>, vector<1x1x16xf32>,
        %get3A_600 = arith.constant 1 : i32
        %get3A_601 = arith.index_cast %get3A_600 : i32 to index
        %get3A_602 = arith.index_cast %mul3A_306 : i32 to index
        %get3A_603 = arith.constant 32 : index
        %get3A_604 = tpu.vector_load %arg6[%get3A_601, %get3A_602, %get3A_603] {strides = array<i32>} : memref<2x384x128xf32, #tpu.memory_space<vmem>>, vector<1x1x16xf32>,
        %get3A_605 = vector.shape_cast %get3A_604 : vector<1x1x16xf32> to vector<16xf32>
        %add3A_606 = arith.constant 1 : i32
        %add3A_607 = arith.addi %mul3A_306, %add3A_606 : i32
        %get3A_608 = arith.constant 1 : i32
        %get3A_609 = arith.index_cast %get3A_608 : i32 to index
        %get3A_610 = arith.index_cast %add3A_607 : i32 to index
        %get3A_611 = arith.constant 32 : index
        %get3A_612 = tpu.vector_load %arg6[%get3A_609, %get3A_610, %get3A_611] {strides = array<i32>} : memref<2x384x128xf32, #tpu.memory_space<vmem>>, vector<1x1x16xf32>,
        %get3A_613 = vector.shape_cast %get3A_612 : vector<1x1x16xf32> to vector<16xf32>
        %max3A_614 = arith.maximumf %get3A_605, %get3A_613 : vector<16xf32>
        %add3A_615 = arith.constant 2 : i32
        %add3A_616 = arith.addi %mul3A_306, %add3A_615 : i32
        %get3A_617 = arith.constant 1 : i32
        %get3A_618 = arith.index_cast %get3A_617 : i32 to index
        %get3A_619 = arith.index_cast %add3A_616 : i32 to index
        %get3A_620 = arith.constant 32 : index
        %get3A_621 = tpu.vector_load %arg6[%get3A_618, %get3A_619, %get3A_620] {strides = array<i32>} : memref<2x384x128xf32, #tpu.memory_space<vmem>>, vector<1x1x16xf32>,
        %get3A_622 = vector.shape_cast %get3A_621 : vector<1x1x16xf32> to vector<16xf32>
        %max3A_623 = arith.maximumf %max3A_614, %get3A_622 : vector<16xf32>
        %add3A_624 = arith.constant 3 : i32
        %add3A_625 = arith.addi %mul3A_306, %add3A_624 : i32
        %get3A_626 = arith.constant 1 : i32
        %get3A_627 = arith.index_cast %get3A_626 : i32 to index
        %get3A_628 = arith.index_cast %add3A_625 : i32 to index
        %get3A_629 = arith.constant 32 : index
        %get3A_630 = tpu.vector_load %arg6[%get3A_627, %get3A_628, %get3A_629] {strides = array<i32>} : memref<2x384x128xf32, #tpu.memory_space<vmem>>, vector<1x1x16xf32>,
        %get3A_631 = vector.shape_cast %get3A_630 : vector<1x1x16xf32> to vector<16xf32>
        %max3A_632 = arith.maximumf %max3A_623, %get3A_631 : vector<16xf32>
        %add3A_633 = arith.constant 4 : i32
        %add3A_634 = arith.addi %mul3A_306, %add3A_633 : i32
        %get3A_635 = arith.constant 1 : i32
        %get3A_636 = arith.index_cast %get3A_635 : i32 to index
        %get3A_637 = arith.index_cast %add3A_634 : i32 to index
        %get3A_638 = arith.constant 32 : index
        %get3A_639 = tpu.vector_load %arg6[%get3A_636, %get3A_637, %get3A_638] {strides = array<i32>} : memref<2x384x128xf32, #tpu.memory_space<vmem>>, vector<1x1x16xf32>,
        %get3A_640 = vector.shape_cast %get3A_639 : vector<1x1x16xf32> to vector<16xf32>
        %max3A_641 = arith.maximumf %max3A_632, %get3A_640 : vector<16xf32>
        %add3A_642 = arith.constant 5 : i32
        %add3A_643 = arith.addi %mul3A_306, %add3A_642 : i32
        %get3A_644 = arith.constant 1 : i32
        %get3A_645 = arith.index_cast %get3A_644 : i32 to index
        %get3A_646 = arith.index_cast %add3A_643 : i32 to index
        %get3A_647 = arith.constant 32 : index
        %get3A_648 = tpu.vector_load %arg6[%get3A_645, %get3A_646, %get3A_647] {strides = array<i32>} : memref<2x384x128xf32, #tpu.memory_space<vmem>>, vector<1x1x16xf32>,
        %get3A_649 = vector.shape_cast %get3A_648 : vector<1x1x16xf32> to vector<16xf32>
        %max3A_650 = arith.maximumf %max3A_641, %get3A_649 : vector<16xf32>
        %add3A_651 = arith.constant 6 : i32
        %add3A_652 = arith.addi %mul3A_306, %add3A_651 : i32
        %get3A_653 = arith.constant 1 : i32
        %get3A_654 = arith.index_cast %get3A_653 : i32 to index
        %get3A_655 = arith.index_cast %add3A_652 : i32 to index
        %get3A_656 = arith.constant 32 : index
        %get3A_657 = tpu.vector_load %arg6[%get3A_654, %get3A_655, %get3A_656] {strides = array<i32>} : memref<2x384x128xf32, #tpu.memory_space<vmem>>, vector<1x1x16xf32>,
        %get3A_658 = vector.shape_cast %get3A_657 : vector<1x1x16xf32> to vector<16xf32>
        %max3A_659 = arith.maximumf %max3A_650, %get3A_658 : vector<16xf32>
        %add3A_660 = arith.constant 7 : i32
        %add3A_661 = arith.addi %mul3A_306, %add3A_660 : i32
        %get3A_662 = arith.constant 1 : i32
        %get3A_663 = arith.index_cast %get3A_662 : i32 to index
        %get3A_664 = arith.index_cast %add3A_661 : i32 to index
        %get3A_665 = arith.constant 32 : index
        %get3A_666 = tpu.vector_load %arg6[%get3A_663, %get3A_664, %get3A_665] {strides = array<i32>} : memref<2x384x128xf32, #tpu.memory_space<vmem>>, vector<1x1x16xf32>,
        %get3A_667 = vector.shape_cast %get3A_666 : vector<1x1x16xf32> to vector<16xf32>
        %max3A_668 = arith.maximumf %max3A_659, %get3A_667 : vector<16xf32>
        %add3A_669 = arith.constant 8 : i32
        %add3A_670 = arith.addi %mul3A_306, %add3A_669 : i32
        %get3A_671 = arith.constant 1 : i32
        %get3A_672 = arith.index_cast %get3A_671 : i32 to index
        %get3A_673 = arith.index_cast %add3A_670 : i32 to index
        %get3A_674 = arith.constant 32 : index
        %get3A_675 = tpu.vector_load %arg6[%get3A_672, %get3A_673, %get3A_674] {strides = array<i32>} : memref<2x384x128xf32, #tpu.memory_space<vmem>>, vector<1x1x16xf32>,
        %get3A_676 = vector.shape_cast %get3A_675 : vector<1x1x16xf32> to vector<16xf32>
        %max3A_677 = arith.maximumf %max3A_668, %get3A_676 : vector<16xf32>
        %add3A_678 = arith.constant 9 : i32
        %add3A_679 = arith.addi %mul3A_306, %add3A_678 : i32
        %get3A_680 = arith.constant 1 : i32
        %get3A_681 = arith.index_cast %get3A_680 : i32 to index
        %get3A_682 = arith.index_cast %add3A_679 : i32 to index
        %get3A_683 = arith.constant 32 : index
        %get3A_684 = tpu.vector_load %arg6[%get3A_681, %get3A_682, %get3A_683] {strides = array<i32>} : memref<2x384x128xf32, #tpu.memory_space<vmem>>, vector<1x1x16xf32>,
        %get3A_685 = vector.shape_cast %get3A_684 : vector<1x1x16xf32> to vector<16xf32>
        %max3A_686 = arith.maximumf %max3A_677, %get3A_685 : vector<16xf32>
        %add3A_687 = arith.constant 10 : i32
        %add3A_688 = arith.addi %mul3A_306, %add3A_687 : i32
        %get3A_689 = arith.constant 1 : i32
        %get3A_690 = arith.index_cast %get3A_689 : i32 to index
        %get3A_691 = arith.index_cast %add3A_688 : i32 to index
        %get3A_692 = arith.constant 32 : index
        %get3A_693 = tpu.vector_load %arg6[%get3A_690, %get3A_691, %get3A_692] {strides = array<i32>} : memref<2x384x128xf32, #tpu.memory_space<vmem>>, vector<1x1x16xf32>,
        %get3A_694 = vector.shape_cast %get3A_693 : vector<1x1x16xf32> to vector<16xf32>
        %max3A_695 = arith.maximumf %max3A_686, %get3A_694 : vector<16xf32>
        %add3A_696 = arith.constant 11 : i32
        %add3A_697 = arith.addi %mul3A_306, %add3A_696 : i32
        %get3A_698 = arith.constant 1 : i32
        %get3A_699 = arith.index_cast %get3A_698 : i32 to index
        %get3A_700 = arith.index_cast %add3A_697 : i32 to index
        %get3A_701 = arith.constant 32 : index
        %get3A_702 = tpu.vector_load %arg6[%get3A_699, %get3A_700, %get3A_701] {strides = array<i32>} : memref<2x384x128xf32, #tpu.memory_space<vmem>>, vector<1x1x16xf32>,
        %get3A_703 = vector.shape_cast %get3A_702 : vector<1x1x16xf32> to vector<16xf32>
        %max3A_704 = arith.maximumf %max3A_695, %get3A_703 : vector<16xf32>
        %add3A_705 = arith.constant 12 : i32
        %add3A_706 = arith.addi %mul3A_306, %add3A_705 : i32
        %get3A_707 = arith.constant 1 : i32
        %get3A_708 = arith.index_cast %get3A_707 : i32 to index
        %get3A_709 = arith.index_cast %add3A_706 : i32 to index
        %get3A_710 = arith.constant 32 : index
        %get3A_711 = tpu.vector_load %arg6[%get3A_708, %get3A_709, %get3A_710] {strides = array<i32>} : memref<2x384x128xf32, #tpu.memory_space<vmem>>, vector<1x1x16xf32>,
        %get3A_712 = vector.shape_cast %get3A_711 : vector<1x1x16xf32> to vector<16xf32>
        %max3A_713 = arith.maximumf %max3A_704, %get3A_712 : vector<16xf32>
        %add3A_714 = arith.constant 13 : i32
        %add3A_715 = arith.addi %mul3A_306, %add3A_714 : i32
        %get3A_716 = arith.constant 1 : i32
        %get3A_717 = arith.index_cast %get3A_716 : i32 to index
        %get3A_718 = arith.index_cast %add3A_715 : i32 to index
        %get3A_719 = arith.constant 32 : index
        %get3A_720 = tpu.vector_load %arg6[%get3A_717, %get3A_718, %get3A_719] {strides = array<i32>} : memref<2x384x128xf32, #tpu.memory_space<vmem>>, vector<1x1x16xf32>,
        %get3A_721 = vector.shape_cast %get3A_720 : vector<1x1x16xf32> to vector<16xf32>
        %max3A_722 = arith.maximumf %max3A_713, %get3A_721 : vector<16xf32>
        %add3A_723 = arith.constant 14 : i32
        %add3A_724 = arith.addi %mul3A_306, %add3A_723 : i32
        %get3A_725 = arith.constant 1 : i32
        %get3A_726 = arith.index_cast %get3A_725 : i32 to index
        %get3A_727 = arith.index_cast %add3A_724 : i32 to index
        %get3A_728 = arith.constant 32 : index
        %get3A_729 = tpu.vector_load %arg6[%get3A_726, %get3A_727, %get3A_728] {strides = array<i32>} : memref<2x384x128xf32, #tpu.memory_space<vmem>>, vector<1x1x16xf32>,
        %get3A_730 = vector.shape_cast %get3A_729 : vector<1x1x16xf32> to vector<16xf32>
        %max3A_731 = arith.maximumf %max3A_722, %get3A_730 : vector<16xf32>
        %add3A_732 = arith.constant 15 : i32
        %add3A_733 = arith.addi %mul3A_306, %add3A_732 : i32
        %get3A_734 = arith.constant 1 : i32
        %get3A_735 = arith.index_cast %get3A_734 : i32 to index
        %get3A_736 = arith.index_cast %add3A_733 : i32 to index
        %get3A_737 = arith.constant 32 : index
        %get3A_738 = tpu.vector_load %arg6[%get3A_735, %get3A_736, %get3A_737] {strides = array<i32>} : memref<2x384x128xf32, #tpu.memory_space<vmem>>, vector<1x1x16xf32>,
        %get3A_739 = vector.shape_cast %get3A_738 : vector<1x1x16xf32> to vector<16xf32>
        %max3A_740 = arith.maximumf %max3A_731, %get3A_739 : vector<16xf32>
        %swap3A_741 = arith.constant 1 : i32
        %swap3A_742 = arith.index_cast %swap3A_741 : i32 to index
        %swap3A_743 = arith.index_cast %scan3A_303 : i32 to index
        %swap3A_744 = arith.constant 32 : index
        %swap3A_745 = tpu.vector_load %arg7[%swap3A_742, %swap3A_743, %swap3A_744] {strides = array<i32>} : memref<2x24x128xf32, #tpu.memory_space<vmem>>, vector<1x1x16xf32>,
        %swap3A_746 = vector.shape_cast %swap3A_745 : vector<1x1x16xf32> to vector<16xf32>
        %swap3A_747 = vector.shape_cast %max3A_740 : vector<16xf32> to vector<1x1x16xf32>
        tpu.vector_store %arg7[%swap3A_742, %swap3A_743, %swap3A_744], %swap3A_747 {strides = array<i32>} : memref<2x24x128xf32, #tpu.memory_space<vmem>>, vector<1x1x16xf32>,
        %get3A_748 = arith.constant 1 : i32
        %get3A_749 = arith.index_cast %get3A_748 : i32 to index
        %get3A_750 = arith.index_cast %mul3A_306 : i32 to index
        %get3A_751 = arith.constant 48 : index
        %get3A_752 = tpu.vector_load %arg6[%get3A_749, %get3A_750, %get3A_751] {strides = array<i32>} : memref<2x384x128xf32, #tpu.memory_space<vmem>>, vector<1x1x16xf32>,
        %get3A_753 = vector.shape_cast %get3A_752 : vector<1x1x16xf32> to vector<16xf32>
        %add3A_754 = arith.constant 1 : i32
        %add3A_755 = arith.addi %mul3A_306, %add3A_754 : i32
        %get3A_756 = arith.constant 1 : i32
        %get3A_757 = arith.index_cast %get3A_756 : i32 to index
        %get3A_758 = arith.index_cast %add3A_755 : i32 to index
        %get3A_759 = arith.constant 48 : index
        %get3A_760 = tpu.vector_load %arg6[%get3A_757, %get3A_758, %get3A_759] {strides = array<i32>} : memref<2x384x128xf32, #tpu.memory_space<vmem>>, vector<1x1x16xf32>,
        %get3A_761 = vector.shape_cast %get3A_760 : vector<1x1x16xf32> to vector<16xf32>
        %max3A_762 = arith.maximumf %get3A_753, %get3A_761 : vector<16xf32>
        %add3A_763 = arith.constant 2 : i32
        %add3A_764 = arith.addi %mul3A_306, %add3A_763 : i32
        %get3A_765 = arith.constant 1 : i32
        %get3A_766 = arith.index_cast %get3A_765 : i32 to index
        %get3A_767 = arith.index_cast %add3A_764 : i32 to index
        %get3A_768 = arith.constant 48 : index
        %get3A_769 = tpu.vector_load %arg6[%get3A_766, %get3A_767, %get3A_768] {strides = array<i32>} : memref<2x384x128xf32, #tpu.memory_space<vmem>>, vector<1x1x16xf32>,
        %get3A_770 = vector.shape_cast %get3A_769 : vector<1x1x16xf32> to vector<16xf32>
        %max3A_771 = arith.maximumf %max3A_762, %get3A_770 : vector<16xf32>
        %add3A_772 = arith.constant 3 : i32
        %add3A_773 = arith.addi %mul3A_306, %add3A_772 : i32
        %get3A_774 = arith.constant 1 : i32
        %get3A_775 = arith.index_cast %get3A_774 : i32 to index
        %get3A_776 = arith.index_cast %add3A_773 : i32 to index
        %get3A_777 = arith.constant 48 : index
        %get3A_778 = tpu.vector_load %arg6[%get3A_775, %get3A_776, %get3A_777] {strides = array<i32>} : memref<2x384x128xf32, #tpu.memory_space<vmem>>, vector<1x1x16xf32>,
        %get3A_779 = vector.shape_cast %get3A_778 : vector<1x1x16xf32> to vector<16xf32>
        %max3A_780 = arith.maximumf %max3A_771, %get3A_779 : vector<16xf32>
        %add3A_781 = arith.constant 4 : i32
        %add3A_782 = arith.addi %mul3A_306, %add3A_781 : i32
        %get3A_783 = arith.constant 1 : i32
        %get3A_784 = arith.index_cast %get3A_783 : i32 to index
        %get3A_785 = arith.index_cast %add3A_782 : i32 to index
        %get3A_786 = arith.constant 48 : index
        %get3A_787 = tpu.vector_load %arg6[%get3A_784, %get3A_785, %get3A_786] {strides = array<i32>} : memref<2x384x128xf32, #tpu.memory_space<vmem>>, vector<1x1x16xf32>,
        %get3A_788 = vector.shape_cast %get3A_787 : vector<1x1x16xf32> to vector<16xf32>
        %max3A_789 = arith.maximumf %max3A_780, %get3A_788 : vector<16xf32>
        %add3A_790 = arith.constant 5 : i32
        %add3A_791 = arith.addi %mul3A_306, %add3A_790 : i32
        %get3A_792 = arith.constant 1 : i32
        %get3A_793 = arith.index_cast %get3A_792 : i32 to index
        %get3A_794 = arith.index_cast %add3A_791 : i32 to index
        %get3A_795 = arith.constant 48 : index
        %get3A_796 = tpu.vector_load %arg6[%get3A_793, %get3A_794, %get3A_795] {strides = array<i32>} : memref<2x384x128xf32, #tpu.memory_space<vmem>>, vector<1x1x16xf32>,
        %get3A_797 = vector.shape_cast %get3A_796 : vector<1x1x16xf32> to vector<16xf32>
        %max3A_798 = arith.maximumf %max3A_789, %get3A_797 : vector<16xf32>
        %add3A_799 = arith.constant 6 : i32
        %add3A_800 = arith.addi %mul3A_306, %add3A_799 : i32
        %get3A_801 = arith.constant 1 : i32
        %get3A_802 = arith.index_cast %get3A_801 : i32 to index
        %get3A_803 = arith.index_cast %add3A_800 : i32 to index
        %get3A_804 = arith.constant 48 : index
        %get3A_805 = tpu.vector_load %arg6[%get3A_802, %get3A_803, %get3A_804] {strides = array<i32>} : memref<2x384x128xf32, #tpu.memory_space<vmem>>, vector<1x1x16xf32>,
        %get3A_806 = vector.shape_cast %get3A_805 : vector<1x1x16xf32> to vector<16xf32>
        %max3A_807 = arith.maximumf %max3A_798, %get3A_806 : vector<16xf32>
        %add3A_808 = arith.constant 7 : i32
        %add3A_809 = arith.addi %mul3A_306, %add3A_808 : i32
        %get3A_810 = arith.constant 1 : i32
        %get3A_811 = arith.index_cast %get3A_810 : i32 to index
        %get3A_812 = arith.index_cast %add3A_809 : i32 to index
        %get3A_813 = arith.constant 48 : index
        %get3A_814 = tpu.vector_load %arg6[%get3A_811, %get3A_812, %get3A_813] {strides = array<i32>} : memref<2x384x128xf32, #tpu.memory_space<vmem>>, vector<1x1x16xf32>,
        %get3A_815 = vector.shape_cast %get3A_814 : vector<1x1x16xf32> to vector<16xf32>
        %max3A_816 = arith.maximumf %max3A_807, %get3A_815 : vector<16xf32>
        %add3A_817 = arith.constant 8 : i32
        %add3A_818 = arith.addi %mul3A_306, %add3A_817 : i32
        %get3A_819 = arith.constant 1 : i32
        %get3A_820 = arith.index_cast %get3A_819 : i32 to index
        %get3A_821 = arith.index_cast %add3A_818 : i32 to index
        %get3A_822 = arith.constant 48 : index
        %get3A_823 = tpu.vector_load %arg6[%get3A_820, %get3A_821, %get3A_822] {strides = array<i32>} : memref<2x384x128xf32, #tpu.memory_space<vmem>>, vector<1x1x16xf32>,
        %get3A_824 = vector.shape_cast %get3A_823 : vector<1x1x16xf32> to vector<16xf32>
        %max3A_825 = arith.maximumf %max3A_816, %get3A_824 : vector<16xf32>
        %add3A_826 = arith.constant 9 : i32
        %add3A_827 = arith.addi %mul3A_306, %add3A_826 : i32
        %get3A_828 = arith.constant 1 : i32
        %get3A_829 = arith.index_cast %get3A_828 : i32 to index
        %get3A_830 = arith.index_cast %add3A_827 : i32 to index
        %get3A_831 = arith.constant 48 : index
        %get3A_832 = tpu.vector_load %arg6[%get3A_829, %get3A_830, %get3A_831] {strides = array<i32>} : memref<2x384x128xf32, #tpu.memory_space<vmem>>, vector<1x1x16xf32>,
        %get3A_833 = vector.shape_cast %get3A_832 : vector<1x1x16xf32> to vector<16xf32>
        %max3A_834 = arith.maximumf %max3A_825, %get3A_833 : vector<16xf32>
        %add3A_835 = arith.constant 10 : i32
        %add3A_836 = arith.addi %mul3A_306, %add3A_835 : i32
        %get3A_837 = arith.constant 1 : i32
        %get3A_838 = arith.index_cast %get3A_837 : i32 to index
        %get3A_839 = arith.index_cast %add3A_836 : i32 to index
        %get3A_840 = arith.constant 48 : index
        %get3A_841 = tpu.vector_load %arg6[%get3A_838, %get3A_839, %get3A_840] {strides = array<i32>} : memref<2x384x128xf32, #tpu.memory_space<vmem>>, vector<1x1x16xf32>,
        %get3A_842 = vector.shape_cast %get3A_841 : vector<1x1x16xf32> to vector<16xf32>
        %max3A_843 = arith.maximumf %max3A_834, %get3A_842 : vector<16xf32>
        %add3A_844 = arith.constant 11 : i32
        %add3A_845 = arith.addi %mul3A_306, %add3A_844 : i32
        %get3A_846 = arith.constant 1 : i32
        %get3A_847 = arith.index_cast %get3A_846 : i32 to index
        %get3A_848 = arith.index_cast %add3A_845 : i32 to index
        %get3A_849 = arith.constant 48 : index
        %get3A_850 = tpu.vector_load %arg6[%get3A_847, %get3A_848, %get3A_849] {strides = array<i32>} : memref<2x384x128xf32, #tpu.memory_space<vmem>>, vector<1x1x16xf32>,
        %get3A_851 = vector.shape_cast %get3A_850 : vector<1x1x16xf32> to vector<16xf32>
        %max3A_852 = arith.maximumf %max3A_843, %get3A_851 : vector<16xf32>
        %add3A_853 = arith.constant 12 : i32
        %add3A_854 = arith.addi %mul3A_306, %add3A_853 : i32
        %get3A_855 = arith.constant 1 : i32
        %get3A_856 = arith.index_cast %get3A_855 : i32 to index
        %get3A_857 = arith.index_cast %add3A_854 : i32 to index
        %get3A_858 = arith.constant 48 : index
        %get3A_859 = tpu.vector_load %arg6[%get3A_856, %get3A_857, %get3A_858] {strides = array<i32>} : memref<2x384x128xf32, #tpu.memory_space<vmem>>, vector<1x1x16xf32>,
        %get3A_860 = vector.shape_cast %get3A_859 : vector<1x1x16xf32> to vector<16xf32>
        %max3A_861 = arith.maximumf %max3A_852, %get3A_860 : vector<16xf32>
        %add3A_862 = arith.constant 13 : i32
        %add3A_863 = arith.addi %mul3A_306, %add3A_862 : i32
        %get3A_864 = arith.constant 1 : i32
        %get3A_865 = arith.index_cast %get3A_864 : i32 to index
        %get3A_866 = arith.index_cast %add3A_863 : i32 to index
        %get3A_867 = arith.constant 48 : index
        %get3A_868 = tpu.vector_load %arg6[%get3A_865, %get3A_866, %get3A_867] {strides = array<i32>} : memref<2x384x128xf32, #tpu.memory_space<vmem>>, vector<1x1x16xf32>,
        %get3A_869 = vector.shape_cast %get3A_868 : vector<1x1x16xf32> to vector<16xf32>
        %max3A_870 = arith.maximumf %max3A_861, %get3A_869 : vector<16xf32>
        %add3A_871 = arith.constant 14 : i32
        %add3A_872 = arith.addi %mul3A_306, %add3A_871 : i32
        %get3A_873 = arith.constant 1 : i32
        %get3A_874 = arith.index_cast %get3A_873 : i32 to index
        %get3A_875 = arith.index_cast %add3A_872 : i32 to index
        %get3A_876 = arith.constant 48 : index
        %get3A_877 = tpu.vector_load %arg6[%get3A_874, %get3A_875, %get3A_876] {strides = array<i32>} : memref<2x384x128xf32, #tpu.memory_space<vmem>>, vector<1x1x16xf32>,
        %get3A_878 = vector.shape_cast %get3A_877 : vector<1x1x16xf32> to vector<16xf32>
        %max3A_879 = arith.maximumf %max3A_870, %get3A_878 : vector<16xf32>
        %add3A_880 = arith.constant 15 : i32
        %add3A_881 = arith.addi %mul3A_306, %add3A_880 : i32
        %get3A_882 = arith.constant 1 : i32
        %get3A_883 = arith.index_cast %get3A_882 : i32 to index
        %get3A_884 = arith.index_cast %add3A_881 : i32 to index
        %get3A_885 = arith.constant 48 : index
        %get3A_886 = tpu.vector_load %arg6[%get3A_883, %get3A_884, %get3A_885] {strides = array<i32>} : memref<2x384x128xf32, #tpu.memory_space<vmem>>, vector<1x1x16xf32>,
        %get3A_887 = vector.shape_cast %get3A_886 : vector<1x1x16xf32> to vector<16xf32>
        %max3A_888 = arith.maximumf %max3A_879, %get3A_887 : vector<16xf32>
        %swap3A_889 = arith.constant 1 : i32
        %swap3A_890 = arith.index_cast %swap3A_889 : i32 to index
        %swap3A_891 = arith.index_cast %scan3A_303 : i32 to index
        %swap3A_892 = arith.constant 48 : index
        %swap3A_893 = tpu.vector_load %arg7[%swap3A_890, %swap3A_891, %swap3A_892] {strides = array<i32>} : memref<2x24x128xf32, #tpu.memory_space<vmem>>, vector<1x1x16xf32>,
        %swap3A_894 = vector.shape_cast %swap3A_893 : vector<1x1x16xf32> to vector<16xf32>
        %swap3A_895 = vector.shape_cast %max3A_888 : vector<16xf32> to vector<1x1x16xf32>
        tpu.vector_store %arg7[%swap3A_890, %swap3A_891, %swap3A_892], %swap3A_895 {strides = array<i32>} : memref<2x24x128xf32, #tpu.memory_space<vmem>>, vector<1x1x16xf32>,
        %get3A_896 = arith.constant 1 : i32
        %get3A_897 = arith.index_cast %get3A_896 : i32 to index
        %get3A_898 = arith.index_cast %mul3A_306 : i32 to index
        %get3A_899 = arith.constant 64 : index
        %get3A_900 = tpu.vector_load %arg6[%get3A_897, %get3A_898, %get3A_899] {strides = array<i32>} : memref<2x384x128xf32, #tpu.memory_space<vmem>>, vector<1x1x16xf32>,
        %get3A_901 = vector.shape_cast %get3A_900 : vector<1x1x16xf32> to vector<16xf32>
        %add3A_902 = arith.constant 1 : i32
        %add3A_903 = arith.addi %mul3A_306, %add3A_902 : i32
        %get3A_904 = arith.constant 1 : i32
        %get3A_905 = arith.index_cast %get3A_904 : i32 to index
        %get3A_906 = arith.index_cast %add3A_903 : i32 to index
        %get3A_907 = arith.constant 64 : index
        %get3A_908 = tpu.vector_load %arg6[%get3A_905, %get3A_906, %get3A_907] {strides = array<i32>} : memref<2x384x128xf32, #tpu.memory_space<vmem>>, vector<1x1x16xf32>,
        %get3A_909 = vector.shape_cast %get3A_908 : vector<1x1x16xf32> to vector<16xf32>
        %max3A_910 = arith.maximumf %get3A_901, %get3A_909 : vector<16xf32>
        %add3A_911 = arith.constant 2 : i32
        %add3A_912 = arith.addi %mul3A_306, %add3A_911 : i32
        %get3A_913 = arith.constant 1 : i32
        %get3A_914 = arith.index_cast %get3A_913 : i32 to index
        %get3A_915 = arith.index_cast %add3A_912 : i32 to index
        %get3A_916 = arith.constant 64 : index
        %get3A_917 = tpu.vector_load %arg6[%get3A_914, %get3A_915, %get3A_916] {strides = array<i32>} : memref<2x384x128xf32, #tpu.memory_space<vmem>>, vector<1x1x16xf32>,
        %get3A_918 = vector.shape_cast %get3A_917 : vector<1x1x16xf32> to vector<16xf32>
        %max3A_919 = arith.maximumf %max3A_910, %get3A_918 : vector<16xf32>
        %add3A_920 = arith.constant 3 : i32
        %add3A_921 = arith.addi %mul3A_306, %add3A_920 : i32
        %get3A_922 = arith.constant 1 : i32
        %get3A_923 = arith.index_cast %get3A_922 : i32 to index
        %get3A_924 = arith.index_cast %add3A_921 : i32 to index
        %get3A_925 = arith.constant 64 : index
        %get3A_926 = tpu.vector_load %arg6[%get3A_923, %get3A_924, %get3A_925] {strides = array<i32>} : memref<2x384x128xf32, #tpu.memory_space<vmem>>, vector<1x1x16xf32>,
        %get3A_927 = vector.shape_cast %get3A_926 : vector<1x1x16xf32> to vector<16xf32>
        %max3A_928 = arith.maximumf %max3A_919, %get3A_927 : vector<16xf32>
        %add3A_929 = arith.constant 4 : i32
        %add3A_930 = arith.addi %mul3A_306, %add3A_929 : i32
        %get3A_931 = arith.constant 1 : i32
        %get3A_932 = arith.index_cast %get3A_931 : i32 to index
        %get3A_933 = arith.index_cast %add3A_930 : i32 to index
        %get3A_934 = arith.constant 64 : index
        %get3A_935 = tpu.vector_load %arg6[%get3A_932, %get3A_933, %get3A_934] {strides = array<i32>} : memref<2x384x128xf32, #tpu.memory_space<vmem>>, vector<1x1x16xf32>,
        %get3A_936 = vector.shape_cast %get3A_935 : vector<1x1x16xf32> to vector<16xf32>
        %max3A_937 = arith.maximumf %max3A_928, %get3A_936 : vector<16xf32>
        %add3A_938 = arith.constant 5 : i32
        %add3A_939 = arith.addi %mul3A_306, %add3A_938 : i32
        %get3A_940 = arith.constant 1 : i32
        %get3A_941 = arith.index_cast %get3A_940 : i32 to index
        %get3A_942 = arith.index_cast %add3A_939 : i32 to index
        %get3A_943 = arith.constant 64 : index
        %get3A_944 = tpu.vector_load %arg6[%get3A_941, %get3A_942, %get3A_943] {strides = array<i32>} : memref<2x384x128xf32, #tpu.memory_space<vmem>>, vector<1x1x16xf32>,
        %get3A_945 = vector.shape_cast %get3A_944 : vector<1x1x16xf32> to vector<16xf32>
        %max3A_946 = arith.maximumf %max3A_937, %get3A_945 : vector<16xf32>
        %add3A_947 = arith.constant 6 : i32
        %add3A_948 = arith.addi %mul3A_306, %add3A_947 : i32
        %get3A_949 = arith.constant 1 : i32
        %get3A_950 = arith.index_cast %get3A_949 : i32 to index
        %get3A_951 = arith.index_cast %add3A_948 : i32 to index
        %get3A_952 = arith.constant 64 : index
        %get3A_953 = tpu.vector_load %arg6[%get3A_950, %get3A_951, %get3A_952] {strides = array<i32>} : memref<2x384x128xf32, #tpu.memory_space<vmem>>, vector<1x1x16xf32>,
        %get3A_954 = vector.shape_cast %get3A_953 : vector<1x1x16xf32> to vector<16xf32>
        %max3A_955 = arith.maximumf %max3A_946, %get3A_954 : vector<16xf32>
        %add3A_956 = arith.constant 7 : i32
        %add3A_957 = arith.addi %mul3A_306, %add3A_956 : i32
        %get3A_958 = arith.constant 1 : i32
        %get3A_959 = arith.index_cast %get3A_958 : i32 to index
        %get3A_960 = arith.index_cast %add3A_957 : i32 to index
        %get3A_961 = arith.constant 64 : index
        %get3A_962 = tpu.vector_load %arg6[%get3A_959, %get3A_960, %get3A_961] {strides = array<i32>} : memref<2x384x128xf32, #tpu.memory_space<vmem>>, vector<1x1x16xf32>,
        %get3A_963 = vector.shape_cast %get3A_962 : vector<1x1x16xf32> to vector<16xf32>
        %max3A_964 = arith.maximumf %max3A_955, %get3A_963 : vector<16xf32>
        %add3A_965 = arith.constant 8 : i32
        %add3A_966 = arith.addi %mul3A_306, %add3A_965 : i32
        %get3A_967 = arith.constant 1 : i32
        %get3A_968 = arith.index_cast %get3A_967 : i32 to index
        %get3A_969 = arith.index_cast %add3A_966 : i32 to index
        %get3A_970 = arith.constant 64 : index
        %get3A_971 = tpu.vector_load %arg6[%get3A_968, %get3A_969, %get3A_970] {strides = array<i32>} : memref<2x384x128xf32, #tpu.memory_space<vmem>>, vector<1x1x16xf32>,
        %get3A_972 = vector.shape_cast %get3A_971 : vector<1x1x16xf32> to vector<16xf32>
        %max3A_973 = arith.maximumf %max3A_964, %get3A_972 : vector<16xf32>
        %add3A_974 = arith.constant 9 : i32
        %add3A_975 = arith.addi %mul3A_306, %add3A_974 : i32
        %get3A_976 = arith.constant 1 : i32
        %get3A_977 = arith.index_cast %get3A_976 : i32 to index
        %get3A_978 = arith.index_cast %add3A_975 : i32 to index
        %get3A_979 = arith.constant 64 : index
        %get3A_980 = tpu.vector_load %arg6[%get3A_977, %get3A_978, %get3A_979] {strides = array<i32>} : memref<2x384x128xf32, #tpu.memory_space<vmem>>, vector<1x1x16xf32>,
        %get3A_981 = vector.shape_cast %get3A_980 : vector<1x1x16xf32> to vector<16xf32>
        %max3A_982 = arith.maximumf %max3A_973, %get3A_981 : vector<16xf32>
        %add3A_983 = arith.constant 10 : i32
        %add3A_984 = arith.addi %mul3A_306, %add3A_983 : i32
        %get3A_985 = arith.constant 1 : i32
        %get3A_986 = arith.index_cast %get3A_985 : i32 to index
        %get3A_987 = arith.index_cast %add3A_984 : i32 to index
        %get3A_988 = arith.constant 64 : index
        %get3A_989 = tpu.vector_load %arg6[%get3A_986, %get3A_987, %get3A_988] {strides = array<i32>} : memref<2x384x128xf32, #tpu.memory_space<vmem>>, vector<1x1x16xf32>,
        %get3A_990 = vector.shape_cast %get3A_989 : vector<1x1x16xf32> to vector<16xf32>
        %max3A_991 = arith.maximumf %max3A_982, %get3A_990 : vector<16xf32>
        %add3A_992 = arith.constant 11 : i32
        %add3A_993 = arith.addi %mul3A_306, %add3A_992 : i32
        %get3A_994 = arith.constant 1 : i32
        %get3A_995 = arith.index_cast %get3A_994 : i32 to index
        %get3A_996 = arith.index_cast %add3A_993 : i32 to index
        %get3A_997 = arith.constant 64 : index
        %get3A_998 = tpu.vector_load %arg6[%get3A_995, %get3A_996, %get3A_997] {strides = array<i32>} : memref<2x384x128xf32, #tpu.memory_space<vmem>>, vector<1x1x16xf32>,
        %get3A_999 = vector.shape_cast %get3A_998 : vector<1x1x16xf32> to vector<16xf32>
        %max3A_1000 = arith.maximumf %max3A_991, %get3A_999 : vector<16xf32>
        %add3A_1001 = arith.constant 12 : i32
        %add3A_1002 = arith.addi %mul3A_306, %add3A_1001 : i32
        %get3A_1003 = arith.constant 1 : i32
        %get3A_1004 = arith.index_cast %get3A_1003 : i32 to index
        %get3A_1005 = arith.index_cast %add3A_1002 : i32 to index
        %get3A_1006 = arith.constant 64 : index
        %get3A_1007 = tpu.vector_load %arg6[%get3A_1004, %get3A_1005, %get3A_1006] {strides = array<i32>} : memref<2x384x128xf32, #tpu.memory_space<vmem>>, vector<1x1x16xf32>,
        %get3A_1008 = vector.shape_cast %get3A_1007 : vector<1x1x16xf32> to vector<16xf32>
        %max3A_1009 = arith.maximumf %max3A_1000, %get3A_1008 : vector<16xf32>
        %add3A_1010 = arith.constant 13 : i32
        %add3A_1011 = arith.addi %mul3A_306, %add3A_1010 : i32
        %get3A_1012 = arith.constant 1 : i32
        %get3A_1013 = arith.index_cast %get3A_1012 : i32 to index
        %get3A_1014 = arith.index_cast %add3A_1011 : i32 to index
        %get3A_1015 = arith.constant 64 : index
        %get3A_1016 = tpu.vector_load %arg6[%get3A_1013, %get3A_1014, %get3A_1015] {strides = array<i32>} : memref<2x384x128xf32, #tpu.memory_space<vmem>>, vector<1x1x16xf32>,
        %get3A_1017 = vector.shape_cast %get3A_1016 : vector<1x1x16xf32> to vector<16xf32>
        %max3A_1018 = arith.maximumf %max3A_1009, %get3A_1017 : vector<16xf32>
        %add3A_1019 = arith.constant 14 : i32
        %add3A_1020 = arith.addi %mul3A_306, %add3A_1019 : i32
        %get3A_1021 = arith.constant 1 : i32
        %get3A_1022 = arith.index_cast %get3A_1021 : i32 to index
        %get3A_1023 = arith.index_cast %add3A_1020 : i32 to index
        %get3A_1024 = arith.constant 64 : index
        %get3A_1025 = tpu.vector_load %arg6[%get3A_1022, %get3A_1023, %get3A_1024] {strides = array<i32>} : memref<2x384x128xf32, #tpu.memory_space<vmem>>, vector<1x1x16xf32>,
        %get3A_1026 = vector.shape_cast %get3A_1025 : vector<1x1x16xf32> to vector<16xf32>
        %max3A_1027 = arith.maximumf %max3A_1018, %get3A_1026 : vector<16xf32>
        %add3A_1028 = arith.constant 15 : i32
        %add3A_1029 = arith.addi %mul3A_306, %add3A_1028 : i32
        %get3A_1030 = arith.constant 1 : i32
        %get3A_1031 = arith.index_cast %get3A_1030 : i32 to index
        %get3A_1032 = arith.index_cast %add3A_1029 : i32 to index
        %get3A_1033 = arith.constant 64 : index
        %get3A_1034 = tpu.vector_load %arg6[%get3A_1031, %get3A_1032, %get3A_1033] {strides = array<i32>} : memref<2x384x128xf32, #tpu.memory_space<vmem>>, vector<1x1x16xf32>,
        %get3A_1035 = vector.shape_cast %get3A_1034 : vector<1x1x16xf32> to vector<16xf32>
        %max3A_1036 = arith.maximumf %max3A_1027, %get3A_1035 : vector<16xf32>
        %swap3A_1037 = arith.constant 1 : i32
        %swap3A_1038 = arith.index_cast %swap3A_1037 : i32 to index
        %swap3A_1039 = arith.index_cast %scan3A_303 : i32 to index
        %swap3A_1040 = arith.constant 64 : index
        %swap3A_1041 = tpu.vector_load %arg7[%swap3A_1038, %swap3A_1039, %swap3A_1040] {strides = array<i32>} : memref<2x24x128xf32, #tpu.memory_space<vmem>>, vector<1x1x16xf32>,
        %swap3A_1042 = vector.shape_cast %swap3A_1041 : vector<1x1x16xf32> to vector<16xf32>
        %swap3A_1043 = vector.shape_cast %max3A_1036 : vector<16xf32> to vector<1x1x16xf32>
        tpu.vector_store %arg7[%swap3A_1038, %swap3A_1039, %swap3A_1040], %swap3A_1043 {strides = array<i32>} : memref<2x24x128xf32, #tpu.memory_space<vmem>>, vector<1x1x16xf32>,
        %get3A_1044 = arith.constant 1 : i32
        %get3A_1045 = arith.index_cast %get3A_1044 : i32 to index
        %get3A_1046 = arith.index_cast %mul3A_306 : i32 to index
        %get3A_1047 = arith.constant 80 : index
        %get3A_1048 = tpu.vector_load %arg6[%get3A_1045, %get3A_1046, %get3A_1047] {strides = array<i32>} : memref<2x384x128xf32, #tpu.memory_space<vmem>>, vector<1x1x16xf32>,
        %get3A_1049 = vector.shape_cast %get3A_1048 : vector<1x1x16xf32> to vector<16xf32>
        %add3A_1050 = arith.constant 1 : i32
        %add3A_1051 = arith.addi %mul3A_306, %add3A_1050 : i32
        %get3A_1052 = arith.constant 1 : i32
        %get3A_1053 = arith.index_cast %get3A_1052 : i32 to index
        %get3A_1054 = arith.index_cast %add3A_1051 : i32 to index
        %get3A_1055 = arith.constant 80 : index
        %get3A_1056 = tpu.vector_load %arg6[%get3A_1053, %get3A_1054, %get3A_1055] {strides = array<i32>} : memref<2x384x128xf32, #tpu.memory_space<vmem>>, vector<1x1x16xf32>,
        %get3A_1057 = vector.shape_cast %get3A_1056 : vector<1x1x16xf32> to vector<16xf32>
        %max3A_1058 = arith.maximumf %get3A_1049, %get3A_1057 : vector<16xf32>
        %add3A_1059 = arith.constant 2 : i32
        %add3A_1060 = arith.addi %mul3A_306, %add3A_1059 : i32
        %get3A_1061 = arith.constant 1 : i32
        %get3A_1062 = arith.index_cast %get3A_1061 : i32 to index
        %get3A_1063 = arith.index_cast %add3A_1060 : i32 to index
        %get3A_1064 = arith.constant 80 : index
        %get3A_1065 = tpu.vector_load %arg6[%get3A_1062, %get3A_1063, %get3A_1064] {strides = array<i32>} : memref<2x384x128xf32, #tpu.memory_space<vmem>>, vector<1x1x16xf32>,
        %get3A_1066 = vector.shape_cast %get3A_1065 : vector<1x1x16xf32> to vector<16xf32>
        %max3A_1067 = arith.maximumf %max3A_1058, %get3A_1066 : vector<16xf32>
        %add3A_1068 = arith.constant 3 : i32
        %add3A_1069 = arith.addi %mul3A_306, %add3A_1068 : i32
        %get3A_1070 = arith.constant 1 : i32
        %get3A_1071 = arith.index_cast %get3A_1070 : i32 to index
        %get3A_1072 = arith.index_cast %add3A_1069 : i32 to index
        %get3A_1073 = arith.constant 80 : index
        %get3A_1074 = tpu.vector_load %arg6[%get3A_1071, %get3A_1072, %get3A_1073] {strides = array<i32>} : memref<2x384x128xf32, #tpu.memory_space<vmem>>, vector<1x1x16xf32>,
        %get3A_1075 = vector.shape_cast %get3A_1074 : vector<1x1x16xf32> to vector<16xf32>
        %max3A_1076 = arith.maximumf %max3A_1067, %get3A_1075 : vector<16xf32>
        %add3A_1077 = arith.constant 4 : i32
        %add3A_1078 = arith.addi %mul3A_306, %add3A_1077 : i32
        %get3A_1079 = arith.constant 1 : i32
        %get3A_1080 = arith.index_cast %get3A_1079 : i32 to index
        %get3A_1081 = arith.index_cast %add3A_1078 : i32 to index
        %get3A_1082 = arith.constant 80 : index
        %get3A_1083 = tpu.vector_load %arg6[%get3A_1080, %get3A_1081, %get3A_1082] {strides = array<i32>} : memref<2x384x128xf32, #tpu.memory_space<vmem>>, vector<1x1x16xf32>,
        %get3A_1084 = vector.shape_cast %get3A_1083 : vector<1x1x16xf32> to vector<16xf32>
        %max3A_1085 = arith.maximumf %max3A_1076, %get3A_1084 : vector<16xf32>
        %add3A_1086 = arith.constant 5 : i32
        %add3A_1087 = arith.addi %mul3A_306, %add3A_1086 : i32
        %get3A_1088 = arith.constant 1 : i32
        %get3A_1089 = arith.index_cast %get3A_1088 : i32 to index
        %get3A_1090 = arith.index_cast %add3A_1087 : i32 to index
        %get3A_1091 = arith.constant 80 : index
        %get3A_1092 = tpu.vector_load %arg6[%get3A_1089, %get3A_1090, %get3A_1091] {strides = array<i32>} : memref<2x384x128xf32, #tpu.memory_space<vmem>>, vector<1x1x16xf32>,
        %get3A_1093 = vector.shape_cast %get3A_1092 : vector<1x1x16xf32> to vector<16xf32>
        %max3A_1094 = arith.maximumf %max3A_1085, %get3A_1093 : vector<16xf32>
        %add3A_1095 = arith.constant 6 : i32
        %add3A_1096 = arith.addi %mul3A_306, %add3A_1095 : i32
        %get3A_1097 = arith.constant 1 : i32
        %get3A_1098 = arith.index_cast %get3A_1097 : i32 to index
        %get3A_1099 = arith.index_cast %add3A_1096 : i32 to index
        %get3A_1100 = arith.constant 80 : index
        %get3A_1101 = tpu.vector_load %arg6[%get3A_1098, %get3A_1099, %get3A_1100] {strides = array<i32>} : memref<2x384x128xf32, #tpu.memory_space<vmem>>, vector<1x1x16xf32>,
        %get3A_1102 = vector.shape_cast %get3A_1101 : vector<1x1x16xf32> to vector<16xf32>
        %max3A_1103 = arith.maximumf %max3A_1094, %get3A_1102 : vector<16xf32>
        %add3A_1104 = arith.constant 7 : i32
        %add3A_1105 = arith.addi %mul3A_306, %add3A_1104 : i32
        %get3A_1106 = arith.constant 1 : i32
        %get3A_1107 = arith.index_cast %get3A_1106 : i32 to index
        %get3A_1108 = arith.index_cast %add3A_1105 : i32 to index
        %get3A_1109 = arith.constant 80 : index
        %get3A_1110 = tpu.vector_load %arg6[%get3A_1107, %get3A_1108, %get3A_1109] {strides = array<i32>} : memref<2x384x128xf32, #tpu.memory_space<vmem>>, vector<1x1x16xf32>,
        %get3A_1111 = vector.shape_cast %get3A_1110 : vector<1x1x16xf32> to vector<16xf32>
        %max3A_1112 = arith.maximumf %max3A_1103, %get3A_1111 : vector<16xf32>
        %add3A_1113 = arith.constant 8 : i32
        %add3A_1114 = arith.addi %mul3A_306, %add3A_1113 : i32
        %get3A_1115 = arith.constant 1 : i32
        %get3A_1116 = arith.index_cast %get3A_1115 : i32 to index
        %get3A_1117 = arith.index_cast %add3A_1114 : i32 to index
        %get3A_1118 = arith.constant 80 : index
        %get3A_1119 = tpu.vector_load %arg6[%get3A_1116, %get3A_1117, %get3A_1118] {strides = array<i32>} : memref<2x384x128xf32, #tpu.memory_space<vmem>>, vector<1x1x16xf32>,
        %get3A_1120 = vector.shape_cast %get3A_1119 : vector<1x1x16xf32> to vector<16xf32>
        %max3A_1121 = arith.maximumf %max3A_1112, %get3A_1120 : vector<16xf32>
        %add3A_1122 = arith.constant 9 : i32
        %add3A_1123 = arith.addi %mul3A_306, %add3A_1122 : i32
        %get3A_1124 = arith.constant 1 : i32
        %get3A_1125 = arith.index_cast %get3A_1124 : i32 to index
        %get3A_1126 = arith.index_cast %add3A_1123 : i32 to index
        %get3A_1127 = arith.constant 80 : index
        %get3A_1128 = tpu.vector_load %arg6[%get3A_1125, %get3A_1126, %get3A_1127] {strides = array<i32>} : memref<2x384x128xf32, #tpu.memory_space<vmem>>, vector<1x1x16xf32>,
        %get3A_1129 = vector.shape_cast %get3A_1128 : vector<1x1x16xf32> to vector<16xf32>
        %max3A_1130 = arith.maximumf %max3A_1121, %get3A_1129 : vector<16xf32>
        %add3A_1131 = arith.constant 10 : i32
        %add3A_1132 = arith.addi %mul3A_306, %add3A_1131 : i32
        %get3A_1133 = arith.constant 1 : i32
        %get3A_1134 = arith.index_cast %get3A_1133 : i32 to index
        %get3A_1135 = arith.index_cast %add3A_1132 : i32 to index
        %get3A_1136 = arith.constant 80 : index
        %get3A_1137 = tpu.vector_load %arg6[%get3A_1134, %get3A_1135, %get3A_1136] {strides = array<i32>} : memref<2x384x128xf32, #tpu.memory_space<vmem>>, vector<1x1x16xf32>,
        %get3A_1138 = vector.shape_cast %get3A_1137 : vector<1x1x16xf32> to vector<16xf32>
        %max3A_1139 = arith.maximumf %max3A_1130, %get3A_1138 : vector<16xf32>
        %add3A_1140 = arith.constant 11 : i32
        %add3A_1141 = arith.addi %mul3A_306, %add3A_1140 : i32
        %get3A_1142 = arith.constant 1 : i32
        %get3A_1143 = arith.index_cast %get3A_1142 : i32 to index
        %get3A_1144 = arith.index_cast %add3A_1141 : i32 to index
        %get3A_1145 = arith.constant 80 : index
        %get3A_1146 = tpu.vector_load %arg6[%get3A_1143, %get3A_1144, %get3A_1145] {strides = array<i32>} : memref<2x384x128xf32, #tpu.memory_space<vmem>>, vector<1x1x16xf32>,
        %get3A_1147 = vector.shape_cast %get3A_1146 : vector<1x1x16xf32> to vector<16xf32>
        %max3A_1148 = arith.maximumf %max3A_1139, %get3A_1147 : vector<16xf32>
        %add3A_1149 = arith.constant 12 : i32
        %add3A_1150 = arith.addi %mul3A_306, %add3A_1149 : i32
        %get3A_1151 = arith.constant 1 : i32
        %get3A_1152 = arith.index_cast %get3A_1151 : i32 to index
        %get3A_1153 = arith.index_cast %add3A_1150 : i32 to index
        %get3A_1154 = arith.constant 80 : index
        %get3A_1155 = tpu.vector_load %arg6[%get3A_1152, %get3A_1153, %get3A_1154] {strides = array<i32>} : memref<2x384x128xf32, #tpu.memory_space<vmem>>, vector<1x1x16xf32>,
        %get3A_1156 = vector.shape_cast %get3A_1155 : vector<1x1x16xf32> to vector<16xf32>
        %max3A_1157 = arith.maximumf %max3A_1148, %get3A_1156 : vector<16xf32>
        %add3A_1158 = arith.constant 13 : i32
        %add3A_1159 = arith.addi %mul3A_306, %add3A_1158 : i32
        %get3A_1160 = arith.constant 1 : i32
        %get3A_1161 = arith.index_cast %get3A_1160 : i32 to index
        %get3A_1162 = arith.index_cast %add3A_1159 : i32 to index
        %get3A_1163 = arith.constant 80 : index
        %get3A_1164 = tpu.vector_load %arg6[%get3A_1161, %get3A_1162, %get3A_1163] {strides = array<i32>} : memref<2x384x128xf32, #tpu.memory_space<vmem>>, vector<1x1x16xf32>,
        %get3A_1165 = vector.shape_cast %get3A_1164 : vector<1x1x16xf32> to vector<16xf32>
        %max3A_1166 = arith.maximumf %max3A_1157, %get3A_1165 : vector<16xf32>
        %add3A_1167 = arith.constant 14 : i32
        %add3A_1168 = arith.addi %mul3A_306, %add3A_1167 : i32
        %get3A_1169 = arith.constant 1 : i32
        %get3A_1170 = arith.index_cast %get3A_1169 : i32 to index
        %get3A_1171 = arith.index_cast %add3A_1168 : i32 to index
        %get3A_1172 = arith.constant 80 : index
        %get3A_1173 = tpu.vector_load %arg6[%get3A_1170, %get3A_1171, %get3A_1172] {strides = array<i32>} : memref<2x384x128xf32, #tpu.memory_space<vmem>>, vector<1x1x16xf32>,
        %get3A_1174 = vector.shape_cast %get3A_1173 : vector<1x1x16xf32> to vector<16xf32>
        %max3A_1175 = arith.maximumf %max3A_1166, %get3A_1174 : vector<16xf32>
        %add3A_1176 = arith.constant 15 : i32
        %add3A_1177 = arith.addi %mul3A_306, %add3A_1176 : i32
        %get3A_1178 = arith.constant 1 : i32
        %get3A_1179 = arith.index_cast %get3A_1178 : i32 to index
        %get3A_1180 = arith.index_cast %add3A_1177 : i32 to index
        %get3A_1181 = arith.constant 80 : index
        %get3A_1182 = tpu.vector_load %arg6[%get3A_1179, %get3A_1180, %get3A_1181] {strides = array<i32>} : memref<2x384x128xf32, #tpu.memory_space<vmem>>, vector<1x1x16xf32>,
        %get3A_1183 = vector.shape_cast %get3A_1182 : vector<1x1x16xf32> to vector<16xf32>
        %max3A_1184 = arith.maximumf %max3A_1175, %get3A_1183 : vector<16xf32>
        %swap3A_1185 = arith.constant 1 : i32
        %swap3A_1186 = arith.index_cast %swap3A_1185 : i32 to index
        %swap3A_1187 = arith.index_cast %scan3A_303 : i32 to index
        %swap3A_1188 = arith.constant 80 : index
        %swap3A_1189 = tpu.vector_load %arg7[%swap3A_1186, %swap3A_1187, %swap3A_1188] {strides = array<i32>} : memref<2x24x128xf32, #tpu.memory_space<vmem>>, vector<1x1x16xf32>,
        %swap3A_1190 = vector.shape_cast %swap3A_1189 : vector<1x1x16xf32> to vector<16xf32>
        %swap3A_1191 = vector.shape_cast %max3A_1184 : vector<16xf32> to vector<1x1x16xf32>
        tpu.vector_store %arg7[%swap3A_1186, %swap3A_1187, %swap3A_1188], %swap3A_1191 {strides = array<i32>} : memref<2x24x128xf32, #tpu.memory_space<vmem>>, vector<1x1x16xf32>,
        %get3A_1192 = arith.constant 1 : i32
        %get3A_1193 = arith.index_cast %get3A_1192 : i32 to index
        %get3A_1194 = arith.index_cast %mul3A_306 : i32 to index
        %get3A_1195 = arith.constant 96 : index
        %get3A_1196 = tpu.vector_load %arg6[%get3A_1193, %get3A_1194, %get3A_1195] {strides = array<i32>} : memref<2x384x128xf32, #tpu.memory_space<vmem>>, vector<1x1x16xf32>,
        %get3A_1197 = vector.shape_cast %get3A_1196 : vector<1x1x16xf32> to vector<16xf32>
        %add3A_1198 = arith.constant 1 : i32
        %add3A_1199 = arith.addi %mul3A_306, %add3A_1198 : i32
        %get3A_1200 = arith.constant 1 : i32
        %get3A_1201 = arith.index_cast %get3A_1200 : i32 to index
        %get3A_1202 = arith.index_cast %add3A_1199 : i32 to index
        %get3A_1203 = arith.constant 96 : index
        %get3A_1204 = tpu.vector_load %arg6[%get3A_1201, %get3A_1202, %get3A_1203] {strides = array<i32>} : memref<2x384x128xf32, #tpu.memory_space<vmem>>, vector<1x1x16xf32>,
        %get3A_1205 = vector.shape_cast %get3A_1204 : vector<1x1x16xf32> to vector<16xf32>
        %max3A_1206 = arith.maximumf %get3A_1197, %get3A_1205 : vector<16xf32>
        %add3A_1207 = arith.constant 2 : i32
        %add3A_1208 = arith.addi %mul3A_306, %add3A_1207 : i32
        %get3A_1209 = arith.constant 1 : i32
        %get3A_1210 = arith.index_cast %get3A_1209 : i32 to index
        %get3A_1211 = arith.index_cast %add3A_1208 : i32 to index
        %get3A_1212 = arith.constant 96 : index
        %get3A_1213 = tpu.vector_load %arg6[%get3A_1210, %get3A_1211, %get3A_1212] {strides = array<i32>} : memref<2x384x128xf32, #tpu.memory_space<vmem>>, vector<1x1x16xf32>,
        %get3A_1214 = vector.shape_cast %get3A_1213 : vector<1x1x16xf32> to vector<16xf32>
        %max3A_1215 = arith.maximumf %max3A_1206, %get3A_1214 : vector<16xf32>
        %add3A_1216 = arith.constant 3 : i32
        %add3A_1217 = arith.addi %mul3A_306, %add3A_1216 : i32
        %get3A_1218 = arith.constant 1 : i32
        %get3A_1219 = arith.index_cast %get3A_1218 : i32 to index
        %get3A_1220 = arith.index_cast %add3A_1217 : i32 to index
        %get3A_1221 = arith.constant 96 : index
        %get3A_1222 = tpu.vector_load %arg6[%get3A_1219, %get3A_1220, %get3A_1221] {strides = array<i32>} : memref<2x384x128xf32, #tpu.memory_space<vmem>>, vector<1x1x16xf32>,
        %get3A_1223 = vector.shape_cast %get3A_1222 : vector<1x1x16xf32> to vector<16xf32>
        %max3A_1224 = arith.maximumf %max3A_1215, %get3A_1223 : vector<16xf32>
        %add3A_1225 = arith.constant 4 : i32
        %add3A_1226 = arith.addi %mul3A_306, %add3A_1225 : i32
        %get3A_1227 = arith.constant 1 : i32
        %get3A_1228 = arith.index_cast %get3A_1227 : i32 to index
        %get3A_1229 = arith.index_cast %add3A_1226 : i32 to index
        %get3A_1230 = arith.constant 96 : index
        %get3A_1231 = tpu.vector_load %arg6[%get3A_1228, %get3A_1229, %get3A_1230] {strides = array<i32>} : memref<2x384x128xf32, #tpu.memory_space<vmem>>, vector<1x1x16xf32>,
        %get3A_1232 = vector.shape_cast %get3A_1231 : vector<1x1x16xf32> to vector<16xf32>
        %max3A_1233 = arith.maximumf %max3A_1224, %get3A_1232 : vector<16xf32>
        %add3A_1234 = arith.constant 5 : i32
        %add3A_1235 = arith.addi %mul3A_306, %add3A_1234 : i32
        %get3A_1236 = arith.constant 1 : i32
        %get3A_1237 = arith.index_cast %get3A_1236 : i32 to index
        %get3A_1238 = arith.index_cast %add3A_1235 : i32 to index
        %get3A_1239 = arith.constant 96 : index
        %get3A_1240 = tpu.vector_load %arg6[%get3A_1237, %get3A_1238, %get3A_1239] {strides = array<i32>} : memref<2x384x128xf32, #tpu.memory_space<vmem>>, vector<1x1x16xf32>,
        %get3A_1241 = vector.shape_cast %get3A_1240 : vector<1x1x16xf32> to vector<16xf32>
        %max3A_1242 = arith.maximumf %max3A_1233, %get3A_1241 : vector<16xf32>
        %add3A_1243 = arith.constant 6 : i32
        %add3A_1244 = arith.addi %mul3A_306, %add3A_1243 : i32
        %get3A_1245 = arith.constant 1 : i32
        %get3A_1246 = arith.index_cast %get3A_1245 : i32 to index
        %get3A_1247 = arith.index_cast %add3A_1244 : i32 to index
        %get3A_1248 = arith.constant 96 : index
        %get3A_1249 = tpu.vector_load %arg6[%get3A_1246, %get3A_1247, %get3A_1248] {strides = array<i32>} : memref<2x384x128xf32, #tpu.memory_space<vmem>>, vector<1x1x16xf32>,
        %get3A_1250 = vector.shape_cast %get3A_1249 : vector<1x1x16xf32> to vector<16xf32>
        %max3A_1251 = arith.maximumf %max3A_1242, %get3A_1250 : vector<16xf32>
        %add3A_1252 = arith.constant 7 : i32
        %add3A_1253 = arith.addi %mul3A_306, %add3A_1252 : i32
        %get3A_1254 = arith.constant 1 : i32
        %get3A_1255 = arith.index_cast %get3A_1254 : i32 to index
        %get3A_1256 = arith.index_cast %add3A_1253 : i32 to index
        %get3A_1257 = arith.constant 96 : index
        %get3A_1258 = tpu.vector_load %arg6[%get3A_1255, %get3A_1256, %get3A_1257] {strides = array<i32>} : memref<2x384x128xf32, #tpu.memory_space<vmem>>, vector<1x1x16xf32>,
        %get3A_1259 = vector.shape_cast %get3A_1258 : vector<1x1x16xf32> to vector<16xf32>
        %max3A_1260 = arith.maximumf %max3A_1251, %get3A_1259 : vector<16xf32>
        %add3A_1261 = arith.constant 8 : i32
        %add3A_1262 = arith.addi %mul3A_306, %add3A_1261 : i32
        %get3A_1263 = arith.constant 1 : i32
        %get3A_1264 = arith.index_cast %get3A_1263 : i32 to index
        %get3A_1265 = arith.index_cast %add3A_1262 : i32 to index
        %get3A_1266 = arith.constant 96 : index
        %get3A_1267 = tpu.vector_load %arg6[%get3A_1264, %get3A_1265, %get3A_1266] {strides = array<i32>} : memref<2x384x128xf32, #tpu.memory_space<vmem>>, vector<1x1x16xf32>,
        %get3A_1268 = vector.shape_cast %get3A_1267 : vector<1x1x16xf32> to vector<16xf32>
        %max3A_1269 = arith.maximumf %max3A_1260, %get3A_1268 : vector<16xf32>
        %add3A_1270 = arith.constant 9 : i32
        %add3A_1271 = arith.addi %mul3A_306, %add3A_1270 : i32
        %get3A_1272 = arith.constant 1 : i32
        %get3A_1273 = arith.index_cast %get3A_1272 : i32 to index
        %get3A_1274 = arith.index_cast %add3A_1271 : i32 to index
        %get3A_1275 = arith.constant 96 : index
        %get3A_1276 = tpu.vector_load %arg6[%get3A_1273, %get3A_1274, %get3A_1275] {strides = array<i32>} : memref<2x384x128xf32, #tpu.memory_space<vmem>>, vector<1x1x16xf32>,
        %get3A_1277 = vector.shape_cast %get3A_1276 : vector<1x1x16xf32> to vector<16xf32>
        %max3A_1278 = arith.maximumf %max3A_1269, %get3A_1277 : vector<16xf32>
        %add3A_1279 = arith.constant 10 : i32
        %add3A_1280 = arith.addi %mul3A_306, %add3A_1279 : i32
        %get3A_1281 = arith.constant 1 : i32
        %get3A_1282 = arith.index_cast %get3A_1281 : i32 to index
        %get3A_1283 = arith.index_cast %add3A_1280 : i32 to index
        %get3A_1284 = arith.constant 96 : index
        %get3A_1285 = tpu.vector_load %arg6[%get3A_1282, %get3A_1283, %get3A_1284] {strides = array<i32>} : memref<2x384x128xf32, #tpu.memory_space<vmem>>, vector<1x1x16xf32>,
        %get3A_1286 = vector.shape_cast %get3A_1285 : vector<1x1x16xf32> to vector<16xf32>
        %max3A_1287 = arith.maximumf %max3A_1278, %get3A_1286 : vector<16xf32>
        %add3A_1288 = arith.constant 11 : i32
        %add3A_1289 = arith.addi %mul3A_306, %add3A_1288 : i32
        %get3A_1290 = arith.constant 1 : i32
        %get3A_1291 = arith.index_cast %get3A_1290 : i32 to index
        %get3A_1292 = arith.index_cast %add3A_1289 : i32 to index
        %get3A_1293 = arith.constant 96 : index
        %get3A_1294 = tpu.vector_load %arg6[%get3A_1291, %get3A_1292, %get3A_1293] {strides = array<i32>} : memref<2x384x128xf32, #tpu.memory_space<vmem>>, vector<1x1x16xf32>,
        %get3A_1295 = vector.shape_cast %get3A_1294 : vector<1x1x16xf32> to vector<16xf32>
        %max3A_1296 = arith.maximumf %max3A_1287, %get3A_1295 : vector<16xf32>
        %add3A_1297 = arith.constant 12 : i32
        %add3A_1298 = arith.addi %mul3A_306, %add3A_1297 : i32
        %get3A_1299 = arith.constant 1 : i32
        %get3A_1300 = arith.index_cast %get3A_1299 : i32 to index
        %get3A_1301 = arith.index_cast %add3A_1298 : i32 to index
        %get3A_1302 = arith.constant 96 : index
        %get3A_1303 = tpu.vector_load %arg6[%get3A_1300, %get3A_1301, %get3A_1302] {strides = array<i32>} : memref<2x384x128xf32, #tpu.memory_space<vmem>>, vector<1x1x16xf32>,
        %get3A_1304 = vector.shape_cast %get3A_1303 : vector<1x1x16xf32> to vector<16xf32>
        %max3A_1305 = arith.maximumf %max3A_1296, %get3A_1304 : vector<16xf32>
        %add3A_1306 = arith.constant 13 : i32
        %add3A_1307 = arith.addi %mul3A_306, %add3A_1306 : i32
        %get3A_1308 = arith.constant 1 : i32
        %get3A_1309 = arith.index_cast %get3A_1308 : i32 to index
        %get3A_1310 = arith.index_cast %add3A_1307 : i32 to index
        %get3A_1311 = arith.constant 96 : index
        %get3A_1312 = tpu.vector_load %arg6[%get3A_1309, %get3A_1310, %get3A_1311] {strides = array<i32>} : memref<2x384x128xf32, #tpu.memory_space<vmem>>, vector<1x1x16xf32>,
        %get3A_1313 = vector.shape_cast %get3A_1312 : vector<1x1x16xf32> to vector<16xf32>
        %max3A_1314 = arith.maximumf %max3A_1305, %get3A_1313 : vector<16xf32>
        %add3A_1315 = arith.constant 14 : i32
        %add3A_1316 = arith.addi %mul3A_306, %add3A_1315 : i32
        %get3A_1317 = arith.constant 1 : i32
        %get3A_1318 = arith.index_cast %get3A_1317 : i32 to index
        %get3A_1319 = arith.index_cast %add3A_1316 : i32 to index
        %get3A_1320 = arith.constant 96 : index
        %get3A_1321 = tpu.vector_load %arg6[%get3A_1318, %get3A_1319, %get3A_1320] {strides = array<i32>} : memref<2x384x128xf32, #tpu.memory_space<vmem>>, vector<1x1x16xf32>,
        %get3A_1322 = vector.shape_cast %get3A_1321 : vector<1x1x16xf32> to vector<16xf32>
        %max3A_1323 = arith.maximumf %max3A_1314, %get3A_1322 : vector<16xf32>
        %add3A_1324 = arith.constant 15 : i32
        %add3A_1325 = arith.addi %mul3A_306, %add3A_1324 : i32
        %get3A_1326 = arith.constant 1 : i32
        %get3A_1327 = arith.index_cast %get3A_1326 : i32 to index
        %get3A_1328 = arith.index_cast %add3A_1325 : i32 to index
        %get3A_1329 = arith.constant 96 : index
        %get3A_1330 = tpu.vector_load %arg6[%get3A_1327, %get3A_1328, %get3A_1329] {strides = array<i32>} : memref<2x384x128xf32, #tpu.memory_space<vmem>>, vector<1x1x16xf32>,
        %get3A_1331 = vector.shape_cast %get3A_1330 : vector<1x1x16xf32> to vector<16xf32>
        %max3A_1332 = arith.maximumf %max3A_1323, %get3A_1331 : vector<16xf32>
        %swap3A_1333 = arith.constant 1 : i32
        %swap3A_1334 = arith.index_cast %swap3A_1333 : i32 to index
        %swap3A_1335 = arith.index_cast %scan3A_303 : i32 to index
        %swap3A_1336 = arith.constant 96 : index
        %swap3A_1337 = tpu.vector_load %arg7[%swap3A_1334, %swap3A_1335, %swap3A_1336] {strides = array<i32>} : memref<2x24x128xf32, #tpu.memory_space<vmem>>, vector<1x1x16xf32>,
        %swap3A_1338 = vector.shape_cast %swap3A_1337 : vector<1x1x16xf32> to vector<16xf32>
        %swap3A_1339 = vector.shape_cast %max3A_1332 : vector<16xf32> to vector<1x1x16xf32>
        tpu.vector_store %arg7[%swap3A_1334, %swap3A_1335, %swap3A_1336], %swap3A_1339 {strides = array<i32>} : memref<2x24x128xf32, #tpu.memory_space<vmem>>, vector<1x1x16xf32>,
        %get3A_1340 = arith.constant 1 : i32
        %get3A_1341 = arith.index_cast %get3A_1340 : i32 to index
        %get3A_1342 = arith.index_cast %mul3A_306 : i32 to index
        %get3A_1343 = arith.constant 112 : index
        %get3A_1344 = tpu.vector_load %arg6[%get3A_1341, %get3A_1342, %get3A_1343] {strides = array<i32>} : memref<2x384x128xf32, #tpu.memory_space<vmem>>, vector<1x1x16xf32>,
        %get3A_1345 = vector.shape_cast %get3A_1344 : vector<1x1x16xf32> to vector<16xf32>
        %add3A_1346 = arith.constant 1 : i32
        %add3A_1347 = arith.addi %mul3A_306, %add3A_1346 : i32
        %get3A_1348 = arith.constant 1 : i32
        %get3A_1349 = arith.index_cast %get3A_1348 : i32 to index
        %get3A_1350 = arith.index_cast %add3A_1347 : i32 to index
        %get3A_1351 = arith.constant 112 : index
        %get3A_1352 = tpu.vector_load %arg6[%get3A_1349, %get3A_1350, %get3A_1351] {strides = array<i32>} : memref<2x384x128xf32, #tpu.memory_space<vmem>>, vector<1x1x16xf32>,
        %get3A_1353 = vector.shape_cast %get3A_1352 : vector<1x1x16xf32> to vector<16xf32>
        %max3A_1354 = arith.maximumf %get3A_1345, %get3A_1353 : vector<16xf32>
        %add3A_1355 = arith.constant 2 : i32
        %add3A_1356 = arith.addi %mul3A_306, %add3A_1355 : i32
        %get3A_1357 = arith.constant 1 : i32
        %get3A_1358 = arith.index_cast %get3A_1357 : i32 to index
        %get3A_1359 = arith.index_cast %add3A_1356 : i32 to index
        %get3A_1360 = arith.constant 112 : index
        %get3A_1361 = tpu.vector_load %arg6[%get3A_1358, %get3A_1359, %get3A_1360] {strides = array<i32>} : memref<2x384x128xf32, #tpu.memory_space<vmem>>, vector<1x1x16xf32>,
        %get3A_1362 = vector.shape_cast %get3A_1361 : vector<1x1x16xf32> to vector<16xf32>
        %max3A_1363 = arith.maximumf %max3A_1354, %get3A_1362 : vector<16xf32>
        %add3A_1364 = arith.constant 3 : i32
        %add3A_1365 = arith.addi %mul3A_306, %add3A_1364 : i32
        %get3A_1366 = arith.constant 1 : i32
        %get3A_1367 = arith.index_cast %get3A_1366 : i32 to index
        %get3A_1368 = arith.index_cast %add3A_1365 : i32 to index
        %get3A_1369 = arith.constant 112 : index
        %get3A_1370 = tpu.vector_load %arg6[%get3A_1367, %get3A_1368, %get3A_1369] {strides = array<i32>} : memref<2x384x128xf32, #tpu.memory_space<vmem>>, vector<1x1x16xf32>,
        %get3A_1371 = vector.shape_cast %get3A_1370 : vector<1x1x16xf32> to vector<16xf32>
        %max3A_1372 = arith.maximumf %max3A_1363, %get3A_1371 : vector<16xf32>
        %add3A_1373 = arith.constant 4 : i32
        %add3A_1374 = arith.addi %mul3A_306, %add3A_1373 : i32
        %get3A_1375 = arith.constant 1 : i32
        %get3A_1376 = arith.index_cast %get3A_1375 : i32 to index
        %get3A_1377 = arith.index_cast %add3A_1374 : i32 to index
        %get3A_1378 = arith.constant 112 : index
        %get3A_1379 = tpu.vector_load %arg6[%get3A_1376, %get3A_1377, %get3A_1378] {strides = array<i32>} : memref<2x384x128xf32, #tpu.memory_space<vmem>>, vector<1x1x16xf32>,
        %get3A_1380 = vector.shape_cast %get3A_1379 : vector<1x1x16xf32> to vector<16xf32>
        %max3A_1381 = arith.maximumf %max3A_1372, %get3A_1380 : vector<16xf32>
        %add3A_1382 = arith.constant 5 : i32
        %add3A_1383 = arith.addi %mul3A_306, %add3A_1382 : i32
        %get3A_1384 = arith.constant 1 : i32
        %get3A_1385 = arith.index_cast %get3A_1384 : i32 to index
        %get3A_1386 = arith.index_cast %add3A_1383 : i32 to index
        %get3A_1387 = arith.constant 112 : index
        %get3A_1388 = tpu.vector_load %arg6[%get3A_1385, %get3A_1386, %get3A_1387] {strides = array<i32>} : memref<2x384x128xf32, #tpu.memory_space<vmem>>, vector<1x1x16xf32>,
        %get3A_1389 = vector.shape_cast %get3A_1388 : vector<1x1x16xf32> to vector<16xf32>
        %max3A_1390 = arith.maximumf %max3A_1381, %get3A_1389 : vector<16xf32>
        %add3A_1391 = arith.constant 6 : i32
        %add3A_1392 = arith.addi %mul3A_306, %add3A_1391 : i32
        %get3A_1393 = arith.constant 1 : i32
        %get3A_1394 = arith.index_cast %get3A_1393 : i32 to index
        %get3A_1395 = arith.index_cast %add3A_1392 : i32 to index
        %get3A_1396 = arith.constant 112 : index
        %get3A_1397 = tpu.vector_load %arg6[%get3A_1394, %get3A_1395, %get3A_1396] {strides = array<i32>} : memref<2x384x128xf32, #tpu.memory_space<vmem>>, vector<1x1x16xf32>,
        %get3A_1398 = vector.shape_cast %get3A_1397 : vector<1x1x16xf32> to vector<16xf32>
        %max3A_1399 = arith.maximumf %max3A_1390, %get3A_1398 : vector<16xf32>
        %add3A_1400 = arith.constant 7 : i32
        %add3A_1401 = arith.addi %mul3A_306, %add3A_1400 : i32
        %get3A_1402 = arith.constant 1 : i32
        %get3A_1403 = arith.index_cast %get3A_1402 : i32 to index
        %get3A_1404 = arith.index_cast %add3A_1401 : i32 to index
        %get3A_1405 = arith.constant 112 : index
        %get3A_1406 = tpu.vector_load %arg6[%get3A_1403, %get3A_1404, %get3A_1405] {strides = array<i32>} : memref<2x384x128xf32, #tpu.memory_space<vmem>>, vector<1x1x16xf32>,
        %get3A_1407 = vector.shape_cast %get3A_1406 : vector<1x1x16xf32> to vector<16xf32>
        %max3A_1408 = arith.maximumf %max3A_1399, %get3A_1407 : vector<16xf32>
        %add3A_1409 = arith.constant 8 : i32
        %add3A_1410 = arith.addi %mul3A_306, %add3A_1409 : i32
        %get3A_1411 = arith.constant 1 : i32
        %get3A_1412 = arith.index_cast %get3A_1411 : i32 to index
        %get3A_1413 = arith.index_cast %add3A_1410 : i32 to index
        %get3A_1414 = arith.constant 112 : index
        %get3A_1415 = tpu.vector_load %arg6[%get3A_1412, %get3A_1413, %get3A_1414] {strides = array<i32>} : memref<2x384x128xf32, #tpu.memory_space<vmem>>, vector<1x1x16xf32>,
        %get3A_1416 = vector.shape_cast %get3A_1415 : vector<1x1x16xf32> to vector<16xf32>
        %max3A_1417 = arith.maximumf %max3A_1408, %get3A_1416 : vector<16xf32>
        %add3A_1418 = arith.constant 9 : i32
        %add3A_1419 = arith.addi %mul3A_306, %add3A_1418 : i32
        %get3A_1420 = arith.constant 1 : i32
        %get3A_1421 = arith.index_cast %get3A_1420 : i32 to index
        %get3A_1422 = arith.index_cast %add3A_1419 : i32 to index
        %get3A_1423 = arith.constant 112 : index
        %get3A_1424 = tpu.vector_load %arg6[%get3A_1421, %get3A_1422, %get3A_1423] {strides = array<i32>} : memref<2x384x128xf32, #tpu.memory_space<vmem>>, vector<1x1x16xf32>,
        %get3A_1425 = vector.shape_cast %get3A_1424 : vector<1x1x16xf32> to vector<16xf32>
        %max3A_1426 = arith.maximumf %max3A_1417, %get3A_1425 : vector<16xf32>
        %add3A_1427 = arith.constant 10 : i32
        %add3A_1428 = arith.addi %mul3A_306, %add3A_1427 : i32
        %get3A_1429 = arith.constant 1 : i32
        %get3A_1430 = arith.index_cast %get3A_1429 : i32 to index
        %get3A_1431 = arith.index_cast %add3A_1428 : i32 to index
        %get3A_1432 = arith.constant 112 : index
        %get3A_1433 = tpu.vector_load %arg6[%get3A_1430, %get3A_1431, %get3A_1432] {strides = array<i32>} : memref<2x384x128xf32, #tpu.memory_space<vmem>>, vector<1x1x16xf32>,
        %get3A_1434 = vector.shape_cast %get3A_1433 : vector<1x1x16xf32> to vector<16xf32>
        %max3A_1435 = arith.maximumf %max3A_1426, %get3A_1434 : vector<16xf32>
        %add3A_1436 = arith.constant 11 : i32
        %add3A_1437 = arith.addi %mul3A_306, %add3A_1436 : i32
        %get3A_1438 = arith.constant 1 : i32
        %get3A_1439 = arith.index_cast %get3A_1438 : i32 to index
        %get3A_1440 = arith.index_cast %add3A_1437 : i32 to index
        %get3A_1441 = arith.constant 112 : index
        %get3A_1442 = tpu.vector_load %arg6[%get3A_1439, %get3A_1440, %get3A_1441] {strides = array<i32>} : memref<2x384x128xf32, #tpu.memory_space<vmem>>, vector<1x1x16xf32>,
        %get3A_1443 = vector.shape_cast %get3A_1442 : vector<1x1x16xf32> to vector<16xf32>
        %max3A_1444 = arith.maximumf %max3A_1435, %get3A_1443 : vector<16xf32>
        %add3A_1445 = arith.constant 12 : i32
        %add3A_1446 = arith.addi %mul3A_306, %add3A_1445 : i32
        %get3A_1447 = arith.constant 1 : i32
        %get3A_1448 = arith.index_cast %get3A_1447 : i32 to index
        %get3A_1449 = arith.index_cast %add3A_1446 : i32 to index
        %get3A_1450 = arith.constant 112 : index
        %get3A_1451 = tpu.vector_load %arg6[%get3A_1448, %get3A_1449, %get3A_1450] {strides = array<i32>} : memref<2x384x128xf32, #tpu.memory_space<vmem>>, vector<1x1x16xf32>,
        %get3A_1452 = vector.shape_cast %get3A_1451 : vector<1x1x16xf32> to vector<16xf32>
        %max3A_1453 = arith.maximumf %max3A_1444, %get3A_1452 : vector<16xf32>
        %add3A_1454 = arith.constant 13 : i32
        %add3A_1455 = arith.addi %mul3A_306, %add3A_1454 : i32
        %get3A_1456 = arith.constant 1 : i32
        %get3A_1457 = arith.index_cast %get3A_1456 : i32 to index
        %get3A_1458 = arith.index_cast %add3A_1455 : i32 to index
        %get3A_1459 = arith.constant 112 : index
        %get3A_1460 = tpu.vector_load %arg6[%get3A_1457, %get3A_1458, %get3A_1459] {strides = array<i32>} : memref<2x384x128xf32, #tpu.memory_space<vmem>>, vector<1x1x16xf32>,
        %get3A_1461 = vector.shape_cast %get3A_1460 : vector<1x1x16xf32> to vector<16xf32>
        %max3A_1462 = arith.maximumf %max3A_1453, %get3A_1461 : vector<16xf32>
        %add3A_1463 = arith.constant 14 : i32
        %add3A_1464 = arith.addi %mul3A_306, %add3A_1463 : i32
        %get3A_1465 = arith.constant 1 : i32
        %get3A_1466 = arith.index_cast %get3A_1465 : i32 to index
        %get3A_1467 = arith.index_cast %add3A_1464 : i32 to index
        %get3A_1468 = arith.constant 112 : index
        %get3A_1469 = tpu.vector_load %arg6[%get3A_1466, %get3A_1467, %get3A_1468] {strides = array<i32>} : memref<2x384x128xf32, #tpu.memory_space<vmem>>, vector<1x1x16xf32>,
        %get3A_1470 = vector.shape_cast %get3A_1469 : vector<1x1x16xf32> to vector<16xf32>
        %max3A_1471 = arith.maximumf %max3A_1462, %get3A_1470 : vector<16xf32>
        %add3A_1472 = arith.constant 15 : i32
        %add3A_1473 = arith.addi %mul3A_306, %add3A_1472 : i32
        %get3A_1474 = arith.constant 1 : i32
        %get3A_1475 = arith.index_cast %get3A_1474 : i32 to index
        %get3A_1476 = arith.index_cast %add3A_1473 : i32 to index
        %get3A_1477 = arith.constant 112 : index
        %get3A_1478 = tpu.vector_load %arg6[%get3A_1475, %get3A_1476, %get3A_1477] {strides = array<i32>} : memref<2x384x128xf32, #tpu.memory_space<vmem>>, vector<1x1x16xf32>,
        %get3A_1479 = vector.shape_cast %get3A_1478 : vector<1x1x16xf32> to vector<16xf32>
        %max3A_1480 = arith.maximumf %max3A_1471, %get3A_1479 : vector<16xf32>
        %swap3A_1481 = arith.constant 1 : i32
        %swap3A_1482 = arith.index_cast %swap3A_1481 : i32 to index
        %swap3A_1483 = arith.index_cast %scan3A_303 : i32 to index
        %swap3A_1484 = arith.constant 112 : index
        %swap3A_1485 = tpu.vector_load %arg7[%swap3A_1482, %swap3A_1483, %swap3A_1484] {strides = array<i32>} : memref<2x24x128xf32, #tpu.memory_space<vmem>>, vector<1x1x16xf32>,
        %swap3A_1486 = vector.shape_cast %swap3A_1485 : vector<1x1x16xf32> to vector<16xf32>
        %swap3A_1487 = vector.shape_cast %max3A_1480 : vector<16xf32> to vector<1x1x16xf32>
        tpu.vector_store %arg7[%swap3A_1482, %swap3A_1483, %swap3A_1484], %swap3A_1487 {strides = array<i32>} : memref<2x24x128xf32, #tpu.memory_space<vmem>>, vector<1x1x16xf32>,
        %scan3A_1488 = arith.constant 0 : i32
        scf.yield %scan3A_1488 : i32
      }
      %scan3A_234 = arith.constant 24 : i32
      %add3A_235 = arith.constant 2 : i32
      %add3A_236 = arith.addi %add3A_207, %add3A_235 : i32
      %lt3A_237 = arith.constant 34 : i32
      %lt3A_238 = arith.cmpi slt, %add3A_236, %lt3A_237 : i32
      %convert_element_type3A_239 = arith.extui %lt3A_238 : i1 to i32
      %cond3A_240 = arith.constant 0 : i32
      %cond3A_241 = arith.cmpi ne, %convert_element_type3A_239, %cond3A_240 : i32
      scf.if %cond3A_241 {
        %mul3A_303 = arith.constant 3 : i32
        %mul3A_304 = arith.muli %mul3A_303, %add3A_236 : i32
        %add3A_305 = arith.constant 0 : i32
        %add3A_306 = arith.addi %mul3A_304, %add3A_305 : i32
        %dma_start3A_307 = arith.constant 1 : i32
        %dma_start3A_308 = arith.constant 0 : i32
        %dma_start3A_309 = arith.constant 0 : i32
        %dma_start3A_310 = tpu.memref_slice %arg6[%dma_start3A_307, %dma_start3A_308, %dma_start3A_309] : memref<2x384x128xf32, #tpu.memory_space<vmem>> -> memref<1x128x128xf32, #tpu.memory_space<vmem>>
        %dma_start3A_311 = tpu.memref_squeeze %dma_start3A_310 : memref<1x128x128xf32, #tpu.memory_space<vmem>> -> memref<128x128xf32, #tpu.memory_space<vmem>>
        %dma_start3A_312 = arith.constant 0 : i32
        %dma_start3A_313 = tpu.memref_slice %arg5[%add3A_306, %dma_start3A_312] : memref<102x128xi32, #tpu.memory_space<vmem>> -> memref<1x128xi32, #tpu.memory_space<vmem>>
        %dma_start3A_314 = tpu.memref_squeeze %dma_start3A_313 : memref<1x128xi32, #tpu.memory_space<vmem>> -> memref<128xi32, #tpu.memory_space<vmem>>
        %dma_start3A_315 = arith.constant 0 : i32
        %dma_start3A_316 = arith.constant 0 : i32
        %dma_start3A_317 = tpu.memref_slice %arg2[%dma_start3A_315, %dma_start3A_316] : memref<100000x128xf32, #tpu.memory_space<hbm>> -> memref<100000x128xf32, #tpu.memory_space<hbm>>
        tpu.enqueue_indirect_dma source(%dma_start3A_317 : memref<100000x128xf32, #tpu.memory_space<hbm>>) target(%dma_start3A_311 : memref<128x128xf32, #tpu.memory_space<vmem>>) offsets(%dma_start3A_314 : memref<128xi32, #tpu.memory_space<vmem>>) semaphore(%arg9 : memref<!tpu.dma_semaphore, #tpu.memory_space<semaphore_mem>>)
        %mul3A_318 = arith.constant 3 : i32
        %mul3A_319 = arith.muli %mul3A_318, %add3A_236 : i32
        %add3A_320 = arith.constant 1 : i32
        %add3A_321 = arith.addi %mul3A_319, %add3A_320 : i32
        %dma_start3A_322 = arith.constant 1 : i32
        %dma_start3A_323 = arith.constant 128 : i32
        %dma_start3A_324 = arith.constant 0 : i32
        %dma_start3A_325 = tpu.memref_slice %arg6[%dma_start3A_322, %dma_start3A_323, %dma_start3A_324] : memref<2x384x128xf32, #tpu.memory_space<vmem>> -> memref<1x128x128xf32, #tpu.memory_space<vmem>>
        %dma_start3A_326 = tpu.memref_squeeze %dma_start3A_325 : memref<1x128x128xf32, #tpu.memory_space<vmem>> -> memref<128x128xf32, #tpu.memory_space<vmem>>
        %dma_start3A_327 = arith.constant 0 : i32
        %dma_start3A_328 = tpu.memref_slice %arg5[%add3A_321, %dma_start3A_327] : memref<102x128xi32, #tpu.memory_space<vmem>> -> memref<1x128xi32, #tpu.memory_space<vmem>>
        %dma_start3A_329 = tpu.memref_squeeze %dma_start3A_328 : memref<1x128xi32, #tpu.memory_space<vmem>> -> memref<128xi32, #tpu.memory_space<vmem>>
        %dma_start3A_330 = arith.constant 0 : i32
        %dma_start3A_331 = arith.constant 0 : i32
        %dma_start3A_332 = tpu.memref_slice %arg2[%dma_start3A_330, %dma_start3A_331] : memref<100000x128xf32, #tpu.memory_space<hbm>> -> memref<100000x128xf32, #tpu.memory_space<hbm>>
        tpu.enqueue_indirect_dma source(%dma_start3A_332 : memref<100000x128xf32, #tpu.memory_space<hbm>>) target(%dma_start3A_326 : memref<128x128xf32, #tpu.memory_space<vmem>>) offsets(%dma_start3A_329 : memref<128xi32, #tpu.memory_space<vmem>>) semaphore(%arg9 : memref<!tpu.dma_semaphore, #tpu.memory_space<semaphore_mem>>)
        %mul3A_333 = arith.constant 3 : i32
        %mul3A_334 = arith.muli %mul3A_333, %add3A_236 : i32
        %add3A_335 = arith.constant 2 : i32
        %add3A_336 = arith.addi %mul3A_334, %add3A_335 : i32
        %dma_start3A_337 = arith.constant 1 : i32
        %dma_start3A_338 = arith.constant 256 : i32
        %dma_start3A_339 = arith.constant 0 : i32
        %dma_start3A_340 = tpu.memref_slice %arg6[%dma_start3A_337, %dma_start3A_338, %dma_start3A_339] : memref<2x384x128xf32, #tpu.memory_space<vmem>> -> memref<1x128x128xf32, #tpu.memory_space<vmem>>
        %dma_start3A_341 = tpu.memref_squeeze %dma_start3A_340 : memref<1x128x128xf32, #tpu.memory_space<vmem>> -> memref<128x128xf32, #tpu.memory_space<vmem>>
        %dma_start3A_342 = arith.constant 0 : i32
        %dma_start3A_343 = tpu.memref_slice %arg5[%add3A_336, %dma_start3A_342] : memref<102x128xi32, #tpu.memory_space<vmem>> -> memref<1x128xi32, #tpu.memory_space<vmem>>
        %dma_start3A_344 = tpu.memref_squeeze %dma_start3A_343 : memref<1x128xi32, #tpu.memory_space<vmem>> -> memref<128xi32, #tpu.memory_space<vmem>>
        %dma_start3A_345 = arith.constant 0 : i32
        %dma_start3A_346 = arith.constant 0 : i32
        %dma_start3A_347 = tpu.memref_slice %arg2[%dma_start3A_345, %dma_start3A_346] : memref<100000x128xf32, #tpu.memory_space<hbm>> -> memref<100000x128xf32, #tpu.memory_space<hbm>>
        tpu.enqueue_indirect_dma source(%dma_start3A_347 : memref<100000x128xf32, #tpu.memory_space<hbm>>) target(%dma_start3A_341 : memref<128x128xf32, #tpu.memory_space<vmem>>) offsets(%dma_start3A_344 : memref<128xi32, #tpu.memory_space<vmem>>) semaphore(%arg9 : memref<!tpu.dma_semaphore, #tpu.memory_space<semaphore_mem>>)
      } else {
      }
      %mul3A_242 = arith.constant 24 : i32
      %mul3A_243 = arith.muli %add3A_207, %mul3A_242 : i32
      %add3A_244 = arith.addi %mul3A_2, %mul3A_243 : i32
      %add3A_245 = arith.constant 0 : i32
      %add3A_246 = arith.addi %add3A_244, %add3A_245 : i32
      %min3A_247 = arith.constant 24992 : i32
      %min3A_248 = arith.minsi %add3A_246, %min3A_247 : i32
      %dma_start3A_249 = arith.constant 1 : i32
      %dma_start3A_250 = arith.constant 0 : i32
      %dma_start3A_251 = arith.constant 0 : i32
      %dma_start3A_252 = tpu.memref_slice %arg7[%dma_start3A_249, %dma_start3A_250, %dma_start3A_251] : memref<2x24x128xf32, #tpu.memory_space<vmem>> -> memref<1x8x128xf32, #tpu.memory_space<vmem>>
      %dma_start3A_253 = tpu.memref_squeeze %dma_start3A_252 : memref<1x8x128xf32, #tpu.memory_space<vmem>> -> memref<8x128xf32, #tpu.memory_space<vmem>>
      %dma_start3A_254 = arith.constant 0 : i32
      %dma_start3A_255 = tpu.memref_slice %arg4[%min3A_248, %dma_start3A_254] : memref<25000x128xf32, #tpu.memory_space<hbm>> -> memref<8x128xf32, #tpu.memory_space<hbm>>
      %dma_start3A_256 = arith.constant 0 : i32
      %dma_start3A_257 = tpu.memref_slice %arg4[%min3A_248, %dma_start3A_256] : memref<25000x128xf32, #tpu.memory_space<hbm>> -> memref<8x128xf32, #tpu.memory_space<hbm>>
      %dma_start3A_258 = arith.constant 0 : i32
      %dma_start3A_259 = arith.constant 0 : i32
      %dma_start3A_260 = tpu.memref_slice %arg7[%dma_start3A_249, %dma_start3A_258, %dma_start3A_259] : memref<2x24x128xf32, #tpu.memory_space<vmem>> -> memref<1x8x128xf32, #tpu.memory_space<vmem>>
      %dma_start3A_261 = tpu.memref_squeeze %dma_start3A_260 : memref<1x8x128xf32, #tpu.memory_space<vmem>> -> memref<8x128xf32, #tpu.memory_space<vmem>>
      tpu.enqueue_dma source(%dma_start3A_261 : memref<8x128xf32, #tpu.memory_space<vmem>>) target(%dma_start3A_257 : memref<8x128xf32, #tpu.memory_space<hbm>>) target_semaphore(%arg11 : memref<!tpu.dma_semaphore, #tpu.memory_space<semaphore_mem>>)
      %mul3A_262 = arith.constant 24 : i32
      %mul3A_263 = arith.muli %add3A_207, %mul3A_262 : i32
      %add3A_264 = arith.addi %mul3A_2, %mul3A_263 : i32
      %add3A_265 = arith.constant 8 : i32
      %add3A_266 = arith.addi %add3A_264, %add3A_265 : i32
      %min3A_267 = arith.constant 24992 : i32
      %min3A_268 = arith.minsi %add3A_266, %min3A_267 : i32
      %dma_start3A_269 = arith.constant 1 : i32
      %dma_start3A_270 = arith.constant 8 : i32
      %dma_start3A_271 = arith.constant 0 : i32
      %dma_start3A_272 = tpu.memref_slice %arg7[%dma_start3A_269, %dma_start3A_270, %dma_start3A_271] : memref<2x24x128xf32, #tpu.memory_space<vmem>> -> memref<1x8x128xf32, #tpu.memory_space<vmem>>
      %dma_start3A_273 = tpu.memref_squeeze %dma_start3A_272 : memref<1x8x128xf32, #tpu.memory_space<vmem>> -> memref<8x128xf32, #tpu.memory_space<vmem>>
      %dma_start3A_274 = arith.constant 0 : i32
      %dma_start3A_275 = tpu.memref_slice %arg4[%min3A_268, %dma_start3A_274] : memref<25000x128xf32, #tpu.memory_space<hbm>> -> memref<8x128xf32, #tpu.memory_space<hbm>>
      %dma_start3A_276 = arith.constant 0 : i32
      %dma_start3A_277 = tpu.memref_slice %arg4[%min3A_268, %dma_start3A_276] : memref<25000x128xf32, #tpu.memory_space<hbm>> -> memref<8x128xf32, #tpu.memory_space<hbm>>
      %dma_start3A_278 = arith.constant 8 : i32
      %dma_start3A_279 = arith.constant 0 : i32
      %dma_start3A_280 = tpu.memref_slice %arg7[%dma_start3A_269, %dma_start3A_278, %dma_start3A_279] : memref<2x24x128xf32, #tpu.memory_space<vmem>> -> memref<1x8x128xf32, #tpu.memory_space<vmem>>
      %dma_start3A_281 = tpu.memref_squeeze %dma_start3A_280 : memref<1x8x128xf32, #tpu.memory_space<vmem>> -> memref<8x128xf32, #tpu.memory_space<vmem>>
      tpu.enqueue_dma source(%dma_start3A_281 : memref<8x128xf32, #tpu.memory_space<vmem>>) target(%dma_start3A_277 : memref<8x128xf32, #tpu.memory_space<hbm>>) target_semaphore(%arg11 : memref<!tpu.dma_semaphore, #tpu.memory_space<semaphore_mem>>)
      %mul3A_282 = arith.constant 24 : i32
      %mul3A_283 = arith.muli %add3A_207, %mul3A_282 : i32
      %add3A_284 = arith.addi %mul3A_2, %mul3A_283 : i32
      %add3A_285 = arith.constant 16 : i32
      %add3A_286 = arith.addi %add3A_284, %add3A_285 : i32
      %min3A_287 = arith.constant 24992 : i32
      %min3A_288 = arith.minsi %add3A_286, %min3A_287 : i32
      %dma_start3A_289 = arith.constant 1 : i32
      %dma_start3A_290 = arith.constant 16 : i32
      %dma_start3A_291 = arith.constant 0 : i32
      %dma_start3A_292 = tpu.memref_slice %arg7[%dma_start3A_289, %dma_start3A_290, %dma_start3A_291] : memref<2x24x128xf32, #tpu.memory_space<vmem>> -> memref<1x8x128xf32, #tpu.memory_space<vmem>>
      %dma_start3A_293 = tpu.memref_squeeze %dma_start3A_292 : memref<1x8x128xf32, #tpu.memory_space<vmem>> -> memref<8x128xf32, #tpu.memory_space<vmem>>
      %dma_start3A_294 = arith.constant 0 : i32
      %dma_start3A_295 = tpu.memref_slice %arg4[%min3A_288, %dma_start3A_294] : memref<25000x128xf32, #tpu.memory_space<hbm>> -> memref<8x128xf32, #tpu.memory_space<hbm>>
      %dma_start3A_296 = arith.constant 0 : i32
      %dma_start3A_297 = tpu.memref_slice %arg4[%min3A_288, %dma_start3A_296] : memref<25000x128xf32, #tpu.memory_space<hbm>> -> memref<8x128xf32, #tpu.memory_space<hbm>>
      %dma_start3A_298 = arith.constant 16 : i32
      %dma_start3A_299 = arith.constant 0 : i32
      %dma_start3A_300 = tpu.memref_slice %arg7[%dma_start3A_289, %dma_start3A_298, %dma_start3A_299] : memref<2x24x128xf32, #tpu.memory_space<vmem>> -> memref<1x8x128xf32, #tpu.memory_space<vmem>>
      %dma_start3A_301 = tpu.memref_squeeze %dma_start3A_300 : memref<1x8x128xf32, #tpu.memory_space<vmem>> -> memref<8x128xf32, #tpu.memory_space<vmem>>
      tpu.enqueue_dma source(%dma_start3A_301 : memref<8x128xf32, #tpu.memory_space<vmem>>) target(%dma_start3A_297 : memref<8x128xf32, #tpu.memory_space<hbm>>) target_semaphore(%arg11 : memref<!tpu.dma_semaphore, #tpu.memory_space<semaphore_mem>>)
      %scan3A_302 = arith.constant 0 : i32
      scf.yield %scan3A_302 : i32
    }
    %scan3A_79 = arith.constant 17 : i32
    %dma_wait3A = arith.constant 0 : i32
    %dma_wait3A_80 = arith.constant 0 : i32
    %dma_wait3A_81 = arith.constant 0 : i32
    %dma_wait3A_82 = tpu.memref_slice %arg7[%dma_wait3A, %dma_wait3A_80, %dma_wait3A_81] : memref<2x24x128xf32, #tpu.memory_space<vmem>> -> memref<1x24x128xf32, #tpu.memory_space<vmem>>
    %dma_wait3A_83 = tpu.memref_squeeze %dma_wait3A_82 : memref<1x24x128xf32, #tpu.memory_space<vmem>> -> memref<24x128xf32, #tpu.memory_space<vmem>>
    %dma_wait3A_84 = arith.constant 0 : i32
    %dma_wait3A_85 = arith.constant 0 : i32
    %dma_wait3A_86 = tpu.memref_slice %arg4[%dma_wait3A_84, %dma_wait3A_85] : memref<25000x128xf32, #tpu.memory_space<hbm>> -> memref<24x128xf32, #tpu.memory_space<hbm>>
    %dma_wait3A_87 = arith.constant 0 : i32
    %dma_wait3A_88 = arith.constant 0 : i32
    %dma_wait3A_89 = tpu.memref_slice %arg7[%dma_wait3A, %dma_wait3A_87, %dma_wait3A_88] : memref<2x24x128xf32, #tpu.memory_space<vmem>> -> memref<1x24x128xf32, #tpu.memory_space<vmem>>
    %dma_wait3A_90 = tpu.memref_squeeze %dma_wait3A_89 : memref<1x24x128xf32, #tpu.memory_space<vmem>> -> memref<24x128xf32, #tpu.memory_space<vmem>>
    %dma_wait3A_91 = arith.constant 0 : i32
    %dma_wait3A_92 = arith.constant 0 : i32
    %dma_wait3A_93 = tpu.memref_slice %arg4[%dma_wait3A_91, %dma_wait3A_92] : memref<25000x128xf32, #tpu.memory_space<hbm>> -> memref<24x128xf32, #tpu.memory_space<hbm>>
    tpu.wait_dma2 semaphore(%arg10 : memref<!tpu.dma_semaphore, #tpu.memory_space<semaphore_mem>>) src(%dma_wait3A_93 : memref<24x128xf32, #tpu.memory_space<hbm>>) dst(%dma_wait3A_90 : memref<24x128xf32, #tpu.memory_space<vmem>>)
    %dma_wait3A_94 = arith.constant 1 : i32
    %dma_wait3A_95 = arith.constant 0 : i32
    %dma_wait3A_96 = arith.constant 0 : i32
    %dma_wait3A_97 = tpu.memref_slice %arg7[%dma_wait3A_94, %dma_wait3A_95, %dma_wait3A_96] : memref<2x24x128xf32, #tpu.memory_space<vmem>> -> memref<1x24x128xf32, #tpu.memory_space<vmem>>
    %dma_wait3A_98 = tpu.memref_squeeze %dma_wait3A_97 : memref<1x24x128xf32, #tpu.memory_space<vmem>> -> memref<24x128xf32, #tpu.memory_space<vmem>>
    %dma_wait3A_99 = arith.constant 0 : i32
    %dma_wait3A_100 = arith.constant 0 : i32
    %dma_wait3A_101 = tpu.memref_slice %arg4[%dma_wait3A_99, %dma_wait3A_100] : memref<25000x128xf32, #tpu.memory_space<hbm>> -> memref<24x128xf32, #tpu.memory_space<hbm>>
    %dma_wait3A_102 = arith.constant 0 : i32
    %dma_wait3A_103 = arith.constant 0 : i32
    %dma_wait3A_104 = tpu.memref_slice %arg7[%dma_wait3A_94, %dma_wait3A_102, %dma_wait3A_103] : memref<2x24x128xf32, #tpu.memory_space<vmem>> -> memref<1x24x128xf32, #tpu.memory_space<vmem>>
    %dma_wait3A_105 = tpu.memref_squeeze %dma_wait3A_104 : memref<1x24x128xf32, #tpu.memory_space<vmem>> -> memref<24x128xf32, #tpu.memory_space<vmem>>
    %dma_wait3A_106 = arith.constant 0 : i32
    %dma_wait3A_107 = arith.constant 0 : i32
    %dma_wait3A_108 = tpu.memref_slice %arg4[%dma_wait3A_106, %dma_wait3A_107] : memref<25000x128xf32, #tpu.memory_space<hbm>> -> memref<24x128xf32, #tpu.memory_space<hbm>>
    tpu.wait_dma2 semaphore(%arg11 : memref<!tpu.dma_semaphore, #tpu.memory_space<semaphore_mem>>) src(%dma_wait3A_108 : memref<24x128xf32, #tpu.memory_space<hbm>>) dst(%dma_wait3A_105 : memref<24x128xf32, #tpu.memory_space<vmem>>)
    return
  }
}

</mosaic_0001>

<sc_bundles>
// kernel: kernel.3.cloned.1.call-start
scs
__scs_entry_jumppad:
0x0: {  	(pc) =	sbr.rel $0x88, $3  }
0x1: {  	(tag) =	ssettag $0x0;
	lr =	simm.s32 $0x1  }
0x2: {  	[smem:$0x3F9F] =	sst lr;
	_ =	strace $0xD0000000  }
0x3: {  	_ = 	snop  }
0x4: {  	_ = 	snop  }
0x5: {  	_ = 	snop  }
0x6: {  	_ = 	snop  }
0x7: {  	_ = 	snop  }
__scs_overlays_trampoline_lowered:
0x8: {  	[smem:$0x3FAE] =	sst s0  }
0x9: {  	[smem:$0x3FAF] =	sst s1  }
0xa: {  	[smem:$0x3FB0] =	sst s2  }
0xb: {  	[smem:$0x3FB1] =	sst s3  }
0xc: {  	[smem:$0x3FB2] =	sst s4  }
0xd: {  	[smem:$0x3FB3] =	sst s5  }
0xe: {  	[smem:$0x3FB4] =	sst s6  }
0xf: {  	[smem:$0x3FB5] =	sst s7  }
0x10: {  	[smem:$0x3FB6] =	sst s8  }
0x11: {  	[smem:$0x3FB7] =	sst s9;
	s0 =	simm.s32 @!p0 $0x0  }
0x12: {  	s1 =	sld [smem:$0x3F9D];
	s0 =	simm.s32 @p0 $0x1  }
0x13: {  	[smem:$0x3FB8] =	sst s0;
	s0 =	simm.s32 @!p1 $0x0  }
0x14: {  	s2 =	sld [smem:$0x3F9C];
	s0 =	simm.s32 @p1 $0x1  }
0x15: {  	[smem:$0x3FB9] =	sst s0;
	s0 =	simm.s32 @!p2 $0x0  }
0x16: {  	s3 =	sld [smem:$0x3FDB];
	s0 =	simm.s32 @p2 $0x1  }
0x17: {  	s4 =	simm.s32 $0x1BF5;
	[smem:$0x3FBB] =	sst s0  }
0x18: {  	s0 =	sld [smem:$0x3F9E];
	_ =	swait.ge [sflag:s4], $0x0  }
0x19: {  	s7 =	sld [smem:$0x3F9F]  }
0x1a: {  	s8 =	sadd.s32 $0xFFFFE003, lr  }
0x1b: {  	s9 =	sadd.s32 $0xFFFFFEF7, lr;
	s5 =	simm.s32 $0xFFFFFFFF;
	p2 =	slt.u32 s8, $0xFFFFF086  }
0x1c: {  	p1 =	slt.u32 s9, $0xF7A;
	s5 =	simm.s32 @!p2 $0x0  }
0x1d: {  	s5 =	simm.s32 @p1 $0x1;
	p0 =	seq.s32 s7, s2  }
0x1e: {  	s7 =	smul.u32 @!p0 $0xF7A, s2;
	p2 =	seq.s32 @!p0 s5, $0x0  }
0x1f: {  	s9 =	smul.u32 $0xF7A, s1;
	s8 =	simm.s32 @!p0 $0x1BF5;
	p2 =	por !p2, p0  }
0x20: {  	[sflag:s8] =	ssyncset.s32 @!p0 $0xFFFFF086;
	s6 =	sadd.s32 @!p0 s3, s7;
	s7 =	simm.s32 @!p0 $0x108  }
0x21: {  	s3 =	sadd.s32 s3, s9;
	s6 =	sadd.s32 @!p0 $0x88, s6;
	s7 =	simm.s32 @p2 $0x1082  }
0x22: {  	[simem:s7], [sflag:s8] =	dma.local @!p0 [hbm:s6], $0xF7A  }
0x23: {  	s9 =	sor.u32 $0xD0000000, s2;
	s6 =	simm.s32 $0x108;
	_ =	swait.ge @!p0 [sflag:s8], $0x0  }
0x24: {  	s3 =	sadd.s32 $0x88, s3;
	s6 =	simm.s32 @!p1 $0x1082;
	[sflag:s4] =	ssyncset.s32 $0xFFFFF086  }
0x25: {  	[simem:s6], [sflag:s4] =	dma.local [hbm:s3], $0xF7A  }
0x26: {  	[smem:$0x3F9F] =	sst s1;
	(tag) =	ssettag s2;
	_ =	strace s9  }
0x27: {  	s1 =	sld [smem:$0x3FAF]  }
0x28: {  	s2 =	sld [smem:$0x3FB0]  }
0x29: {  	s4 =	sld [smem:$0x3FB2]  }
0x2a: {  	p0 =	seq.s32 s5, $0x0;
	s5 =	sld [smem:$0x3FB3]  }
0x2b: {  	s6 =	sld [smem:$0x3FB4]  }
0x2c: {  	s7 =	sld [smem:$0x3FB5]  }
0x2d: {  	s3 =	simm.s32 $0x108;
	s8 =	sld [smem:$0x3FB6]  }
0x2e: {  	s3 =	simm.s32 @!p0 $0x1082;
	s9 =	sld [smem:$0x3FB7]  }
0x2f: {  	lr =	sadd.s32 s0, s3;
	s0 =	sld [smem:$0x3FAE]  }
0x30: {  	s3 =	sld [smem:$0x3FB1]  }
0x31: {  	[smem:$0x3FBA] =	sst s10  }
0x32: {  	s10 =	sld [smem:$0x3FB8];
	_ =	sdelay $0x3  }
0x33: {  	p0 =	seq.s32 s10, $0x1;
	s10 =	sld [smem:$0x3FBA];
	_ =	sdelay $0x3  }
0x34: {  	[smem:$0x3FBA] =	sst s10  }
0x35: {  	s10 =	sld [smem:$0x3FB9];
	_ =	sdelay $0x3  }
0x36: {  	p1 =	seq.s32 s10, $0x1;
	s10 =	sld [smem:$0x3FBA];
	_ =	sdelay $0x3  }
0x37: {  	[smem:$0x3FBA] =	sst s10  }
0x38: {  	s10 =	sld [smem:$0x3FBB]  }
0x39: {  	_ = 	snop;
	(pc) =	sbr.ind lr, $3  }
0x3a: {  	_ = 	snop  }
0x3b: {  	_ = 	snop  }
0x3c: {  	p2 =	seq.s32 s10, $0x1;
	s10 =	sld [smem:$0x3FBA]  }
0x3d: {  	_ =	shalt  }
0x3e: {  	_ =	shalt  }
0x3f: {  	_ =	shalt  }
0x40: {  	_ =	shalt  }
0x41: {  	_ =	shalt  }
0x42: {  	_ =	shalt  }
0x43: {  	_ =	shalt  }
0x44: {  	_ =	shalt  }
0x45: {  	_ =	shalt  }
0x46: {  	_ =	shalt  }
0x47: {  	_ =	shalt  }
0x48: {  	_ =	shalt  }
0x49: {  	_ =	shalt  }
0x4a: {  	_ =	shalt  }
0x4b: {  	_ =	shalt  }
0x4c: {  	_ =	shalt  }
0x4d: {  	_ =	shalt  }
0x4e: {  	_ =	shalt  }
0x4f: {  	_ =	shalt  }
0x50: {  	_ =	shalt  }
0x51: {  	_ =	shalt  }
0x52: {  	_ =	shalt  }
0x53: {  	_ =	shalt  }
0x54: {  	_ =	shalt  }
0x55: {  	_ =	shalt  }
0x56: {  	_ =	shalt  }
0x57: {  	_ =	shalt  }
0x58: {  	_ =	shalt  }
0x59: {  	_ =	shalt  }
0x5a: {  	_ =	shalt  }
0x5b: {  	_ =	shalt  }
0x5c: {  	_ =	shalt  }
0x5d: {  	_ =	shalt  }
0x5e: {  	_ =	shalt  }
0x5f: {  	_ =	shalt  }
0x60: {  	_ =	shalt  }
0x61: {  	_ =	shalt  }
0x62: {  	_ =	shalt  }
0x63: {  	_ =	shalt  }
0x64: {  	_ =	shalt  }
0x65: {  	_ =	shalt  }
0x66: {  	_ =	shalt  }
0x67: {  	_ =	shalt  }
0x68: {  	_ =	shalt  }
0x69: {  	_ =	shalt  }
0x6a: {  	_ =	shalt  }
0x6b: {  	_ =	shalt  }
0x6c: {  	_ =	shalt  }
0x6d: {  	_ =	shalt  }
0x6e: {  	_ =	shalt  }
0x6f: {  	_ =	shalt  }
0x70: {  	_ =	shalt  }
0x71: {  	_ =	shalt  }
0x72: {  	_ =	shalt  }
0x73: {  	_ =	shalt  }
0x74: {  	_ =	shalt  }
0x75: {  	_ =	shalt  }
0x76: {  	_ =	shalt  }
0x77: {  	_ =	shalt  }
0x78: {  	_ =	shalt  }
0x79: {  	_ =	shalt  }
0x7a: {  	_ =	shalt  }
0x7b: {  	_ =	shalt  }
0x7c: {  	_ =	shalt  }
0x7d: {  	_ =	shalt  }
0x7e: {  	_ =	shalt  }
0x7f: {  	_ =	shalt  }
0x80: {  	_ =	shalt  }
0x81: {  	_ =	shalt  }
0x82: {  	_ =	shalt  }
0x83: {  	_ =	shalt  }
0x84: {  	_ =	shalt  }
0x85: {  	_ =	shalt  }
0x86: {  	_ =	shalt  }
0x87: {  	_ =	shalt  }
.Lfunc_end0:
.L_simem_size_0:
called_computation_lowered:
.L_overlay_start_0:
0x88: {  	s2 =	sld [smem:$0x3FD9]  }
0x89: {  	s3 =	sld [smem:$0x3FFE];
	_ =	sdelay $0x1  }
0x8a: {  	s1 =	srdreg.scid  }
0x8b: {  	s0 =	sand.u32 $0x1, s1  }
0x8c: {  	s17 =	sshll.u32 s0, $0xA;
	s2 =	sadd.s32 s3, s2  }
0x8d: {  	s2 =	sadd.s32 s2, s17  }
0x8e: {  	[smem:$0x3FC6] =	sst s2  }
0x8f: {  	_ = 	snop  }
0x90: {  	s2 =	sld [smem:$0x3FC9]  }
0x91: {  	s18 =	sld [smem:$0x3FD0];
	(tm) =	ssettm $0x1  }
0x92: {  	s4 =	sld [smem:$0x3FFB];
	_ =	sdelay $0x3  }
0x93: {  	_ =	strace s4  }
0x94: {  	s4 =	sld [smem:$0x3FFC];
	_ =	sdelay $0x3  }
0x95: {  	_ =	strace s4  }
0x96: {  	s4 =	sld [smem:$0x3FFD];
	_ =	sdelay $0x3  }
0x97: {  	_ =	strace s4  }
0x98: {  	_ =	strace $0x8FFFFFFF  }
0x99: {  	s19 =	sld [smem:$0x3FDB];
	_ =	sdelay $0x1  }
0x9a: {  	s5 =	simm.s32 $_scs_section_size  }
0x9b: {  	s6 =	simm.s32 $_size__tile_overlayer_lowered;
	s7 =	simm.s32 $_tile_overlayer_lowered  }
0x9c: {  	s22 =	simm.s32 $0x1BFF;
	s21 =	sshll.u32 s7, $0x1;
	s4 =	sadd.s32 s5, s19  }
0x9d: {  	s8 =	simm.s32 $0x0;
	s20 =	sshll.u32 s6, $0x1;
	s6 =	sadd.s32 s21, s4  }
0x9e: {  	[timem:s8], [sflag:s22] =	dma.local [hbm:s6], s20  }
0x9f: {  	_ =	swait.ge [sflag:s22], s20  }
0xa0: {  	s5 =	ssub.s32 $0x0, s20;
	[sflag:s22] =	ssyncset.done $0x0  }
0xa1: {  	[sflag:s22] =	ssyncadd.s32 s5;
	_ =	sdelay $0x1  }
0xa2: {  	s23 =	simm.s32 $0x1B8B  }
0xa3: {  	_ =	swait.ge [sflag:s23], $0x1  }
0xa4: {  	[sflag:s23] =	ssyncset.done $0x0  }
0xa5: {  	s25 =	simm.s32 $0x1B8E;
	s24 =	sld [smem:$0x3FFE];
	[sflag:s23] =	ssyncadd.s32 $0xFFFFFFFF  }
0xa6: {  	s26 =	simm.s32 $execute0_lowered;
	[smem:$0x3FD2] =	sst s25  }
0xa7: {  	s6 =	sshll.u32 s26, $0x1;
	_ =	strace $0x80000046;
	[dreg:$0x1] =	wrdreg $0xFFFFFFFF  }
0xa8: {  	s28 =	simm.s32 $_size_execute0_lowered;
	s4 =	sadd.s32 s4, s6;
	[dreg:$0x0] =	wrdreg $0x0  }
0xa9: {  	s6 =	sshll.u32 s28, $0x1;
	[dreg:$0x2] =	wrdreg s4  }
0xaa: {  	[dreg:$0x3] =	wrdreg s6  }
0xab: {  	[dreg:$0x4] =	wrdreg $0xC0  }
0xac: {  	_ =	task [dreg:s8], $0x5FFFF  }
0xad: {  	[dreg:$0x1] =	wrdreg $0xFFFFFFFF  }
0xae: {  	[dreg:$0x0] =	wrdreg $0x60  }
0xaf: {  	[dreg:$0x2] =	wrdreg s2  }
0xb0: {  	[dreg:$0x3] =	wrdreg s24  }
0xb1: {  	[dreg:$0x4] =	wrdreg s18  }
0xb2: {  	[dreg:$0x5] =	wrdreg $0x9  }
0xb3: {  	_ =	task.clear_ibuf [dreg:s8], $0x6FFFF;
	_ =	strace $0x90000046  }
0xb4: {  	s29 =	simm.s32 $0x9;
	_ =	strace $0x80000048  }
0xb5: {  	_ =	swait.ge [sflag:s29], $0x1  }
0xb6: {  	[sflag:s29] =	ssyncadd.s32 $0xFFFFFFFF  }
0xb7: {  	_ =	strace $0x90000048  }
0xb8: {  	_ =	sfence  }
0xb9: {  	s30 =	sld [smem:$0x0];
	_ =	sdelay $0x2  }
0xba: {  	s31 =	sshll.u32 s1, $0xD;
	s1 =	sshrl.u32 s1, $0x2  }
0xbb: {  	s3 =	sand.u32 $0x4000, s31;
	s1 =	sadd.s32 s1, s30  }
0xbc: {  	s0 =	sor.u32 s3, s0;
	s1 =	sshll.u32 s1, $0x11  }
0xbd: {  	s0 =	sor.u32 s1, s0  }
0xbe: {  	s0 =	sadd.s32 $0x8F2B, s0  }
0xbf: {  	[sflag:s0] =	ssyncadd.remote.s32 $0x1  }
0xc0: {  	_ =	sfence.sel $0xFFFF  }
0xc1: {  	[dreg:$0x0] =	wrdreg $0xFFFFFFFF;
	(pc) =	sbr.abs _section_cstart, $3  }
0xc2: {  	[dreg:$0x1] =	wrdreg $0xFFFFFFFF  }
0xc3: {  	_ =	task.clear_ibuf [dreg:s8], $0x2FFFF;
	_ =	strace $0x9FFFFFFF  }
0xc4: {  	(tm) =	ssettm $0x7FFFFFFF  }
0xc5: {  	_ =	shalt  }
tec
execute0_lowered:
.L_overlay_start_1:
0x0: {  	(tag) =	ssettag $0x1  }
0x1: {  	s1 =	rddreg [dreg:$0x0]  }
0x2: {  	s0 =	srdreg.scid;
	s3 =	stileid.u32  }
0x3: {  	s2 =	rddreg [dreg:$0x1];
	s11 =	simm.s32 $0x5;
	s12 =	simm.s32 $0x80  }
0x4: {  	s22 =	simm.s32 $0x17400;
	s23 =	simm.s32 $0x1;
	s24 =	simm.s32 $0x1B400  }
0x5: {  	s25 =	simm.s32 $0x1B800;
	s28 =	simm.s32 $0x2;
	s29 =	simm.s32 $0x1C000  }
0x6: {  	s30 =	simm.s32 $0x1C400;
	s31 =	simm.s32 $0x1C800;
	s13 =	simm.s32 $0x0  }
0x7: {  	s0 =	sand.u32 $0x1, s0;
	s4 =	sshll.u32 s3, $0x1;
	s3 =	rddreg [dreg:$0x2]  }
0x8: {  	s5 =	sor.u32 s0, s4;
	s4 =	simm.s32 $0x0;
	s0 =	ssub.s32 $0x2, s0  }
0x9: {  	s7 =	sadd.s32 $0x100, s3;
	s9 =	sadd.s32 $0x80, s3;
	s6 =	smul.u32 $0x680, s5  }
0xa: {  	[smem:$0x7FF] =	sst s4;
	s26 =	sshrl.u32 s0, $0x1;
	s5 =	smul.u32 $0x330, s5  }
0xb: {  	_ =	strace $0x80000047;
	s0 =	ssub.s32 s0, s26;
	s26 =	simm.s32 $0x1BC00  }
0xc: {  	s2 =	sadd.s32 s6, s2;
	s8 =	sadd.s32 $0x18, s5;
	s10 =	smax.u32 s0, $0x1  }
0xd: {  	s0 =	simm.s32 $0x4;
	s6 =	sadd.s32 $0x400, s2;
	s2 =	simm.s32 $0x3  }
.LBB2_1:
0xe: {  	[tilespmem:s4], [sflag:$0x5] =	stream.linear.gather [hbm4b:s6+s4], $0x3300, $0x38;
	[tilespmem:$0x1CC00] =	vst v63  }
0xf: {  	_ =	swait.ge [sflag:s11], $0x3300  }
0x10: {  	[sflag:s11] =	ssyncset.done $0x0  }
0x11: {  	s14 =	simm.s32 $0x3400;
	[sflag:s11] =	ssyncadd.s32 $0xFFFFCD00  }
0x12: {  	[tilespmem:s14], [sflag:$0x1] =	stream.indirect.gather [hbm4b:s1+s12], $0x80, s4, s12, $0xb8;
	[tilespmem:$0x1CC00] =	vst v63  }
0x13: {  	s15 =	simm.s32 $0x7400  }
0x14: {  	[tilespmem:s15], [sflag:$0x1] =	stream.indirect.gather [hbm4b:s1+s12], $0x80, s12, s12, $0xb8;
	[tilespmem:$0x1CC00] =	vst v63  }
0x15: {  	s16 =	simm.s32 $0x100;
	s15 =	simm.s32 $0xB400  }
0x16: {  	[tilespmem:s15], [sflag:$0x1] =	stream.indirect.gather [hbm4b:s1+s12], $0x80, s16, s12, $0xb8;
	[tilespmem:$0x1CC00] =	vst v63  }
0x17: {  	s17 =	simm.s32 $0x180;
	s18 =	simm.s32 $0xF400  }
0x18: {  	[tilespmem:s18], [sflag:$0x2] =	stream.indirect.gather [hbm4b:s1+s12], $0x80, s17, s12, $0xb8;
	[tilespmem:$0x1CC00] =	vst v63  }
0x19: {  	s19 =	simm.s32 $0x200;
	s20 =	simm.s32 $0x13400  }
0x1a: {  	[tilespmem:s20], [sflag:$0x2] =	stream.indirect.gather [hbm4b:s1+s12], $0x80, s19, s12, $0xb8;
	[tilespmem:$0x1CC00] =	vst v63  }
0x1b: {  	s21 =	simm.s32 $0x280;
	s14 =	simm.s32 $0x0  }
0x1c: {  	[tilespmem:s22], [sflag:$0x2] =	stream.indirect.gather [hbm4b:s1+s12], $0x80, s21, s12, $0xb8;
	[tilespmem:$0x1CC00] =	vst v63  }
.LBB2_2:
0x1d: {  	_ =	swait.ge [sflag:s23], $0xC000  }
0x1e: {  	p1 =	seq.s32 s14, $0x0;
	[sflag:s23] =	ssyncset.done $0x0  }
0x1f: {  	s15 =	simm.s32 @!p1 $0x3;
	[sflag:s23] =	ssyncadd.s32 $0xFFFF4000  }
0x20: {  	_ =	swait.ge @!p1 [sflag:s15], $0xC00  }
0x21: {  	[sflag:s15] =	ssyncset.done @!p1 $0x0  }
0x22: {  	[sflag:s15] =	ssyncadd.s32 @!p1 $0xFFFFF400;
	s15 =	simm.s32 $0x3800  }
0x23: {  	v0 =	vld [tilespmem:s15+$0xFFFFFC80]  }
0x24: {  	v1 =	vld [tilespmem:s15+$0xFFFFFC00]  }
0x25: {  	v2 =	vld [tilespmem:s15+$0xFFFFFD00]  }
0x26: {  	v3 =	vld [tilespmem:s15+$0xFFFFFD80]  }
0x27: {  	v4 =	vld [tilespmem:s15+$0xFFFFFE00]  }
0x28: {  	v5 =	vld [tilespmem:s15+$0xFFFFFE80]  }
0x29: {  	v0 =	vmax.f32 v1, v0;
	v1 =	vld [tilespmem:s15+$0xFFFFFF00]  }
0x2a: {  	v0 =	vmax.f32 v0, v2;
	v2 =	vld [tilespmem:s15+$0xFFFFFF80]  }
0x2b: {  	v0 =	vmax.f32 v0, v3;
	v3 =	vld [tilespmem:s15+$0x0]  }
0x2c: {  	v0 =	vmax.f32 v0, v4;
	v4 =	vld [tilespmem:s15+$0x80]  }
0x2d: {  	v0 =	vmax.f32 v0, v5;
	v5 =	vld [tilespmem:s15+$0x100]  }
0x2e: {  	v0 =	vmax.f32 v0, v1;
	v1 =	vld [tilespmem:s15+$0x180]  }
0x2f: {  	v0 =	vmax.f32 v0, v2;
	v2 =	vld [tilespmem:s15+$0x200]  }
0x30: {  	v0 =	vmax.f32 v0, v3;
	v3 =	vld [tilespmem:s15+$0x280]  }
0x31: {  	v0 =	vmax.f32 v0, v4;
	v4 =	vld [tilespmem:s15+$0x300]  }
0x32: {  	v0 =	vmax.f32 v0, v5;
	v5 =	vld [tilespmem:s15+$0x380]  }
0x33: {  	v0 =	vmax.f32 v0, v1  }
0x34: {  	v0 =	vmax.f32 v0, v2  }
0x35: {  	v0 =	vmax.f32 v0, v3  }
0x36: {  	v0 =	vmax.f32 v0, v4  }
0x37: {  	s16 =	simm.s32 $0x0;
	v0 =	vmax.f32 v0, v5  }
0x38: {  	[tilespmem:s16+$0x1B400] =	vst v0  }
0x39: {  	v0 =	vld [tilespmem:s15+$0xFFFFFC10]  }
0x3a: {  	v1 =	vld [tilespmem:s15+$0xFFFFFC90]  }
0x3b: {  	v2 =	vld [tilespmem:s15+$0xFFFFFD10]  }
0x3c: {  	v3 =	vld [tilespmem:s15+$0xFFFFFD90]  }
0x3d: {  	v4 =	vld [tilespmem:s15+$0xFFFFFE10]  }
0x3e: {  	v5 =	vld [tilespmem:s15+$0xFFFFFE90]  }
0x3f: {  	v0 =	vmax.f32 v0, v1;
	v1 =	vld [tilespmem:s15+$0xFFFFFF10]  }
0x40: {  	v0 =	vmax.f32 v0, v2;
	v2 =	vld [tilespmem:s15+$0xFFFFFF90]  }
0x41: {  	v0 =	vmax.f32 v0, v3;
	v3 =	vld [tilespmem:s15+$0x10]  }
0x42: {  	v0 =	vmax.f32 v0, v4;
	v4 =	vld [tilespmem:s15+$0x90]  }
0x43: {  	v0 =	vmax.f32 v0, v5;
	v5 =	vld [tilespmem:s15+$0x110]  }
0x44: {  	v0 =	vmax.f32 v0, v1;
	v1 =	vld [tilespmem:s15+$0x190]  }
0x45: {  	v0 =	vmax.f32 v0, v2;
	v2 =	vld [tilespmem:s15+$0x210]  }
0x46: {  	v0 =	vmax.f32 v0, v3;
	v3 =	vld [tilespmem:s15+$0x290]  }
0x47: {  	v0 =	vmax.f32 v0, v4;
	v4 =	vld [tilespmem:s15+$0x310]  }
0x48: {  	v0 =	vmax.f32 v0, v5;
	v5 =	vld [tilespmem:s15+$0x390]  }
0x49: {  	v0 =	vmax.f32 v0, v1  }
0x4a: {  	v0 =	vmax.f32 v0, v2  }
0x4b: {  	v0 =	vmax.f32 v0, v3  }
0x4c: {  	v0 =	vmax.f32 v0, v4  }
0x4d: {  	v0 =	vmax.f32 v0, v5  }
0x4e: {  	[tilespmem:s16+$0x1B410] =	vst v0  }
0x4f: {  	v0 =	vld [tilespmem:s15+$0xFFFFFC20]  }
0x50: {  	v1 =	vld [tilespmem:s15+$0xFFFFFCA0]  }
0x51: {  	v2 =	vld [tilespmem:s15+$0xFFFFFD20]  }
0x52: {  	v3 =	vld [tilespmem:s15+$0xFFFFFDA0]  }
0x53: {  	v4 =	vld [tilespmem:s15+$0xFFFFFE20]  }
0x54: {  	v5 =	vld [tilespmem:s15+$0xFFFFFEA0]  }
0x55: {  	v0 =	vmax.f32 v0, v1;
	v1 =	vld [tilespmem:s15+$0xFFFFFF20]  }
0x56: {  	v0 =	vmax.f32 v0, v2;
	v2 =	vld [tilespmem:s15+$0xFFFFFFA0]  }
0x57: {  	v0 =	vmax.f32 v0, v3;
	v3 =	vld [tilespmem:s15+$0x20]  }
0x58: {  	v0 =	vmax.f32 v0, v4;
	v4 =	vld [tilespmem:s15+$0xA0]  }
0x59: {  	v0 =	vmax.f32 v0, v5;
	v5 =	vld [tilespmem:s15+$0x120]  }
0x5a: {  	v0 =	vmax.f32 v0, v1;
	v1 =	vld [tilespmem:s15+$0x1A0]  }
0x5b: {  	v0 =	vmax.f32 v0, v2;
	v2 =	vld [tilespmem:s15+$0x220]  }
0x5c: {  	v0 =	vmax.f32 v0, v3;
	v3 =	vld [tilespmem:s15+$0x2A0]  }
0x5d: {  	v0 =	vmax.f32 v0, v4;
	v4 =	vld [tilespmem:s15+$0x320]  }
0x5e: {  	v0 =	vmax.f32 v0, v5;
	v5 =	vld [tilespmem:s15+$0x3A0]  }
0x5f: {  	v0 =	vmax.f32 v0, v1  }
0x60: {  	v0 =	vmax.f32 v0, v2  }
0x61: {  	v0 =	vmax.f32 v0, v3  }
0x62: {  	v0 =	vmax.f32 v0, v4  }
0x63: {  	v0 =	vmax.f32 v0, v5  }
0x64: {  	[tilespmem:s16+$0x1B420] =	vst v0  }
0x65: {  	v0 =	vld [tilespmem:s15+$0xFFFFFC30]  }
0x66: {  	v1 =	vld [tilespmem:s15+$0xFFFFFCB0]  }
0x67: {  	v2 =	vld [tilespmem:s15+$0xFFFFFD30]  }
0x68: {  	v3 =	vld [tilespmem:s15+$0xFFFFFDB0]  }
0x69: {  	v4 =	vld [tilespmem:s15+$0xFFFFFE30]  }
0x6a: {  	v5 =	vld [tilespmem:s15+$0xFFFFFEB0]  }
0x6b: {  	v0 =	vmax.f32 v0, v1;
	v1 =	vld [tilespmem:s15+$0xFFFFFF30]  }
0x6c: {  	v0 =	vmax.f32 v0, v2;
	v2 =	vld [tilespmem:s15+$0xFFFFFFB0]  }
0x6d: {  	v0 =	vmax.f32 v0, v3;
	v3 =	vld [tilespmem:s15+$0x30]  }
0x6e: {  	v0 =	vmax.f32 v0, v4;
	v4 =	vld [tilespmem:s15+$0xB0]  }
0x6f: {  	v0 =	vmax.f32 v0, v5;
	v5 =	vld [tilespmem:s15+$0x130]  }
0x70: {  	v0 =	vmax.f32 v0, v1;
	v1 =	vld [tilespmem:s15+$0x1B0]  }
0x71: {  	v0 =	vmax.f32 v0, v2;
	v2 =	vld [tilespmem:s15+$0x230]  }
0x72: {  	v0 =	vmax.f32 v0, v3;
	v3 =	vld [tilespmem:s15+$0x2B0]  }
0x73: {  	v0 =	vmax.f32 v0, v4;
	v4 =	vld [tilespmem:s15+$0x330]  }
0x74: {  	v0 =	vmax.f32 v0, v5;
	v5 =	vld [tilespmem:s15+$0x3B0]  }
0x75: {  	v0 =	vmax.f32 v0, v1  }
0x76: {  	v0 =	vmax.f32 v0, v2  }
0x77: {  	v0 =	vmax.f32 v0, v3  }
0x78: {  	v0 =	vmax.f32 v0, v4  }
0x79: {  	v0 =	vmax.f32 v0, v5  }
0x7a: {  	[tilespmem:s16+$0x1B430] =	vst v0  }
0x7b: {  	v0 =	vld [tilespmem:s15+$0xFFFFFC40]  }
0x7c: {  	v1 =	vld [tilespmem:s15+$0xFFFFFCC0]  }
0x7d: {  	v2 =	vld [tilespmem:s15+$0xFFFFFD40]  }
0x7e: {  	v3 =	vld [tilespmem:s15+$0xFFFFFDC0]  }
0x7f: {  	v4 =	vld [tilespmem:s15+$0xFFFFFE40]  }
0x80: {  	v5 =	vld [tilespmem:s15+$0xFFFFFEC0]  }
0x81: {  	v0 =	vmax.f32 v0, v1;
	v1 =	vld [tilespmem:s15+$0xFFFFFF40]  }
0x82: {  	v0 =	vmax.f32 v0, v2;
	v2 =	vld [tilespmem:s15+$0xFFFFFFC0]  }
0x83: {  	v0 =	vmax.f32 v0, v3;
	v3 =	vld [tilespmem:s15+$0x40]  }
0x84: {  	v0 =	vmax.f32 v0, v4;
	v4 =	vld [tilespmem:s15+$0xC0]  }
0x85: {  	v0 =	vmax.f32 v0, v5;
	v5 =	vld [tilespmem:s15+$0x140]  }
0x86: {  	v0 =	vmax.f32 v0, v1;
	v1 =	vld [tilespmem:s15+$0x1C0]  }
0x87: {  	v0 =	vmax.f32 v0, v2;
	v2 =	vld [tilespmem:s15+$0x240]  }
0x88: {  	v0 =	vmax.f32 v0, v3;
	v3 =	vld [tilespmem:s15+$0x2C0]  }
0x89: {  	v0 =	vmax.f32 v0, v4;
	v4 =	vld [tilespmem:s15+$0x340]  }
0x8a: {  	v0 =	vmax.f32 v0, v5;
	v5 =	vld [tilespmem:s15+$0x3C0]  }
0x8b: {  	v0 =	vmax.f32 v0, v1  }
0x8c: {  	v0 =	vmax.f32 v0, v2  }
0x8d: {  	v0 =	vmax.f32 v0, v3  }
0x8e: {  	v0 =	vmax.f32 v0, v4  }
0x8f: {  	v0 =	vmax.f32 v0, v5  }
0x90: {  	[tilespmem:s16+$0x1B440] =	vst v0  }
0x91: {  	v0 =	vld [tilespmem:s15+$0xFFFFFC50]  }
0x92: {  	v1 =	vld [tilespmem:s15+$0xFFFFFCD0]  }
0x93: {  	v2 =	vld [tilespmem:s15+$0xFFFFFD50]  }
0x94: {  	v3 =	vld [tilespmem:s15+$0xFFFFFDD0]  }
0x95: {  	v4 =	vld [tilespmem:s15+$0xFFFFFE50]  }
0x96: {  	v5 =	vld [tilespmem:s15+$0xFFFFFED0]  }
0x97: {  	v0 =	vmax.f32 v0, v1;
	v1 =	vld [tilespmem:s15+$0xFFFFFF50]  }
0x98: {  	v0 =	vmax.f32 v0, v2;
	v2 =	vld [tilespmem:s15+$0xFFFFFFD0]  }
0x99: {  	v0 =	vmax.f32 v0, v3;
	v3 =	vld [tilespmem:s15+$0x50]  }
0x9a: {  	v0 =	vmax.f32 v0, v4;
	v4 =	vld [tilespmem:s15+$0xD0]  }
0x9b: {  	v0 =	vmax.f32 v0, v5;
	v5 =	vld [tilespmem:s15+$0x150]  }
0x9c: {  	v0 =	vmax.f32 v0, v1;
	v1 =	vld [tilespmem:s15+$0x1D0]  }
0x9d: {  	v0 =	vmax.f32 v0, v2;
	v2 =	vld [tilespmem:s15+$0x250]  }
0x9e: {  	v0 =	vmax.f32 v0, v3;
	v3 =	vld [tilespmem:s15+$0x2D0]  }
0x9f: {  	v0 =	vmax.f32 v0, v4;
	v4 =	vld [tilespmem:s15+$0x350]  }
0xa0: {  	v0 =	vmax.f32 v0, v5;
	v5 =	vld [tilespmem:s15+$0x3D0]  }
0xa1: {  	v0 =	vmax.f32 v0, v1  }
0xa2: {  	v0 =	vmax.f32 v0, v2  }
0xa3: {  	v0 =	vmax.f32 v0, v3  }
0xa4: {  	v0 =	vmax.f32 v0, v4  }
0xa5: {  	v0 =	vmax.f32 v0, v5  }
0xa6: {  	[tilespmem:s16+$0x1B450] =	vst v0  }
0xa7: {  	v0 =	vld [tilespmem:s15+$0xFFFFFC60]  }
0xa8: {  	v1 =	vld [tilespmem:s15+$0xFFFFFCE0]  }
0xa9: {  	v2 =	vld [tilespmem:s15+$0xFFFFFD60]  }
0xaa: {  	v3 =	vld [tilespmem:s15+$0xFFFFFDE0]  }
0xab: {  	v4 =	vld [tilespmem:s15+$0xFFFFFE60]  }
0xac: {  	v5 =	vld [tilespmem:s15+$0xFFFFFEE0]  }
0xad: {  	v0 =	vmax.f32 v0, v1;
	v1 =	vld [tilespmem:s15+$0xFFFFFF60]  }
0xae: {  	v0 =	vmax.f32 v0, v2;
	v2 =	vld [tilespmem:s15+$0xFFFFFFE0]  }
0xaf: {  	v0 =	vmax.f32 v0, v3;
	v3 =	vld [tilespmem:s15+$0x60]  }
0xb0: {  	v0 =	vmax.f32 v0, v4;
	v4 =	vld [tilespmem:s15+$0xE0]  }
0xb1: {  	v0 =	vmax.f32 v0, v5;
	v5 =	vld [tilespmem:s15+$0x160]  }
0xb2: {  	v0 =	vmax.f32 v0, v1;
	v1 =	vld [tilespmem:s15+$0x1E0]  }
0xb3: {  	v0 =	vmax.f32 v0, v2;
	v2 =	vld [tilespmem:s15+$0x260]  }
0xb4: {  	v0 =	vmax.f32 v0, v3;
	v3 =	vld [tilespmem:s15+$0x2E0]  }
0xb5: {  	v0 =	vmax.f32 v0, v4;
	v4 =	vld [tilespmem:s15+$0x360]  }
0xb6: {  	v0 =	vmax.f32 v0, v5;
	v5 =	vld [tilespmem:s15+$0x3E0]  }
0xb7: {  	v0 =	vmax.f32 v0, v1  }
0xb8: {  	v0 =	vmax.f32 v0, v2  }
0xb9: {  	v0 =	vmax.f32 v0, v3  }
0xba: {  	v0 =	vmax.f32 v0, v4  }
0xbb: {  	v0 =	vmax.f32 v0, v5  }
0xbc: {  	[tilespmem:s16+$0x1B460] =	vst v0  }
0xbd: {  	v0 =	vld [tilespmem:s15+$0xFFFFFC70]  }
0xbe: {  	v1 =	vld [tilespmem:s15+$0xFFFFFCF0]  }
0xbf: {  	v2 =	vld [tilespmem:s15+$0xFFFFFD70]  }
0xc0: {  	v3 =	vld [tilespmem:s15+$0xFFFFFDF0]  }
0xc1: {  	v5 =	vld [tilespmem:s15+$0xFFFFFE70]  }
0xc2: {  	v6 =	vld [tilespmem:s15+$0xFFFFFEF0]  }
0xc3: {  	v7 =	vld [tilespmem:s15+$0xFFFFFF70];
	v0 =	vmax.f32 v0, v1  }
0xc4: {  	v8 =	vld [tilespmem:s15+$0xFFFFFFF0];
	v0 =	vmax.f32 v0, v2  }
0xc5: {  	v4 =	vld [tilespmem:s15+$0x70];
	v0 =	vmax.f32 v0, v3  }
0xc6: {  	v1 =	vld [tilespmem:s15+$0xF0];
	v0 =	vmax.f32 v0, v5  }
0xc7: {  	v2 =	vld [tilespmem:s15+$0x170];
	v0 =	vmax.f32 v0, v6  }
0xc8: {  	v3 =	vmax.f32 v0, v7;
	v0 =	vld [tilespmem:s15+$0x1F0]  }
0xc9: {  	s17 =	simm.s32 $0x200;
	s18 =	simm.s32 $0x3800;
	v5 =	vmax.f32 v3, v8;
	v3 =	vld [tilespmem:s15+$0x270]  }
.LBB2_3:
0xca: {  	p0 =	sne.s32 s17, $0x2E00  }
0xcb: {  	v4 =	vmax.f32 v5, v4;
	v5 =	vld [tilespmem:s15+$0x2F0];
	s18 =	sadd.s32 $0x800, s18;
	s19 =	smov.u32 s17;
	s17 =	sadd.s32 $0x200, s17  }
0xcc: {  	v1 =	vmax.f32 v4, v1;
	v4 =	vld [tilespmem:s15+$0x370]  }
0xcd: {  	v1 =	vmax.f32 v1, v2;
	v2 =	vld [tilespmem:s15+$0x3F0];
	s15 =	smov.u32 s18  }
0xce: {  	v0 =	vmax.f32 v1, v0  }
0xcf: {  	v0 =	vmax.f32 v0, v3  }
0xd0: {  	v0 =	vmax.f32 v0, v5  }
0xd1: {  	v0 =	vmax.f32 v0, v4  }
0xd2: {  	v0 =	vmax.f32 v0, v2  }
0xd3: {  	[tilespmem:s16+$0x1B470] =	vst v0  }
0xd4: {  	v0 =	vld [tilespmem:s18+$0xFFFFFD00]  }
0xd5: {  	v1 =	vld [tilespmem:s18+$0xFFFFFC80]  }
0xd6: {  	v2 =	vld [tilespmem:s18+$0xFFFFFC00]  }
0xd7: {  	v3 =	vld [tilespmem:s18+$0xFFFFFD80]  }
0xd8: {  	v4 =	vld [tilespmem:s18+$0xFFFFFE00];
	_ =	sdelay $0x1  }
0xd9: {  	v5 =	vld [tilespmem:s18+$0xFFFFFE80]  }
0xda: {  	v1 =	vmax.f32 v2, v1;
	v2 =	vld [tilespmem:s18+$0xFFFFFF00]  }
0xdb: {  	v0 =	vmax.f32 v1, v0;
	v1 =	vld [tilespmem:s18+$0xFFFFFF80]  }
0xdc: {  	v0 =	vmax.f32 v0, v3;
	v3 =	vld [tilespmem:s18+$0x0]  }
0xdd: {  	v0 =	vmax.f32 v0, v4;
	v4 =	vld [tilespmem:s18+$0x80]  }
0xde: {  	v0 =	vmax.f32 v0, v5;
	v5 =	vld [tilespmem:s18+$0x100]  }
0xdf: {  	v0 =	vmax.f32 v0, v2;
	v2 =	vld [tilespmem:s18+$0x180]  }
0xe0: {  	v0 =	vmax.f32 v0, v1;
	v1 =	vld [tilespmem:s18+$0x200]  }
0xe1: {  	v0 =	vmax.f32 v0, v3;
	v3 =	vld [tilespmem:s18+$0x280]  }
0xe2: {  	v0 =	vmax.f32 v0, v4;
	v4 =	vld [tilespmem:s18+$0x300]  }
0xe3: {  	v0 =	vmax.f32 v0, v5;
	v5 =	vld [tilespmem:s18+$0x380]  }
0xe4: {  	v0 =	vmax.f32 v0, v2  }
0xe5: {  	v0 =	vmax.f32 v0, v1  }
0xe6: {  	v0 =	vmax.f32 v0, v3  }
0xe7: {  	v0 =	vmax.f32 v0, v4  }
0xe8: {  	s16 =	sshra.s32 s19, $0x2;
	v0 =	vmax.f32 v0, v5  }
0xe9: {  	[tilespmem:s16+$0x1B400] =	vst v0  }
0xea: {  	v0 =	vld [tilespmem:s18+$0xFFFFFC10]  }
0xeb: {  	v1 =	vld [tilespmem:s18+$0xFFFFFC90]  }
0xec: {  	v2 =	vld [tilespmem:s18+$0xFFFFFD10]  }
0xed: {  	v3 =	vld [tilespmem:s18+$0xFFFFFD90]  }
0xee: {  	v4 =	vld [tilespmem:s18+$0xFFFFFE10]  }
0xef: {  	v5 =	vld [tilespmem:s18+$0xFFFFFE90]  }
0xf0: {  	v0 =	vmax.f32 v0, v1;
	v1 =	vld [tilespmem:s18+$0xFFFFFF10]  }
0xf1: {  	v0 =	vmax.f32 v0, v2;
	v2 =	vld [tilespmem:s18+$0xFFFFFF90]  }
0xf2: {  	v0 =	vmax.f32 v0, v3;
	v3 =	vld [tilespmem:s18+$0x10]  }
0xf3: {  	v0 =	vmax.f32 v0, v4;
	v4 =	vld [tilespmem:s18+$0x90]  }
0xf4: {  	v0 =	vmax.f32 v0, v5;
	v5 =	vld [tilespmem:s18+$0x110]  }
0xf5: {  	v0 =	vmax.f32 v0, v1;
	v1 =	vld [tilespmem:s18+$0x190]  }
0xf6: {  	v0 =	vmax.f32 v0, v2;
	v2 =	vld [tilespmem:s18+$0x210]  }
0xf7: {  	v0 =	vmax.f32 v0, v3;
	v3 =	vld [tilespmem:s18+$0x290]  }
0xf8: {  	v0 =	vmax.f32 v0, v4;
	v4 =	vld [tilespmem:s18+$0x310]  }
0xf9: {  	v0 =	vmax.f32 v0, v5;
	v5 =	vld [tilespmem:s18+$0x390]  }
0xfa: {  	v0 =	vmax.f32 v0, v1  }
0xfb: {  	v0 =	vmax.f32 v0, v2  }
0xfc: {  	v0 =	vmax.f32 v0, v3  }
0xfd: {  	v0 =	vmax.f32 v0, v4  }
0xfe: {  	v0 =	vmax.f32 v0, v5  }
0xff: {  	[tilespmem:s16+$0x1B410] =	vst v0  }
0x100: {  	v0 =	vld [tilespmem:s18+$0xFFFFFC20]  }
0x101: {  	v1 =	vld [tilespmem:s18+$0xFFFFFCA0]  }
0x102: {  	v2 =	vld [tilespmem:s18+$0xFFFFFD20]  }
0x103: {  	v3 =	vld [tilespmem:s18+$0xFFFFFDA0]  }
0x104: {  	v4 =	vld [tilespmem:s18+$0xFFFFFE20]  }
0x105: {  	v5 =	vld [tilespmem:s18+$0xFFFFFEA0]  }
0x106: {  	v0 =	vmax.f32 v0, v1;
	v1 =	vld [tilespmem:s18+$0xFFFFFF20]  }
0x107: {  	v0 =	vmax.f32 v0, v2;
	v2 =	vld [tilespmem:s18+$0xFFFFFFA0]  }
0x108: {  	v0 =	vmax.f32 v0, v3;
	v3 =	vld [tilespmem:s18+$0x20]  }
0x109: {  	v0 =	vmax.f32 v0, v4;
	v4 =	vld [tilespmem:s18+$0xA0]  }
0x10a: {  	v0 =	vmax.f32 v0, v5;
	v5 =	vld [tilespmem:s18+$0x120]  }
0x10b: {  	v0 =	vmax.f32 v0, v1;
	v1 =	vld [tilespmem:s18+$0x1A0]  }
0x10c: {  	v0 =	vmax.f32 v0, v2;
	v2 =	vld [tilespmem:s18+$0x220]  }
0x10d: {  	v0 =	vmax.f32 v0, v3;
	v3 =	vld [tilespmem:s18+$0x2A0]  }
0x10e: {  	v0 =	vmax.f32 v0, v4;
	v4 =	vld [tilespmem:s18+$0x320]  }
0x10f: {  	v0 =	vmax.f32 v0, v5;
	v5 =	vld [tilespmem:s18+$0x3A0]  }
0x110: {  	v0 =	vmax.f32 v0, v1  }
0x111: {  	v0 =	vmax.f32 v0, v2  }
0x112: {  	v0 =	vmax.f32 v0, v3  }
0x113: {  	v0 =	vmax.f32 v0, v4  }
0x114: {  	v0 =	vmax.f32 v0, v5  }
0x115: {  	[tilespmem:s16+$0x1B420] =	vst v0  }
0x116: {  	v0 =	vld [tilespmem:s18+$0xFFFFFC30]  }
0x117: {  	v1 =	vld [tilespmem:s18+$0xFFFFFCB0]  }
0x118: {  	v2 =	vld [tilespmem:s18+$0xFFFFFD30]  }
0x119: {  	v3 =	vld [tilespmem:s18+$0xFFFFFDB0]  }
0x11a: {  	v4 =	vld [tilespmem:s18+$0xFFFFFE30]  }
0x11b: {  	v5 =	vld [tilespmem:s18+$0xFFFFFEB0]  }
0x11c: {  	v0 =	vmax.f32 v0, v1;
	v1 =	vld [tilespmem:s18+$0xFFFFFF30]  }
0x11d: {  	v0 =	vmax.f32 v0, v2;
	v2 =	vld [tilespmem:s18+$0xFFFFFFB0]  }
0x11e: {  	v0 =	vmax.f32 v0, v3;
	v3 =	vld [tilespmem:s18+$0x30]  }
0x11f: {  	v0 =	vmax.f32 v0, v4;
	v4 =	vld [tilespmem:s18+$0xB0]  }
0x120: {  	v0 =	vmax.f32 v0, v5;
	v5 =	vld [tilespmem:s18+$0x130]  }
0x121: {  	v0 =	vmax.f32 v0, v1;
	v1 =	vld [tilespmem:s18+$0x1B0]  }
0x122: {  	v0 =	vmax.f32 v0, v2;
	v2 =	vld [tilespmem:s18+$0x230]  }
0x123: {  	v0 =	vmax.f32 v0, v3;
	v3 =	vld [tilespmem:s18+$0x2B0]  }
0x124: {  	v0 =	vmax.f32 v0, v4;
	v4 =	vld [tilespmem:s18+$0x330]  }
0x125: {  	v0 =	vmax.f32 v0, v5;
	v5 =	vld [tilespmem:s18+$0x3B0]  }
0x126: {  	v0 =	vmax.f32 v0, v1  }
0x127: {  	v0 =	vmax.f32 v0, v2  }
0x128: {  	v0 =	vmax.f32 v0, v3  }
0x129: {  	v0 =	vmax.f32 v0, v4  }
0x12a: {  	v0 =	vmax.f32 v0, v5  }
0x12b: {  	[tilespmem:s16+$0x1B430] =	vst v0  }
0x12c: {  	v0 =	vld [tilespmem:s18+$0xFFFFFC40]  }
0x12d: {  	v1 =	vld [tilespmem:s18+$0xFFFFFCC0]  }
0x12e: {  	v2 =	vld [tilespmem:s18+$0xFFFFFD40]  }
0x12f: {  	v3 =	vld [tilespmem:s18+$0xFFFFFDC0]  }
0x130: {  	v4 =	vld [tilespmem:s18+$0xFFFFFE40]  }
0x131: {  	v5 =	vld [tilespmem:s18+$0xFFFFFEC0]  }
0x132: {  	v0 =	vmax.f32 v0, v1;
	v1 =	vld [tilespmem:s18+$0xFFFFFF40]  }
0x133: {  	v0 =	vmax.f32 v0, v2;
	v2 =	vld [tilespmem:s18+$0xFFFFFFC0]  }
0x134: {  	v0 =	vmax.f32 v0, v3;
	v3 =	vld [tilespmem:s18+$0x40]  }
0x135: {  	v0 =	vmax.f32 v0, v4;
	v4 =	vld [tilespmem:s18+$0xC0]  }
0x136: {  	v0 =	vmax.f32 v0, v5;
	v5 =	vld [tilespmem:s18+$0x140]  }
0x137: {  	v0 =	vmax.f32 v0, v1;
	v1 =	vld [tilespmem:s18+$0x1C0]  }
0x138: {  	v0 =	vmax.f32 v0, v2;
	v2 =	vld [tilespmem:s18+$0x240]  }
0x139: {  	v0 =	vmax.f32 v0, v3;
	v3 =	vld [tilespmem:s18+$0x2C0]  }
0x13a: {  	v0 =	vmax.f32 v0, v4;
	v4 =	vld [tilespmem:s18+$0x340]  }
0x13b: {  	v0 =	vmax.f32 v0, v5;
	v5 =	vld [tilespmem:s18+$0x3C0]  }
0x13c: {  	v0 =	vmax.f32 v0, v1  }
0x13d: {  	v0 =	vmax.f32 v0, v2  }
0x13e: {  	v0 =	vmax.f32 v0, v3  }
0x13f: {  	v0 =	vmax.f32 v0, v4  }
0x140: {  	v0 =	vmax.f32 v0, v5  }
0x141: {  	[tilespmem:s16+$0x1B440] =	vst v0  }
0x142: {  	v0 =	vld [tilespmem:s18+$0xFFFFFC50]  }
0x143: {  	v1 =	vld [tilespmem:s18+$0xFFFFFCD0]  }
0x144: {  	v2 =	vld [tilespmem:s18+$0xFFFFFD50]  }
0x145: {  	v3 =	vld [tilespmem:s18+$0xFFFFFDD0]  }
0x146: {  	v4 =	vld [tilespmem:s18+$0xFFFFFE50]  }
0x147: {  	v5 =	vld [tilespmem:s18+$0xFFFFFED0]  }
0x148: {  	v0 =	vmax.f32 v0, v1;
	v1 =	vld [tilespmem:s18+$0xFFFFFF50]  }
0x149: {  	v0 =	vmax.f32 v0, v2;
	v2 =	vld [tilespmem:s18+$0xFFFFFFD0]  }
0x14a: {  	v0 =	vmax.f32 v0, v3;
	v3 =	vld [tilespmem:s18+$0x50]  }
0x14b: {  	v0 =	vmax.f32 v0, v4;
	v4 =	vld [tilespmem:s18+$0xD0]  }
0x14c: {  	v0 =	vmax.f32 v0, v5;
	v5 =	vld [tilespmem:s18+$0x150]  }
0x14d: {  	v0 =	vmax.f32 v0, v1;
	v1 =	vld [tilespmem:s18+$0x1D0]  }
0x14e: {  	v0 =	vmax.f32 v0, v2;
	v2 =	vld [tilespmem:s18+$0x250]  }
0x14f: {  	v0 =	vmax.f32 v0, v3;
	v3 =	vld [tilespmem:s18+$0x2D0]  }
0x150: {  	v0 =	vmax.f32 v0, v4;
	v4 =	vld [tilespmem:s18+$0x350]  }
0x151: {  	v0 =	vmax.f32 v0, v5;
	v5 =	vld [tilespmem:s18+$0x3D0]  }
0x152: {  	v0 =	vmax.f32 v0, v1  }
0x153: {  	v0 =	vmax.f32 v0, v2  }
0x154: {  	v0 =	vmax.f32 v0, v3  }
0x155: {  	v0 =	vmax.f32 v0, v4  }
0x156: {  	v0 =	vmax.f32 v0, v5  }
0x157: {  	[tilespmem:s16+$0x1B450] =	vst v0  }
0x158: {  	v0 =	vld [tilespmem:s18+$0xFFFFFC60]  }
0x159: {  	v1 =	vld [tilespmem:s18+$0xFFFFFCE0]  }
0x15a: {  	v2 =	vld [tilespmem:s18+$0xFFFFFD60]  }
0x15b: {  	v3 =	vld [tilespmem:s18+$0xFFFFFDE0]  }
0x15c: {  	v4 =	vld [tilespmem:s18+$0xFFFFFE60]  }
0x15d: {  	v5 =	vld [tilespmem:s18+$0xFFFFFEE0]  }
0x15e: {  	v0 =	vmax.f32 v0, v1;
	v1 =	vld [tilespmem:s18+$0xFFFFFF60]  }
0x15f: {  	v0 =	vmax.f32 v0, v2;
	v2 =	vld [tilespmem:s18+$0xFFFFFFE0]  }
0x160: {  	v0 =	vmax.f32 v0, v3;
	v3 =	vld [tilespmem:s18+$0x60]  }
0x161: {  	v0 =	vmax.f32 v0, v4;
	v4 =	vld [tilespmem:s18+$0xE0]  }
0x162: {  	v0 =	vmax.f32 v0, v5;
	v5 =	vld [tilespmem:s18+$0x160]  }
0x163: {  	v0 =	vmax.f32 v0, v1;
	v1 =	vld [tilespmem:s18+$0x1E0]  }
0x164: {  	v0 =	vmax.f32 v0, v2;
	v2 =	vld [tilespmem:s18+$0x260]  }
0x165: {  	v0 =	vmax.f32 v0, v3;
	v3 =	vld [tilespmem:s18+$0x2E0]  }
0x166: {  	v0 =	vmax.f32 v0, v4;
	v4 =	vld [tilespmem:s18+$0x360]  }
0x167: {  	v0 =	vmax.f32 v0, v5;
	v5 =	vld [tilespmem:s18+$0x3E0]  }
0x168: {  	v0 =	vmax.f32 v0, v1  }
0x169: {  	v0 =	vmax.f32 v0, v2  }
0x16a: {  	v0 =	vmax.f32 v0, v3  }
0x16b: {  	v0 =	vmax.f32 v0, v4  }
0x16c: {  	v0 =	vmax.f32 v0, v5  }
0x16d: {  	[tilespmem:s16+$0x1B460] =	vst v0  }
0x16e: {  	v0 =	vld [tilespmem:s18+$0xFFFFFC70]  }
0x16f: {  	v1 =	vld [tilespmem:s18+$0xFFFFFCF0]  }
0x170: {  	v2 =	vld [tilespmem:s18+$0xFFFFFD70]  }
0x171: {  	v3 =	vld [tilespmem:s18+$0xFFFFFDF0]  }
0x172: {  	v5 =	vld [tilespmem:s18+$0xFFFFFE70]  }
0x173: {  	v6 =	vld [tilespmem:s18+$0xFFFFFEF0]  }
0x174: {  	v0 =	vmax.f32 v0, v1;
	v7 =	vld [tilespmem:s18+$0xFFFFFF70]  }
0x175: {  	v0 =	vmax.f32 v0, v2;
	v8 =	vld [tilespmem:s18+$0xFFFFFFF0]  }
.Ltmp0:
0x176: {  	v0 =	vmax.f32 v0, v3;
	v4 =	vld [tilespmem:s18+$0x70];
	(pc) =	sbr.rel @p0 .LBB2_3-.Ltmp0, $4  }
0x177: {  	v0 =	vmax.f32 v0, v5;
	v1 =	vld [tilespmem:s18+$0xF0]  }
0x178: {  	v0 =	vmax.f32 v0, v6;
	v2 =	vld [tilespmem:s18+$0x170]  }
0x179: {  	v3 =	vmax.f32 v0, v7;
	v0 =	vld [tilespmem:s18+$0x1F0]  }
0x17a: {  	v5 =	vmax.f32 v3, v8;
	v3 =	vld [tilespmem:s18+$0x270]  }
0x17b: {  	v4 =	vmax.f32 v5, v4;
	v5 =	vld [tilespmem:s15+$0x2F0]  }
0x17c: {  	v1 =	vmax.f32 v4, v1;
	v4 =	vld [tilespmem:s15+$0x370]  }
0x17d: {  	v1 =	vmax.f32 v1, v2;
	v2 =	vld [tilespmem:s15+$0x3F0]  }
0x17e: {  	v0 =	vmax.f32 v1, v0  }
0x17f: {  	p0 =	seq.s32 s14, $0x10;
	v0 =	vmax.f32 v0, v3  }
0x180: {  	s15 =	smul.u32 @!p0 $0xC00, s14;
	v0 =	vmax.f32 v0, v5  }
0x181: {  	v0 =	vmax.f32 v0, v4  }
0x182: {  	s15 =	sshra.s32 @!p0 s15, $0x2;
	v0 =	vmax.f32 v0, v2  }
0x183: {  	s17 =	simm.s32 @!p0 $0x80;
	s18 =	simm.s32 @!p0 $0x3400;
	[tilespmem:s16+$0x1B470] =	vst v0;
	s16 =	sadd.s32 @!p0 $0x300, s15  }
0x184: {  	[tilespmem:s18], [sflag:$0x1] =	stream.indirect.gather @!p0 [hbm4b:s1+s17], $0x80, s16, s17, $0xb8;
	[tilespmem:$0x1CC00] =	vst v63  }
0x185: {  	s16 =	sadd.s32 @!p0 $0x380, s15;
	s18 =	simm.s32 @!p0 $0x7400  }
0x186: {  	[tilespmem:s18], [sflag:$0x1] =	stream.indirect.gather @!p0 [hbm4b:s1+s17], $0x80, s16, s17, $0xb8;
	[tilespmem:$0x1CC00] =	vst v63  }
0x187: {  	s19 =	simm.s32 @!p0 $0xB400;
	s18 =	sadd.s32 @!p0 $0x400, s15;
	s16 =	smul.u32 $0x30, s14  }
0x188: {  	[tilespmem:s19], [sflag:$0x1] =	stream.indirect.gather @!p0 [hbm4b:s1+s17], $0x80, s18, s17, $0xb8;
	[tilespmem:$0x1CC00] =	vst v63  }
0x189: {  	s17 =	sadd.s32 s5, s16  }
0x18a: {  	p2 =	slt.s32 s17, $0x61A0;
	s18 =	smov.u32 s17  }
0x18b: {  	s18 =	simm.s32 @!p2 $0x61A0  }
0x18c: {  	s18 =	sshll.u32 s18, $0x4  }
0x18d: {  	s18 =	sadd.s32 s3, s18  }
0x18e: {  	[hbm4b:s18+s4] =	stream.linear.scatter [tilespmem:s24], [sflag:$0x3], $0x400, $0x38;
	[tilespmem:$0x1CC00] =	vst v63  }
0x18f: {  	s18 =	sor.u32 $0x8, s17  }
0x190: {  	p2 =	slt.s32 s18, $0x61A0  }
0x191: {  	s18 =	simm.s32 @!p2 $0x61A0;
	p2 =	slt.s32 s17, $0x6190  }
0x192: {  	s18 =	sshll.u32 s18, $0x4;
	s17 =	simm.s32 @!p2 $0x6190  }
0x193: {  	s18 =	sadd.s32 s3, s18;
	s17 =	sshll.u32 s17, $0x4  }
0x194: {  	[hbm4b:s18+s4] =	stream.linear.scatter [tilespmem:s25], [sflag:$0x3], $0x400, $0x38;
	[tilespmem:$0x1CC00] =	vst v63  }
0x195: {  	s17 =	sadd.s32 s17, s7  }
0x196: {  	[hbm4b:s17+s4] =	stream.linear.scatter [tilespmem:s26], [sflag:$0x3], $0x400, $0x38;
	[tilespmem:$0x1CC00] =	vst v63  }
0x197: {  	_ =	swait.ge [sflag:s28], $0xC000  }
0x198: {  	[sflag:s28] =	ssyncset.done $0x0  }
0x199: {  	s17 =	simm.s32 @!p1 $0x4;
	[sflag:s28] =	ssyncadd.s32 $0xFFFF4000  }
0x19a: {  	_ =	swait.ge @!p1 [sflag:s17], $0xC00  }
0x19b: {  	[sflag:s17] =	ssyncset.done @!p1 $0x0  }
0x19c: {  	[sflag:s17] =	ssyncadd.s32 @!p1 $0xFFFFF400;
	s17 =	simm.s32 $0x0  }
0x19d: {  	v0 =	vld [tilespmem:s17+$0xF400]  }
0x19e: {  	v1 =	vld [tilespmem:s17+$0xF480]  }
0x19f: {  	v2 =	vld [tilespmem:s17+$0xF500]  }
0x1a0: {  	v3 =	vld [tilespmem:s17+$0xF580]  }
0x1a1: {  	v4 =	vld [tilespmem:s17+$0xF600]  }
0x1a2: {  	v5 =	vld [tilespmem:s17+$0xF680]  }
0x1a3: {  	v0 =	vmax.f32 v0, v1;
	v1 =	vld [tilespmem:s17+$0xF700]  }
0x1a4: {  	v0 =	vmax.f32 v0, v2;
	v2 =	vld [tilespmem:s17+$0xF780]  }
0x1a5: {  	v0 =	vmax.f32 v0, v3;
	v3 =	vld [tilespmem:s17+$0xF800]  }
0x1a6: {  	v0 =	vmax.f32 v0, v4;
	v4 =	vld [tilespmem:s17+$0xF880]  }
0x1a7: {  	v0 =	vmax.f32 v0, v5;
	v5 =	vld [tilespmem:s17+$0xF900]  }
0x1a8: {  	v0 =	vmax.f32 v0, v1;
	v1 =	vld [tilespmem:s17+$0xF980]  }
0x1a9: {  	v0 =	vmax.f32 v0, v2;
	v2 =	vld [tilespmem:s17+$0xFA00]  }
0x1aa: {  	v0 =	vmax.f32 v0, v3;
	v3 =	vld [tilespmem:s17+$0xFA80]  }
0x1ab: {  	v0 =	vmax.f32 v0, v4;
	v4 =	vld [tilespmem:s17+$0xFB00]  }
0x1ac: {  	v0 =	vmax.f32 v0, v5;
	v5 =	vld [tilespmem:s17+$0xFB80]  }
0x1ad: {  	v0 =	vmax.f32 v0, v1  }
0x1ae: {  	v0 =	vmax.f32 v0, v2  }
0x1af: {  	v0 =	vmax.f32 v0, v3  }
0x1b0: {  	v0 =	vmax.f32 v0, v4  }
0x1b1: {  	s18 =	simm.s32 $0x1C070;
	v0 =	vmax.f32 v0, v5  }
0x1b2: {  	[tilespmem:s18+$0xFFFFFF90] =	vst v0  }
0x1b3: {  	v0 =	vld [tilespmem:s17+$0xF410]  }
0x1b4: {  	v1 =	vld [tilespmem:s17+$0xF490]  }
0x1b5: {  	v2 =	vld [tilespmem:s17+$0xF510]  }
0x1b6: {  	v3 =	vld [tilespmem:s17+$0xF590]  }
0x1b7: {  	v4 =	vld [tilespmem:s17+$0xF610]  }
0x1b8: {  	v5 =	vld [tilespmem:s17+$0xF690]  }
0x1b9: {  	v0 =	vmax.f32 v0, v1;
	v1 =	vld [tilespmem:s17+$0xF710]  }
0x1ba: {  	v0 =	vmax.f32 v0, v2;
	v2 =	vld [tilespmem:s17+$0xF790]  }
0x1bb: {  	v0 =	vmax.f32 v0, v3;
	v3 =	vld [tilespmem:s17+$0xF810]  }
0x1bc: {  	v0 =	vmax.f32 v0, v4;
	v4 =	vld [tilespmem:s17+$0xF890]  }
0x1bd: {  	v0 =	vmax.f32 v0, v5;
	v5 =	vld [tilespmem:s17+$0xF910]  }
0x1be: {  	v0 =	vmax.f32 v0, v1;
	v1 =	vld [tilespmem:s17+$0xF990]  }
0x1bf: {  	v0 =	vmax.f32 v0, v2;
	v2 =	vld [tilespmem:s17+$0xFA10]  }
0x1c0: {  	v0 =	vmax.f32 v0, v3;
	v3 =	vld [tilespmem:s17+$0xFA90]  }
0x1c1: {  	v0 =	vmax.f32 v0, v4;
	v4 =	vld [tilespmem:s17+$0xFB10]  }
0x1c2: {  	v0 =	vmax.f32 v0, v5;
	v5 =	vld [tilespmem:s17+$0xFB90]  }
0x1c3: {  	v0 =	vmax.f32 v0, v1  }
0x1c4: {  	v0 =	vmax.f32 v0, v2  }
0x1c5: {  	v0 =	vmax.f32 v0, v3  }
0x1c6: {  	v0 =	vmax.f32 v0, v4  }
0x1c7: {  	v0 =	vmax.f32 v0, v5  }
0x1c8: {  	[tilespmem:s18+$0xFFFFFFA0] =	vst v0  }
0x1c9: {  	v0 =	vld [tilespmem:s17+$0xF420]  }
0x1ca: {  	v1 =	vld [tilespmem:s17+$0xF4A0]  }
0x1cb: {  	v2 =	vld [tilespmem:s17+$0xF520]  }
0x1cc: {  	v3 =	vld [tilespmem:s17+$0xF5A0]  }
0x1cd: {  	v4 =	vld [tilespmem:s17+$0xF620]  }
0x1ce: {  	v5 =	vld [tilespmem:s17+$0xF6A0]  }
0x1cf: {  	v0 =	vmax.f32 v0, v1;
	v1 =	vld [tilespmem:s17+$0xF720]  }
0x1d0: {  	v0 =	vmax.f32 v0, v2;
	v2 =	vld [tilespmem:s17+$0xF7A0]  }
0x1d1: {  	v0 =	vmax.f32 v0, v3;
	v3 =	vld [tilespmem:s17+$0xF820]  }
0x1d2: {  	v0 =	vmax.f32 v0, v4;
	v4 =	vld [tilespmem:s17+$0xF8A0]  }
0x1d3: {  	v0 =	vmax.f32 v0, v5;
	v5 =	vld [tilespmem:s17+$0xF920]  }
0x1d4: {  	v0 =	vmax.f32 v0, v1;
	v1 =	vld [tilespmem:s17+$0xF9A0]  }
0x1d5: {  	v0 =	vmax.f32 v0, v2;
	v2 =	vld [tilespmem:s17+$0xFA20]  }
0x1d6: {  	v0 =	vmax.f32 v0, v3;
	v3 =	vld [tilespmem:s17+$0xFAA0]  }
0x1d7: {  	v0 =	vmax.f32 v0, v4;
	v4 =	vld [tilespmem:s17+$0xFB20]  }
0x1d8: {  	v0 =	vmax.f32 v0, v5;
	v5 =	vld [tilespmem:s17+$0xFBA0]  }
0x1d9: {  	v0 =	vmax.f32 v0, v1  }
0x1da: {  	v0 =	vmax.f32 v0, v2  }
0x1db: {  	v0 =	vmax.f32 v0, v3  }
0x1dc: {  	v0 =	vmax.f32 v0, v4  }
0x1dd: {  	v0 =	vmax.f32 v0, v5  }
0x1de: {  	[tilespmem:s18+$0xFFFFFFB0] =	vst v0  }
0x1df: {  	v0 =	vld [tilespmem:s17+$0xF430]  }
0x1e0: {  	v1 =	vld [tilespmem:s17+$0xF4B0]  }
0x1e1: {  	v2 =	vld [tilespmem:s17+$0xF530]  }
0x1e2: {  	v3 =	vld [tilespmem:s17+$0xF5B0]  }
0x1e3: {  	v4 =	vld [tilespmem:s17+$0xF630]  }
0x1e4: {  	v5 =	vld [tilespmem:s17+$0xF6B0]  }
0x1e5: {  	v0 =	vmax.f32 v0, v1;
	v1 =	vld [tilespmem:s17+$0xF730]  }
0x1e6: {  	v0 =	vmax.f32 v0, v2;
	v2 =	vld [tilespmem:s17+$0xF7B0]  }
0x1e7: {  	v0 =	vmax.f32 v0, v3;
	v3 =	vld [tilespmem:s17+$0xF830]  }
0x1e8: {  	v0 =	vmax.f32 v0, v4;
	v4 =	vld [tilespmem:s17+$0xF8B0]  }
0x1e9: {  	v0 =	vmax.f32 v0, v5;
	v5 =	vld [tilespmem:s17+$0xF930]  }
0x1ea: {  	v0 =	vmax.f32 v0, v1;
	v1 =	vld [tilespmem:s17+$0xF9B0]  }
0x1eb: {  	v0 =	vmax.f32 v0, v2;
	v2 =	vld [tilespmem:s17+$0xFA30]  }
0x1ec: {  	v0 =	vmax.f32 v0, v3;
	v3 =	vld [tilespmem:s17+$0xFAB0]  }
0x1ed: {  	v0 =	vmax.f32 v0, v4;
	v4 =	vld [tilespmem:s17+$0xFB30]  }
0x1ee: {  	v0 =	vmax.f32 v0, v5;
	v5 =	vld [tilespmem:s17+$0xFBB0]  }
0x1ef: {  	v0 =	vmax.f32 v0, v1  }
0x1f0: {  	v0 =	vmax.f32 v0, v2  }
0x1f1: {  	v0 =	vmax.f32 v0, v3  }
0x1f2: {  	v0 =	vmax.f32 v0, v4  }
0x1f3: {  	v0 =	vmax.f32 v0, v5  }
0x1f4: {  	[tilespmem:s18+$0xFFFFFFC0] =	vst v0  }
0x1f5: {  	v0 =	vld [tilespmem:s17+$0xF440]  }
0x1f6: {  	v1 =	vld [tilespmem:s17+$0xF4C0]  }
0x1f7: {  	v2 =	vld [tilespmem:s17+$0xF540]  }
0x1f8: {  	v3 =	vld [tilespmem:s17+$0xF5C0]  }
0x1f9: {  	v4 =	vld [tilespmem:s17+$0xF640]  }
0x1fa: {  	v5 =	vld [tilespmem:s17+$0xF6C0]  }
0x1fb: {  	v0 =	vmax.f32 v0, v1;
	v1 =	vld [tilespmem:s17+$0xF740]  }
0x1fc: {  	v0 =	vmax.f32 v0, v2;
	v2 =	vld [tilespmem:s17+$0xF7C0]  }
0x1fd: {  	v0 =	vmax.f32 v0, v3;
	v3 =	vld [tilespmem:s17+$0xF840]  }
0x1fe: {  	v0 =	vmax.f32 v0, v4;
	v4 =	vld [tilespmem:s17+$0xF8C0]  }
0x1ff: {  	v0 =	vmax.f32 v0, v5;
	v5 =	vld [tilespmem:s17+$0xF940]  }
0x200: {  	v0 =	vmax.f32 v0, v1;
	v1 =	vld [tilespmem:s17+$0xF9C0]  }
0x201: {  	v0 =	vmax.f32 v0, v2;
	v2 =	vld [tilespmem:s17+$0xFA40]  }
0x202: {  	v0 =	vmax.f32 v0, v3;
	v3 =	vld [tilespmem:s17+$0xFAC0]  }
0x203: {  	v0 =	vmax.f32 v0, v4;
	v4 =	vld [tilespmem:s17+$0xFB40]  }
0x204: {  	v0 =	vmax.f32 v0, v5;
	v5 =	vld [tilespmem:s17+$0xFBC0]  }
0x205: {  	v0 =	vmax.f32 v0, v1  }
0x206: {  	v0 =	vmax.f32 v0, v2  }
0x207: {  	v0 =	vmax.f32 v0, v3  }
0x208: {  	v0 =	vmax.f32 v0, v4  }
0x209: {  	v0 =	vmax.f32 v0, v5  }
0x20a: {  	[tilespmem:s18+$0xFFFFFFD0] =	vst v0  }
0x20b: {  	v0 =	vld [tilespmem:s17+$0xF4D0]  }
0x20c: {  	v1 =	vld [tilespmem:s17+$0xF450]  }
0x20d: {  	v2 =	vld [tilespmem:s17+$0xF550]  }
0x20e: {  	v3 =	vld [tilespmem:s17+$0xF5D0]  }
0x20f: {  	v4 =	vld [tilespmem:s17+$0xF650]  }
0x210: {  	v5 =	vld [tilespmem:s17+$0xF6D0]  }
0x211: {  	v6 =	vld [tilespmem:s17+$0xF750];
	v0 =	vmax.f32 v1, v0  }
0x212: {  	v1 =	vld [tilespmem:s17+$0xF7D0];
	v0 =	vmax.f32 v0, v2  }
0x213: {  	v2 =	vld [tilespmem:s17+$0xF850];
	v0 =	vmax.f32 v0, v3  }
0x214: {  	v3 =	vld [tilespmem:s17+$0xF8D0];
	v0 =	vmax.f32 v0, v4  }
0x215: {  	v4 =	vld [tilespmem:s17+$0xF950];
	v0 =	vmax.f32 v0, v5  }
0x216: {  	v5 =	vld [tilespmem:s17+$0xF9D0];
	v0 =	vmax.f32 v0, v6  }
0x217: {  	v6 =	vld [tilespmem:s17+$0xFA50];
	v0 =	vmax.f32 v0, v1  }
0x218: {  	v1 =	vld [tilespmem:s17+$0xFAD0];
	v0 =	vmax.f32 v0, v2  }
0x219: {  	v2 =	vld [tilespmem:s17+$0xFB50];
	v0 =	vmax.f32 v0, v3  }
0x21a: {  	v3 =	vld [tilespmem:s17+$0xFBD0];
	v0 =	vmax.f32 v0, v4  }
0x21b: {  	v0 =	vmax.f32 v0, v5  }
0x21c: {  	v0 =	vmax.f32 v0, v6  }
0x21d: {  	v0 =	vmax.f32 v0, v1  }
0x21e: {  	v0 =	vmax.f32 v0, v2  }
0x21f: {  	v0 =	vmax.f32 v0, v3  }
0x220: {  	[tilespmem:s18+$0xFFFFFFE0] =	vst v0  }
0x221: {  	v0 =	vld [tilespmem:s17+$0xF460]  }
0x222: {  	v1 =	vld [tilespmem:s17+$0xF4E0]  }
0x223: {  	v2 =	vld [tilespmem:s17+$0xF560]  }
0x224: {  	v3 =	vld [tilespmem:s17+$0xF5E0]  }
0x225: {  	v4 =	vld [tilespmem:s17+$0xF660]  }
0x226: {  	v5 =	vld [tilespmem:s17+$0xF6E0]  }
0x227: {  	v0 =	vmax.f32 v0, v1;
	v1 =	vld [tilespmem:s17+$0xF760]  }
0x228: {  	v0 =	vmax.f32 v0, v2;
	v2 =	vld [tilespmem:s17+$0xF7E0]  }
0x229: {  	v0 =	vmax.f32 v0, v3;
	v3 =	vld [tilespmem:s17+$0xF860]  }
0x22a: {  	v0 =	vmax.f32 v0, v4;
	v4 =	vld [tilespmem:s17+$0xF8E0]  }
0x22b: {  	v0 =	vmax.f32 v0, v5;
	v5 =	vld [tilespmem:s17+$0xF960]  }
0x22c: {  	v0 =	vmax.f32 v0, v1;
	v1 =	vld [tilespmem:s17+$0xF9E0]  }
0x22d: {  	v0 =	vmax.f32 v0, v2;
	v2 =	vld [tilespmem:s17+$0xFA60]  }
0x22e: {  	v0 =	vmax.f32 v0, v3;
	v3 =	vld [tilespmem:s17+$0xFAE0]  }
0x22f: {  	v0 =	vmax.f32 v0, v4;
	v4 =	vld [tilespmem:s17+$0xFB60]  }
0x230: {  	v0 =	vmax.f32 v0, v5;
	v5 =	vld [tilespmem:s17+$0xFBE0]  }
0x231: {  	v0 =	vmax.f32 v0, v1  }
0x232: {  	v0 =	vmax.f32 v0, v2  }
0x233: {  	v0 =	vmax.f32 v0, v3  }
0x234: {  	v0 =	vmax.f32 v0, v4  }
0x235: {  	v0 =	vmax.f32 v0, v5  }
0x236: {  	[tilespmem:s18+$0xFFFFFFF0] =	vst v0  }
0x237: {  	v0 =	vld [tilespmem:s17+$0xF470]  }
0x238: {  	v1 =	vld [tilespmem:s17+$0xF4F0]  }
0x239: {  	v2 =	vld [tilespmem:s17+$0xF570]  }
0x23a: {  	v3 =	vld [tilespmem:s17+$0xF5F0]  }
0x23b: {  	v5 =	vld [tilespmem:s17+$0xF670]  }
0x23c: {  	v4 =	vld [tilespmem:s17+$0xF6F0]  }
0x23d: {  	v1 =	vmax.f32 v0, v1;
	v0 =	vld [tilespmem:s17+$0xF770]  }
0x23e: {  	v2 =	vmax.f32 v1, v2;
	v1 =	vld [tilespmem:s17+$0xF7F0]  }
0x23f: {  	v3 =	vmax.f32 v2, v3;
	v2 =	vld [tilespmem:s17+$0xF870]  }
0x240: {  	s20 =	simm.s32 $0x2000;
	s19 =	simm.s32 $0x1C070;
	v5 =	vmax.f32 v3, v5;
	v3 =	vld [tilespmem:s17+$0xF8F0]  }
.LBB2_5:
0x241: {  	p1 =	sne.s32 s20, $0x2E000  }
0x242: {  	v4 =	vmax.f32 v5, v4;
	v5 =	vld [tilespmem:s17+$0xF970];
	s18 =	sadd.s32 $0x80, s18;
	s21 =	smov.u32 s20;
	s20 =	sadd.s32 $0x2000, s20  }
0x243: {  	v0 =	vmax.f32 v4, v0;
	v4 =	vld [tilespmem:s17+$0xF9F0]  }
0x244: {  	v0 =	vmax.f32 v0, v1;
	v1 =	vld [tilespmem:s17+$0xFA70]  }
0x245: {  	v0 =	vmax.f32 v0, v2;
	v2 =	vld [tilespmem:s17+$0xFAF0]  }
0x246: {  	v0 =	vmax.f32 v0, v3;
	v3 =	vld [tilespmem:s17+$0xFB70]  }
0x247: {  	v0 =	vmax.f32 v0, v5;
	v5 =	vld [tilespmem:s17+$0xFBF0]  }
0x248: {  	v0 =	vmax.f32 v0, v4  }
0x249: {  	v0 =	vmax.f32 v0, v1  }
0x24a: {  	v0 =	vmax.f32 v0, v2  }
0x24b: {  	s17 =	sshra.s32 s21, $0x2;
	v0 =	vmax.f32 v0, v3  }
0x24c: {  	v0 =	vmax.f32 v0, v5  }
0x24d: {  	[tilespmem:s19+$0x0] =	vst v0;
	s19 =	smov.u32 s18  }
0x24e: {  	v0 =	vld [tilespmem:s17+$0xF400]  }
0x24f: {  	v1 =	vld [tilespmem:s17+$0xF480]  }
0x250: {  	v2 =	vld [tilespmem:s17+$0xF500]  }
0x251: {  	v3 =	vld [tilespmem:s17+$0xF580]  }
0x252: {  	v4 =	vld [tilespmem:s17+$0xF600]  }
0x253: {  	v5 =	vld [tilespmem:s17+$0xF680]  }
0x254: {  	v0 =	vmax.f32 v0, v1;
	v1 =	vld [tilespmem:s17+$0xF700]  }
0x255: {  	v0 =	vmax.f32 v0, v2;
	v2 =	vld [tilespmem:s17+$0xF780]  }
0x256: {  	v0 =	vmax.f32 v0, v3;
	v3 =	vld [tilespmem:s17+$0xF800]  }
0x257: {  	v0 =	vmax.f32 v0, v4;
	v4 =	vld [tilespmem:s17+$0xF880]  }
0x258: {  	v0 =	vmax.f32 v0, v5;
	v5 =	vld [tilespmem:s17+$0xF900]  }
0x259: {  	v0 =	vmax.f32 v0, v1;
	v1 =	vld [tilespmem:s17+$0xF980]  }
0x25a: {  	v0 =	vmax.f32 v0, v2;
	v2 =	vld [tilespmem:s17+$0xFA00]  }
0x25b: {  	v0 =	vmax.f32 v0, v3;
	v3 =	vld [tilespmem:s17+$0xFA80]  }
0x25c: {  	v0 =	vmax.f32 v0, v4;
	v4 =	vld [tilespmem:s17+$0xFB00]  }
0x25d: {  	v0 =	vmax.f32 v0, v5;
	v5 =	vld [tilespmem:s17+$0xFB80]  }
0x25e: {  	v0 =	vmax.f32 v0, v1  }
0x25f: {  	v0 =	vmax.f32 v0, v2  }
0x260: {  	v0 =	vmax.f32 v0, v3  }
0x261: {  	v0 =	vmax.f32 v0, v4  }
0x262: {  	v0 =	vmax.f32 v0, v5  }
0x263: {  	[tilespmem:s18+$0xFFFFFF90] =	vst v0  }
0x264: {  	v0 =	vld [tilespmem:s17+$0xF410]  }
0x265: {  	v1 =	vld [tilespmem:s17+$0xF490]  }
0x266: {  	v2 =	vld [tilespmem:s17+$0xF510]  }
0x267: {  	v3 =	vld [tilespmem:s17+$0xF590]  }
0x268: {  	v4 =	vld [tilespmem:s17+$0xF610]  }
0x269: {  	v5 =	vld [tilespmem:s17+$0xF690]  }
0x26a: {  	v0 =	vmax.f32 v0, v1;
	v1 =	vld [tilespmem:s17+$0xF710]  }
0x26b: {  	v0 =	vmax.f32 v0, v2;
	v2 =	vld [tilespmem:s17+$0xF790]  }
0x26c: {  	v0 =	vmax.f32 v0, v3;
	v3 =	vld [tilespmem:s17+$0xF810]  }
0x26d: {  	v0 =	vmax.f32 v0, v4;
	v4 =	vld [tilespmem:s17+$0xF890]  }
0x26e: {  	v0 =	vmax.f32 v0, v5;
	v5 =	vld [tilespmem:s17+$0xF910]  }
0x26f: {  	v0 =	vmax.f32 v0, v1;
	v1 =	vld [tilespmem:s17+$0xF990]  }
0x270: {  	v0 =	vmax.f32 v0, v2;
	v2 =	vld [tilespmem:s17+$0xFA10]  }
0x271: {  	v0 =	vmax.f32 v0, v3;
	v3 =	vld [tilespmem:s17+$0xFA90]  }
0x272: {  	v0 =	vmax.f32 v0, v4;
	v4 =	vld [tilespmem:s17+$0xFB10]  }
0x273: {  	v0 =	vmax.f32 v0, v5;
	v5 =	vld [tilespmem:s17+$0xFB90]  }
0x274: {  	v0 =	vmax.f32 v0, v1  }
0x275: {  	v0 =	vmax.f32 v0, v2  }
0x276: {  	v0 =	vmax.f32 v0, v3  }
0x277: {  	v0 =	vmax.f32 v0, v4  }
0x278: {  	v0 =	vmax.f32 v0, v5  }
0x279: {  	[tilespmem:s18+$0xFFFFFFA0] =	vst v0  }
0x27a: {  	v0 =	vld [tilespmem:s17+$0xF420]  }
0x27b: {  	v1 =	vld [tilespmem:s17+$0xF4A0]  }
0x27c: {  	v2 =	vld [tilespmem:s17+$0xF520]  }
0x27d: {  	v3 =	vld [tilespmem:s17+$0xF5A0]  }
0x27e: {  	v4 =	vld [tilespmem:s17+$0xF620]  }
0x27f: {  	v5 =	vld [tilespmem:s17+$0xF6A0]  }
0x280: {  	v0 =	vmax.f32 v0, v1;
	v1 =	vld [tilespmem:s17+$0xF720]  }
0x281: {  	v0 =	vmax.f32 v0, v2;
	v2 =	vld [tilespmem:s17+$0xF7A0]  }
0x282: {  	v0 =	vmax.f32 v0, v3;
	v3 =	vld [tilespmem:s17+$0xF820]  }
0x283: {  	v0 =	vmax.f32 v0, v4;
	v4 =	vld [tilespmem:s17+$0xF8A0]  }
0x284: {  	v0 =	vmax.f32 v0, v5;
	v5 =	vld [tilespmem:s17+$0xF920]  }
0x285: {  	v0 =	vmax.f32 v0, v1;
	v1 =	vld [tilespmem:s17+$0xF9A0]  }
0x286: {  	v0 =	vmax.f32 v0, v2;
	v2 =	vld [tilespmem:s17+$0xFA20]  }
0x287: {  	v0 =	vmax.f32 v0, v3;
	v3 =	vld [tilespmem:s17+$0xFAA0]  }
0x288: {  	v0 =	vmax.f32 v0, v4;
	v4 =	vld [tilespmem:s17+$0xFB20]  }
0x289: {  	v0 =	vmax.f32 v0, v5;
	v5 =	vld [tilespmem:s17+$0xFBA0]  }
0x28a: {  	v0 =	vmax.f32 v0, v1  }
0x28b: {  	v0 =	vmax.f32 v0, v2  }
0x28c: {  	v0 =	vmax.f32 v0, v3  }
0x28d: {  	v0 =	vmax.f32 v0, v4  }
0x28e: {  	v0 =	vmax.f32 v0, v5  }
0x28f: {  	[tilespmem:s18+$0xFFFFFFB0] =	vst v0  }
0x290: {  	v0 =	vld [tilespmem:s17+$0xF430]  }
0x291: {  	v1 =	vld [tilespmem:s17+$0xF4B0]  }
0x292: {  	v2 =	vld [tilespmem:s17+$0xF530]  }
0x293: {  	v3 =	vld [tilespmem:s17+$0xF5B0]  }
0x294: {  	v4 =	vld [tilespmem:s17+$0xF630]  }
0x295: {  	v5 =	vld [tilespmem:s17+$0xF6B0]  }
0x296: {  	v0 =	vmax.f32 v0, v1;
	v1 =	vld [tilespmem:s17+$0xF730]  }
0x297: {  	v0 =	vmax.f32 v0, v2;
	v2 =	vld [tilespmem:s17+$0xF7B0]  }
0x298: {  	v0 =	vmax.f32 v0, v3;
	v3 =	vld [tilespmem:s17+$0xF830]  }
0x299: {  	v0 =	vmax.f32 v0, v4;
	v4 =	vld [tilespmem:s17+$0xF8B0]  }
0x29a: {  	v0 =	vmax.f32 v0, v5;
	v5 =	vld [tilespmem:s17+$0xF930]  }
0x29b: {  	v0 =	vmax.f32 v0, v1;
	v1 =	vld [tilespmem:s17+$0xF9B0]  }
0x29c: {  	v0 =	vmax.f32 v0, v2;
	v2 =	vld [tilespmem:s17+$0xFA30]  }
0x29d: {  	v0 =	vmax.f32 v0, v3;
	v3 =	vld [tilespmem:s17+$0xFAB0]  }
0x29e: {  	v0 =	vmax.f32 v0, v4;
	v4 =	vld [tilespmem:s17+$0xFB30]  }
0x29f: {  	v0 =	vmax.f32 v0, v5;
	v5 =	vld [tilespmem:s17+$0xFBB0]  }
0x2a0: {  	v0 =	vmax.f32 v0, v1  }
0x2a1: {  	v0 =	vmax.f32 v0, v2  }
0x2a2: {  	v0 =	vmax.f32 v0, v3  }
0x2a3: {  	v0 =	vmax.f32 v0, v4  }
0x2a4: {  	v0 =	vmax.f32 v0, v5  }
0x2a5: {  	[tilespmem:s18+$0xFFFFFFC0] =	vst v0  }
0x2a6: {  	v0 =	vld [tilespmem:s17+$0xF440]  }
0x2a7: {  	v1 =	vld [tilespmem:s17+$0xF4C0]  }
0x2a8: {  	v2 =	vld [tilespmem:s17+$0xF540]  }
0x2a9: {  	v3 =	vld [tilespmem:s17+$0xF5C0]  }
0x2aa: {  	v4 =	vld [tilespmem:s17+$0xF640]  }
0x2ab: {  	v5 =	vld [tilespmem:s17+$0xF6C0]  }
0x2ac: {  	v0 =	vmax.f32 v0, v1;
	v1 =	vld [tilespmem:s17+$0xF740]  }
0x2ad: {  	v0 =	vmax.f32 v0, v2;
	v2 =	vld [tilespmem:s17+$0xF7C0]  }
0x2ae: {  	v0 =	vmax.f32 v0, v3;
	v3 =	vld [tilespmem:s17+$0xF840]  }
0x2af: {  	v0 =	vmax.f32 v0, v4;
	v4 =	vld [tilespmem:s17+$0xF8C0]  }
0x2b0: {  	v0 =	vmax.f32 v0, v5;
	v5 =	vld [tilespmem:s17+$0xF940]  }
0x2b1: {  	v0 =	vmax.f32 v0, v1;
	v1 =	vld [tilespmem:s17+$0xF9C0]  }
0x2b2: {  	v0 =	vmax.f32 v0, v2;
	v2 =	vld [tilespmem:s17+$0xFA40]  }
0x2b3: {  	v0 =	vmax.f32 v0, v3;
	v3 =	vld [tilespmem:s17+$0xFAC0]  }
0x2b4: {  	v0 =	vmax.f32 v0, v4;
	v4 =	vld [tilespmem:s17+$0xFB40]  }
0x2b5: {  	v0 =	vmax.f32 v0, v5;
	v5 =	vld [tilespmem:s17+$0xFBC0]  }
0x2b6: {  	v0 =	vmax.f32 v0, v1  }
0x2b7: {  	v0 =	vmax.f32 v0, v2  }
0x2b8: {  	v0 =	vmax.f32 v0, v3  }
0x2b9: {  	v0 =	vmax.f32 v0, v4  }
0x2ba: {  	v0 =	vmax.f32 v0, v5  }
0x2bb: {  	[tilespmem:s18+$0xFFFFFFD0] =	vst v0  }
0x2bc: {  	v0 =	vld [tilespmem:s17+$0xF550]  }
0x2bd: {  	v1 =	vld [tilespmem:s17+$0xF4D0]  }
0x2be: {  	v2 =	vld [tilespmem:s17+$0xF450]  }
0x2bf: {  	v3 =	vld [tilespmem:s17+$0xF5D0]  }
0x2c0: {  	v4 =	vld [tilespmem:s17+$0xF6D0]  }
0x2c1: {  	v5 =	vld [tilespmem:s17+$0xF650]  }
0x2c2: {  	v6 =	vld [tilespmem:s17+$0xF750]  }
0x2c3: {  	v1 =	vmax.f32 v2, v1;
	v2 =	vld [tilespmem:s17+$0xF7D0]  }
0x2c4: {  	v0 =	vmax.f32 v1, v0;
	v1 =	vld [tilespmem:s17+$0xF850]  }
0x2c5: {  	v0 =	vmax.f32 v0, v3;
	v3 =	vld [tilespmem:s17+$0xF8D0]  }
0x2c6: {  	v0 =	vmax.f32 v0, v5;
	v5 =	vld [tilespmem:s17+$0xF950]  }
0x2c7: {  	v0 =	vmax.f32 v0, v4;
	v4 =	vld [tilespmem:s17+$0xF9D0]  }
0x2c8: {  	v0 =	vmax.f32 v0, v6;
	v6 =	vld [tilespmem:s17+$0xFA50]  }
0x2c9: {  	v0 =	vmax.f32 v0, v2;
	v2 =	vld [tilespmem:s17+$0xFAD0]  }
0x2ca: {  	v0 =	vmax.f32 v0, v1;
	v1 =	vld [tilespmem:s17+$0xFB50]  }
0x2cb: {  	v0 =	vmax.f32 v0, v3;
	v3 =	vld [tilespmem:s17+$0xFBD0]  }
0x2cc: {  	v0 =	vmax.f32 v0, v5  }
0x2cd: {  	v0 =	vmax.f32 v0, v4  }
0x2ce: {  	v0 =	vmax.f32 v0, v6  }
0x2cf: {  	v0 =	vmax.f32 v0, v2  }
0x2d0: {  	v0 =	vmax.f32 v0, v1  }
0x2d1: {  	v0 =	vmax.f32 v0, v3  }
0x2d2: {  	[tilespmem:s18+$0xFFFFFFE0] =	vst v0  }
0x2d3: {  	v0 =	vld [tilespmem:s17+$0xF460]  }
0x2d4: {  	v1 =	vld [tilespmem:s17+$0xF4E0]  }
0x2d5: {  	v2 =	vld [tilespmem:s17+$0xF560]  }
0x2d6: {  	v3 =	vld [tilespmem:s17+$0xF5E0]  }
0x2d7: {  	v4 =	vld [tilespmem:s17+$0xF660]  }
0x2d8: {  	v5 =	vld [tilespmem:s17+$0xF6E0]  }
0x2d9: {  	v0 =	vmax.f32 v0, v1;
	v1 =	vld [tilespmem:s17+$0xF760]  }
0x2da: {  	v0 =	vmax.f32 v0, v2;
	v2 =	vld [tilespmem:s17+$0xF7E0]  }
0x2db: {  	v0 =	vmax.f32 v0, v3;
	v3 =	vld [tilespmem:s17+$0xF860]  }
0x2dc: {  	v0 =	vmax.f32 v0, v4;
	v4 =	vld [tilespmem:s17+$0xF8E0]  }
0x2dd: {  	v0 =	vmax.f32 v0, v5;
	v5 =	vld [tilespmem:s17+$0xF960]  }
0x2de: {  	v0 =	vmax.f32 v0, v1;
	v1 =	vld [tilespmem:s17+$0xF9E0]  }
0x2df: {  	v0 =	vmax.f32 v0, v2;
	v2 =	vld [tilespmem:s17+$0xFA60]  }
0x2e0: {  	v0 =	vmax.f32 v0, v3;
	v3 =	vld [tilespmem:s17+$0xFAE0]  }
0x2e1: {  	v0 =	vmax.f32 v0, v4;
	v4 =	vld [tilespmem:s17+$0xFB60]  }
0x2e2: {  	v0 =	vmax.f32 v0, v5;
	v5 =	vld [tilespmem:s17+$0xFBE0]  }
0x2e3: {  	v0 =	vmax.f32 v0, v1  }
0x2e4: {  	v0 =	vmax.f32 v0, v2  }
0x2e5: {  	v0 =	vmax.f32 v0, v3  }
0x2e6: {  	v0 =	vmax.f32 v0, v4  }
0x2e7: {  	v0 =	vmax.f32 v0, v5  }
0x2e8: {  	[tilespmem:s18+$0xFFFFFFF0] =	vst v0  }
0x2e9: {  	v0 =	vld [tilespmem:s17+$0xF470]  }
0x2ea: {  	v1 =	vld [tilespmem:s17+$0xF4F0]  }
0x2eb: {  	v2 =	vld [tilespmem:s17+$0xF570]  }
0x2ec: {  	v3 =	vld [tilespmem:s17+$0xF5F0]  }
0x2ed: {  	v5 =	vld [tilespmem:s17+$0xF670]  }
.Ltmp1:
0x2ee: {  	v4 =	vld [tilespmem:s17+$0xF6F0];
	(pc) =	sbr.rel @p1 .LBB2_5-.Ltmp1, $4  }
0x2ef: {  	v1 =	vmax.f32 v0, v1;
	v0 =	vld [tilespmem:s17+$0xF770]  }
0x2f0: {  	v2 =	vmax.f32 v1, v2;
	v1 =	vld [tilespmem:s17+$0xF7F0]  }
0x2f1: {  	v3 =	vmax.f32 v2, v3;
	v2 =	vld [tilespmem:s17+$0xF870]  }
0x2f2: {  	v5 =	vmax.f32 v3, v5;
	v3 =	vld [tilespmem:s17+$0xF8F0]  }
0x2f3: {  	v4 =	vmax.f32 v5, v4;
	v58 =	vld [tilespmem:s17+$0xF970]  }
0x2f4: {  	v59 =	vld [tilespmem:s17+$0xF9F0];
	v0 =	vmax.f32 v4, v0  }
0x2f5: {  	v60 =	vld [tilespmem:s17+$0xFA70];
	v0 =	vmax.f32 v0, v1  }
0x2f6: {  	v61 =	vld [tilespmem:s17+$0xFAF0];
	v0 =	vmax.f32 v0, v2  }
0x2f7: {  	v62 =	vld [tilespmem:s17+$0xFB70];
	v0 =	vmax.f32 v0, v3  }
0x2f8: {  	v63 =	vld [tilespmem:s17+$0xFBF0];
	v0 =	vmax.f32 v0, v58  }
0x2f9: {  	v0 =	vmax.f32 v0, v59  }
0x2fa: {  	v0 =	vmax.f32 v0, v60  }
0x2fb: {  	v0 =	vmax.f32 v0, v61  }
0x2fc: {  	v0 =	vmax.f32 v0, v62  }
0x2fd: {  	v0 =	vmax.f32 v0, v63  }
0x2fe: {  	s17 =	sadd.s32 @!p0 $0x480, s15;
	s18 =	simm.s32 @!p0 $0x80;
	[tilespmem:s19+$0x0] =	vst v0;
	s19 =	simm.s32 @!p0 $0xF400  }
0x2ff: {  	[tilespmem:s19], [sflag:$0x2] =	stream.indirect.gather @!p0 [hbm4b:s1+s18], $0x80, s17, s18, $0xb8;
	[tilespmem:$0x1CC00] =	vst v63  }
0x300: {  	s17 =	sadd.s32 @!p0 $0x500, s15;
	s19 =	simm.s32 @!p0 $0x13400  }
0x301: {  	[tilespmem:s19], [sflag:$0x2] =	stream.indirect.gather @!p0 [hbm4b:s1+s18], $0x80, s17, s18, $0xb8;
	[tilespmem:$0x1CC00] =	vst v63  }
0x302: {  	s15 =	sadd.s32 @!p0 $0x580, s15;
	s17 =	simm.s32 @!p0 $0x17400  }
0x303: {  	[tilespmem:s17], [sflag:$0x2] =	stream.indirect.gather @!p0 [hbm4b:s1+s18], $0x80, s15, s18, $0xb8;
	[tilespmem:$0x1CC00] =	vst v63  }
0x304: {  	s15 =	sadd.s32 s16, s8  }
0x305: {  	p0 =	slt.s32 s15, $0x61A0;
	s16 =	smov.u32 s15  }
0x306: {  	s16 =	simm.s32 @!p0 $0x61A0  }
0x307: {  	s16 =	sshll.u32 s16, $0x4  }
0x308: {  	s16 =	sadd.s32 s3, s16  }
0x309: {  	[hbm4b:s16+s4] =	stream.linear.scatter [tilespmem:s29], [sflag:$0x4], $0x400, $0x38;
	[tilespmem:$0x1CC00] =	vst v63  }
0x30a: {  	p0 =	slt.s32 s15, $0x6198;
	s16 =	smov.u32 s15  }
0x30b: {  	s14 =	sadd.s32 $0x1, s14;
	s16 =	simm.s32 @!p0 $0x6198;
	p0 =	slt.s32 s15, $0x6190  }
0x30c: {  	s15 =	simm.s32 @!p0 $0x6190;
	p0 =	sne.s32 s14, $0x11  }
.Ltmp2:
0x30d: {  	s16 =	sshll.u32 s16, $0x4;
	(pc) =	sbr.rel @p0 .LBB2_2-.Ltmp2, $4  }
0x30e: {  	s16 =	sadd.s32 s16, s9;
	s15 =	sshll.u32 s15, $0x4  }
0x30f: {  	[hbm4b:s16+s4] =	stream.linear.scatter [tilespmem:s30], [sflag:$0x4], $0x400, $0x38;
	[tilespmem:$0x1CC00] =	vst v63  }
0x310: {  	s15 =	sadd.s32 s15, s7  }
0x311: {  	[hbm4b:s15+s4] =	stream.linear.scatter [tilespmem:s31], [sflag:$0x4], $0x400, $0x38;
	[tilespmem:$0x1CC00] =	vst v63  }
0x312: {  	s13 =	sadd.s32 $0x1, s13  }
0x313: {  	_ =	swait.ge [sflag:s2], $0xC00;
	p0 =	sne.s32 s13, s10  }
.Ltmp3:
0x314: {  	[sflag:s2] =	ssyncset.done $0x0;
	(pc) =	sbr.rel @p0 .LBB2_1-.Ltmp3, $4  }
0x315: {  	[sflag:s2] =	ssyncadd.s32 $0xFFFFF400  }
0x316: {  	_ =	swait.ge [sflag:s0], $0xC00  }
0x317: {  	[sflag:s0] =	ssyncset.done $0x0  }
0x318: {  	[sflag:s0] =	ssyncadd.s32 $0xFFFFF400  }
0x319: {  	_ =	sfence.sel $0x180000  }
0x31a: {  	[bflag:$0x0] =	sbarrier.arrive $0xFFFF  }
0x31b: {  	_ =	strace $0x90000047  }
0x31c: {  	s0 =	stileid.u32;
	[bflag:$0x2] =	sbarrier.arrive $0xFFFF  }
0x31d: {  	p0 =	sne.s32 s0, $0x0;
	s0 =	rddreg [dreg:$0x3]  }
0x31e: {  	s0 =	sadd.s32 @!p0 $0x100000, s0  }
0x31f: {  	[sflag:s0] =	ssyncadd.tile.s32 @!p0 $0x1;
	_ =	shalt  }
.Lfunc_end2:
_tile_overlayer_lowered:
.L_overlay_start_2:
0x320: {  	(tag) =	ssettag $0x2  }
0x321: {  	s0 =	rddreg [dreg:$0x0];
	s2 =	stileid.u32  }
0x322: {  	s1 =	rddreg [dreg:$0x1];
	p0 =	sne.s32 s2, $0x0  }
0x323: {  	s3 =	rddreg [dreg:$0x2];
	[bflag:$0x3] =	sbarrier.arrive $0xFFFF;
	s2 =	simm.s32 @!p0 $0x1C05  }
0x324: {  	[timem:s3], [sflag:s2] =	dma.local @!p0 [hbm:s0], s1  }
0x325: {  	s0 =	simm.s32 @!p0 $0x5  }
0x326: {  	_ =	swait.ge @!p0 [sflag:s0], s1  }
0x327: {  	s1 =	ssub.s32 @!p0 $0x0, s1;
	[sflag:s0] =	ssyncset.done @!p0 $0x0  }
0x328: {  	[sflag:s0] =	ssyncadd.s32 @!p0 s1  }
0x329: {  	[bflag:$0x3] =	sbarrier.arrive $0xFFFF  }
0x32a: {  	_ =	shalt  }

</sc_bundles>
